<compile_context>
chip_gen: v7x
topology: tpu7x:2x2x1
jax: 0.10.2.dev20260603
libtpu: 0.0.44.dev20260713+nightly
codegen_flags: <defaults>
</compile_context>

<pallas_src>
import functools

import jax
import jax.numpy as jnp
from jax import lax
from jax.experimental import pallas as pl
from jax.experimental.pallas import tpu as pltpu
from jax.experimental.pallas import tpu_sc as plsc

B = 1600000
N = 1048576
SR = 48000.0
FB = 0.1
NW = 32
PER_TILE = N // NW
SB = 4096
NSB = PER_TILE // SB
GCH = 1024
NG = SB // GCH
DMAX = 240000
HALF = N // 2

RND = 16 * SB
SPW = DMAX + HALF + 16
PA = DMAX + 2 * RND
SH_A = DMAX // 16
SH_B = 2 * RND // 16
SH_C = PA // 16
C1_SRC = HALF - DMAX
SCH = 4096
TAIL = B - N
TAIL_PER = TAIL // NW

_mesh = plsc.VectorSubcoreMesh(core_axis_name="c", subcore_axis_name="s")


def _chunks(total):
    out, off = [], 0
    while off < total:
        sz = min(SCH, total - off)
        out.append((off, sz))
        off += sz
    return out


@functools.partial(
    pl.kernel,
    out_type=[
        jax.ShapeDtypeStruct((N,), jnp.float32),
        jax.ShapeDtypeStruct((B,), jnp.float32),
    ],
    mesh=_mesh,
    scratch_types=[
        pltpu.VMEM_SHARED((SPW,), jnp.float32),
        pltpu.VMEM((SB,), jnp.float32),
        pltpu.VMEM((SB,), jnp.float32),
        pltpu.VMEM((SB,), jnp.float32),
        pltpu.VMEM((SB,), jnp.float32),
        pltpu.VMEM((SB,), jnp.int32),
        pltpu.VMEM((SB,), jnp.int32),
        pltpu.VMEM((SB,), jnp.int32),
        pltpu.VMEM((SB,), jnp.int32),
        pltpu.VMEM((SB,), jnp.float32),
        pltpu.VMEM((SB,), jnp.float32),
        pltpu.VMEM((SB,), jnp.float32),
        pltpu.VMEM((SB,), jnp.float32),
        pltpu.VMEM((SB,), jnp.float32),
        pltpu.VMEM((SB,), jnp.float32),
        pltpu.SemaphoreType.DMA,
        pltpu.SemaphoreType.DMA,
        pltpu.SemaphoreType.DMA,
        pltpu.SemaphoreType.DMA,
        pltpu.SemaphoreType.DMA,
        pltpu.VMEM((SB,), jnp.float32),
        pltpu.VMEM((SB,), jnp.float32),
        pltpu.SemaphoreType.DMA,
        pltpu.SemaphoreType.DMA,
        pltpu.SemaphoreType.DMA,
        pltpu.SemaphoreType.DMA,
        pltpu.SemaphoreType.DMA,
    ],
)
def _vdelay(buf_hbm, samples_hbm, ds_hbm, delayed_hbm, newbuf_hbm,
            spmem, ds_a, ds_b, samp_a, samp_b, idx1_a, idx1_b,
            idx2_a, idx2_b, tap1_a, tap1_b, tap2_a, tap2_b,
            newv_a, newv_b, sem_in, sem_ga, sem_gb, sem_oa, sem_ob,
            sbn_a, sbn_b, sem_sx, sem_sy, sem_sz, sem_sga, sem_sgb):
    cid = lax.axis_index("c")
    sid = lax.axis_index("s")
    wid = cid * 16 + sid

    sbufs = [(tap1_a, sem_sx), (tap1_b, sem_sy), (tap2_a, sem_sz)]

    def ring3(src_ref, chunks):

        def c_in(ci, wait):
            buf, sem = sbufs[ci % 3]
            s, _, _, sz = chunks[ci]
            cp = pltpu.make_async_copy(src_ref.at[pl.ds(s, sz)],
                                       buf.at[pl.ds(0, sz)], sem)
            cp.wait() if wait else cp.start()

        def c_out(ci, wait):
            buf, sem = sbufs[ci % 3]
            _, dref, d, sz = chunks[ci]
            cp = pltpu.make_async_copy(buf.at[pl.ds(0, sz)],
                                       dref.at[pl.ds(d, sz)], sem)
            cp.wait() if wait else cp.start()

        nc = len(chunks)
        for ci in range(min(3, nc)):
            c_in(ci, False)
        for ci in range(nc):
            c_in(ci, True)
            c_out(ci, False)
            c_out(ci, True)
            if ci + 3 < nc:
                c_in(ci + 3, False)

    toff = N + wid * TAIL_PER
    tail_chunks = [(toff + o, newbuf_hbm, toff + o, z)
                   for o, z in _chunks(TAIL_PER)]

    def _merge(a, b):
        out = []
        for i in range(max(len(a), len(b))):
            if i < len(a):
                out.append(a[i])
            if i < len(b):
                out.append(b[i])
        return out

    @pl.when(cid == 0)
    def _():
        a_s = (B - DMAX) + sid * SH_A
        a_d = sid * SH_A
        b_s = sid * SH_B
        b_d = DMAX + sid * SH_B
        ring3(buf_hbm, _merge(
            [(a_s + o, spmem, a_d + o, z) for o, z in _chunks(SH_A)]
            + [(b_s + o, spmem, b_d + o, z) for o, z in _chunks(SH_B)],
            tail_chunks))

    @pl.when(cid == 1)
    def _():
        c_s = C1_SRC + sid * SH_C
        c_d = sid * SH_C
        ring3(buf_hbm, _merge(
            [(c_s + o, spmem, c_d + o, z) for o, z in _chunks(SH_C)],
            tail_chunks))

    @pl.when(sid == 15)
    def _():
        ps = jnp.where(cid == 0, jnp.int32(PA - DMAX), jnp.int32(C1_SRC + PA))
        pltpu.sync_copy(buf_hbm.at[pl.ds(ps, 16)], sbn_a.at[pl.ds(0, 16)])
        pltpu.sync_copy(sbn_a.at[pl.ds(0, 16)],
                        spmem.at[pl.ds(PA, 16)])

    plsc.subcore_barrier()

    segbufs = [(sbn_a, sem_sga), (sbn_b, sem_sgb)]

    def seg_src(s):
        j = DMAX + s * RND + 16 + sid * SB
        return jnp.where(cid == 0, j - DMAX, C1_SRC + j)

    def seg_in(s, sp, wait):
        buf, sem = segbufs[sp]
        cp = pltpu.make_async_copy(buf_hbm.at[pl.ds(seg_src(s), SB)],
                                   buf, sem)
        cp.wait() if wait else cp.start()

    def seg_out(s, sp, wait):
        buf, sem = segbufs[sp]
        d = DMAX + s * RND + 16 + sid * SB
        cp = pltpu.make_async_copy(buf, spmem.at[pl.ds(d, SB)], sem)
        cp.wait() if wait else cp.start()

    sub_off = jnp.where(cid == 0, jnp.int32(B - DMAX),
                        jnp.int32(C1_SRC))
    thr = jnp.where(cid == 0, jnp.int32(B - DMAX), jnp.int32(0))

    iota = jnp.arange(16, dtype=jnp.int32)
    sc_base = cid * HALF + sid * SB

    def blk(k):
        return sc_base + k * RND

    bufs = [
        (ds_a, samp_a, idx1_a, idx2_a, tap1_a, tap2_a, newv_a,
         sem_ga, sem_oa),
        (ds_b, samp_b, idx1_b, idx2_b, tap1_b, tap2_b, newv_b,
         sem_gb, sem_ob),
    ]

    def start_in(k, p):
        ds_v, samp_v = bufs[p][0], bufs[p][1]
        base = blk(k)
        pltpu.async_copy(ds_hbm.at[pl.ds(base, SB)], ds_v, sem_in)
        pltpu.async_copy(samples_hbm.at[pl.ds(base, SB)], samp_v, sem_in)

    def wait_in(k, p):
        ds_v, samp_v = bufs[p][0], bufs[p][1]
        base = blk(k)
        pltpu.make_async_copy(ds_hbm.at[pl.ds(base, SB)], ds_v,
                              sem_in).wait()
        pltpu.make_async_copy(samples_hbm.at[pl.ds(base, SB)], samp_v,
                              sem_in).wait()

    def half(k, p):
        ds_v, samp_v, idx1_v, idx2_v, tap1_v, tap2_v, newv_v, sem_g, \
            sem_o = bufs[p]
        dso_v, sampo_v, idx1o_v, idx2o_v, tap1o_v, tap2o_v, newvo_v, \
            sem_go, sem_oo = bufs[1 - p]
        base = blk(k)

        @pl.when(jnp.logical_and(k >= 2, k < NSB))
        def _():
            seg_out(k, p, True)

        @pl.when(jnp.logical_and(k >= 2, k <= NSB))
        def _():
            plsc.subcore_barrier()

        @pl.when(k < NSB)
        def _():
            wait_in(k, p)
            posf0 = (base + iota).astype(jnp.float32)

            @plsc.parallel_loop(0, SB // 16, unroll=4, carry=posf0)
            def idx_body(j, posf):
                sl = pl.ds(j * 16, 16)
                x = posf - ds_v[sl] * jnp.float32(SR)
                rf = jnp.where(x < jnp.float32(0.0), x + jnp.float32(B), x)
                i1 = rf.astype(jnp.int32)
                fr = rf - i1.astype(jnp.float32)
                i1c = jnp.minimum(i1, B - 1)
                j1 = i1c - sub_off + jnp.where(i1c < thr, jnp.int32(B),
                                               jnp.int32(0))
                idx1_v[sl] = j1
                idx2_v[sl] = j1 + 1
                ds_v[sl] = fr
                return posf + jnp.float32(16.0)

            @pl.when(k >= 2)
            def _():
                obase = blk(k - 2)
                pltpu.make_async_copy(
                    tap1_v, delayed_hbm.at[pl.ds(obase, SB)], sem_o).wait()
                pltpu.make_async_copy(
                    newv_v, newbuf_hbm.at[pl.ds(obase, SB)], sem_o).wait()

            for j in range(NG):
                gsl = pl.ds(j * GCH, GCH)
                pltpu.async_copy(spmem.at[idx1_v.at[gsl]], tap1_v.at[gsl],
                                 sem_g)
                pltpu.async_copy(spmem.at[idx2_v.at[gsl]], tap2_v.at[gsl],
                                 sem_g)

        @pl.when(jnp.logical_and(k >= 1, k <= NSB))
        def _():
            pltpu.make_async_copy(ds_hbm.at[pl.ds(0, SB)], tap1o_v,
                                  sem_go).wait()
            pltpu.make_async_copy(ds_hbm.at[pl.ds(0, SB)], tap2o_v,
                                  sem_go).wait()

            @plsc.parallel_loop(0, SB // 16, unroll=4)
            def mix_body(j):
                sl = pl.ds(j * 16, 16)
                fr = dso_v[sl]
                d = (tap1o_v[sl] * (jnp.float32(1.0) - fr)
                     + tap2o_v[sl] * fr)
                tap1o_v[sl] = d
                newvo_v[sl] = sampo_v[sl] + d * jnp.float32(FB)

            obase = blk(k - 1)
            pltpu.async_copy(tap1o_v, delayed_hbm.at[pl.ds(obase, SB)],
                             sem_oo)
            pltpu.async_copy(newvo_v, newbuf_hbm.at[pl.ds(obase, SB)],
                             sem_oo)

            @pl.when(k + 1 < NSB)
            def _():
                start_in(k + 1, 1 - p)

        @pl.when(jnp.logical_and(k + 2 >= 2, k + 2 < NSB))
        def _():
            seg_in(k + 2, p, False)

        @pl.when(jnp.logical_and(k + 1 >= 2, k + 1 < NSB))
        def _():
            seg_in(k + 1, 1 - p, True)
            seg_out(k + 1, 1 - p, False)

    start_in(0, 0)
    start_in(1, 1)

    def pair(i, c):
        half(2 * i, 0)
        half(2 * i + 1, 1)
        return c

    lax.fori_loop(0, NSB // 2 + 1, pair, 0)

    for kk in (NSB - 2, NSB - 1):
        p = kk % 2
        tap1_v, newv_v, sem_o = bufs[p][4], bufs[p][6], bufs[p][8]
        obase = blk(kk)
        pltpu.make_async_copy(tap1_v, delayed_hbm.at[pl.ds(obase, SB)],
                              sem_o).wait()
        pltpu.make_async_copy(newv_v, newbuf_hbm.at[pl.ds(obase, SB)],
                              sem_o).wait()



def kernel(delay_buffer, samples, delay_seconds, write_head, sample_rate):
    delayed, new_buf = _vdelay(delay_buffer, samples, delay_seconds)
    new_write_head = jnp.asarray((write_head + N) % B, dtype=jnp.int32)
    return delayed, new_buf, new_write_head

# --- scband reference (transcript-rebuilt; emitter-appended) ---
"""Pipeline reference for scband-variable-delay-6210522710249 (READ-ONLY COPY).

The authoritative reference and input builder live on the scoring server;
editing this copy changes nothing except your own understanding.
"""

import jax, jax.numpy as jnp
import numpy as np

MAX_SECONDS = 5.0
MAX_SAMPLE_RATE = 320000.0
FEEDBACK = 0.1


def setup_inputs(seed: int = 0) -> dict:
    key = jax.random.key(seed)
    k1, k2, k3 = jax.random.split(key, 3)
    buffer_size = int(MAX_SAMPLE_RATE * MAX_SECONDS)  # 1,600,000
    n = 1048576
    delay_buffer = jax.random.normal(k1, (buffer_size,), dtype=jnp.float32)
    samples = jax.random.normal(k2, (n,), dtype=jnp.float32)
    # delay in seconds, uniform in [0, max_seconds)
    delay_seconds = jax.random.uniform(k3, (n,), dtype=jnp.float32) * MAX_SECONDS
    return {
        "delay_buffer": delay_buffer,
        "samples": samples,
        "delay_seconds": delay_seconds,
        "write_head": 0,
        "sample_rate": 48000,
    }


def reference(delay_buffer, samples, delay_seconds, write_head, sample_rate):
    """Vectorized block-processing of the VariableDelay line.

    For each sample n in the block: the write head is (write_head0 + n) % B.
    read(): read_head_float = (write_head_n - delay_seconds[n]*sample_rate) % B,
            gather two taps and linearly interpolate.
    write(): scatter (sample + delayed*feedback) at write_head_n (overwrite).
    """
    buffer_size = delay_buffer.shape[0]
    n = samples.shape[0]
    write_positions = (write_head + jnp.arange(n, dtype=jnp.int32)) % buffer_size
    delay_length = delay_seconds * jnp.float32(sample_rate)
    read_head_float = (write_positions.astype(jnp.float32) - delay_length) % jnp.float32(buffer_size)
    read_head_idx1 = jnp.floor(read_head_float).astype(jnp.int32)
    read_head_idx2 = (read_head_idx1 + 1) % buffer_size
    interpolation_frac = read_head_float - jnp.floor(read_head_float)
    delayed = (delay_buffer[read_head_idx1] * (1.0 - interpolation_frac)
               + delay_buffer[read_head_idx2] * interpolation_frac)
    # scatter-overwrite of the new samples (feedback mix) into the circular buffer
    new_delay_buffer = delay_buffer.at[write_positions].set(samples + delayed * FEEDBACK)
    new_write_head = jnp.asarray((write_head + n) % buffer_size, dtype=jnp.int32)
    return delayed, new_delay_buffer, new_write_head

if __name__ == "__main__":
    import jax
    _d = setup_inputs()
    print(jax.jit(kernel)(*tuple(_d.values())))

</pallas_src>

<mosaic_0001>
#map = affine_map<(d0, d1) -> (0)>
module attributes {stable_mosaic.version = 14 : i64} {
  func.func @_vdelay(%arg0: i32, %arg1: i32, %arg2: memref<1600000xf32, #tpu.memory_space<hbm>>, %arg3: memref<1048576xf32, #tpu.memory_space<hbm>>, %arg4: memref<1048576xf32, #tpu.memory_space<hbm>>, %arg5: memref<1048576xf32, #tpu.memory_space<hbm>>, %arg6: memref<1600000xf32, #tpu.memory_space<hbm>>, %arg7: memref<764304xf32, #tpu.memory_space<vmem_shared>>, %arg8: memref<4096xf32, #tpu.memory_space<vmem>>, %arg9: memref<4096xf32, #tpu.memory_space<vmem>>, %arg10: memref<4096xf32, #tpu.memory_space<vmem>>, %arg11: memref<4096xf32, #tpu.memory_space<vmem>>, %arg12: memref<4096xi32, #tpu.memory_space<vmem>>, %arg13: memref<4096xi32, #tpu.memory_space<vmem>>, %arg14: memref<4096xi32, #tpu.memory_space<vmem>>, %arg15: memref<4096xi32, #tpu.memory_space<vmem>>, %arg16: memref<4096xf32, #tpu.memory_space<vmem>>, %arg17: memref<4096xf32, #tpu.memory_space<vmem>>, %arg18: memref<4096xf32, #tpu.memory_space<vmem>>, %arg19: memref<4096xf32, #tpu.memory_space<vmem>>, %arg20: memref<4096xf32, #tpu.memory_space<vmem>>, %arg21: memref<4096xf32, #tpu.memory_space<vmem>>, %arg22: memref<!tpu.dma_semaphore, #tpu.memory_space<semaphore_mem>>, %arg23: memref<!tpu.dma_semaphore, #tpu.memory_space<semaphore_mem>>, %arg24: memref<!tpu.dma_semaphore, #tpu.memory_space<semaphore_mem>>, %arg25: memref<!tpu.dma_semaphore, #tpu.memory_space<semaphore_mem>>, %arg26: memref<!tpu.dma_semaphore, #tpu.memory_space<semaphore_mem>>, %arg27: memref<4096xf32, #tpu.memory_space<vmem>>, %arg28: memref<4096xf32, #tpu.memory_space<vmem>>, %arg29: memref<!tpu.dma_semaphore, #tpu.memory_space<semaphore_mem>>, %arg30: memref<!tpu.dma_semaphore, #tpu.memory_space<semaphore_mem>>, %arg31: memref<!tpu.dma_semaphore, #tpu.memory_space<semaphore_mem>>, %arg32: memref<!tpu.dma_semaphore, #tpu.memory_space<semaphore_mem>>, %arg33: memref<!tpu.dma_semaphore, #tpu.memory_space<semaphore_mem>>) attributes {dimension_semantics = [#tpu.dimension_semantics<core_parallel>, #tpu.dimension_semantics<subcore_parallel>], iteration_bounds = array<i64: 2, 16>, scalar_prefetch = 0 : i64, scratch_operands = 27 : i64, tpu.core_type = #tpu.core_type<sc_vector_subcore>, window_params = [{transform_indices = #map}, {transform_indices = #map}, {transform_indices = #map}, {transform_indices = #map}, {transform_indices = #map}]} {
    %mul3A = arith.constant 16 : i32
    %mul3A_0 = arith.muli %arg0, %mul3A : i32
    %add3A = arith.addi %mul3A_0, %arg1 : i32
    %mul3A_1 = arith.constant 17232 : i32
    %mul3A_2 = arith.muli %add3A, %mul3A_1 : i32
    %add3A_3 = arith.constant 1048576 : i32
    %add3A_4 = arith.addi %add3A_3, %mul3A_2 : i32
    %add3A_5 = arith.constant 0 : i32
    %add3A_6 = arith.addi %add3A_4, %add3A_5 : i32
    %add3A_7 = arith.constant 0 : i32
    %add3A_8 = arith.addi %add3A_4, %add3A_7 : i32
    %add3A_9 = arith.constant 4096 : i32
    %add3A_10 = arith.addi %add3A_4, %add3A_9 : i32
    %add3A_11 = arith.constant 4096 : i32
    %add3A_12 = arith.addi %add3A_4, %add3A_11 : i32
    %add3A_13 = arith.constant 8192 : i32
    %add3A_14 = arith.addi %add3A_4, %add3A_13 : i32
    %add3A_15 = arith.constant 8192 : i32
    %add3A_16 = arith.addi %add3A_4, %add3A_15 : i32
    %add3A_17 = arith.constant 12288 : i32
    %add3A_18 = arith.addi %add3A_4, %add3A_17 : i32
    %add3A_19 = arith.constant 12288 : i32
    %add3A_20 = arith.addi %add3A_4, %add3A_19 : i32
    %add3A_21 = arith.constant 16384 : i32
    %add3A_22 = arith.addi %add3A_4, %add3A_21 : i32
    %add3A_23 = arith.constant 16384 : i32
    %add3A_24 = arith.addi %add3A_4, %add3A_23 : i32
    %eq3A = arith.constant 0 : i32
    %eq3A_25 = arith.cmpi eq, %arg0, %eq3A : i32
    %convert_element_type3A = arith.extui %eq3A_25 : i1 to i32
    %cond3A = arith.constant 0 : i32
    %cond3A_26 = arith.cmpi ne, %convert_element_type3A, %cond3A : i32
    scf.if %cond3A_26 {
      %mul3A_77 = arith.constant 15000 : i32
      %mul3A_78 = arith.muli %arg1, %mul3A_77 : i32
      %add3A_79 = arith.constant 1360000 : i32
      %add3A_80 = arith.addi %add3A_79, %mul3A_78 : i32
      %mul3A_81 = arith.constant 15000 : i32
      %mul3A_82 = arith.muli %arg1, %mul3A_81 : i32
      %mul3A_83 = arith.constant 8192 : i32
      %mul3A_84 = arith.muli %arg1, %mul3A_83 : i32
      %mul3A_85 = arith.constant 8192 : i32
      %mul3A_86 = arith.muli %arg1, %mul3A_85 : i32
      %add3A_87 = arith.constant 240000 : i32
      %add3A_88 = arith.addi %add3A_87, %mul3A_86 : i32
      %add3A_89 = arith.constant 0 : i32
      %add3A_90 = arith.addi %add3A_80, %add3A_89 : i32
      %add3A_91 = arith.constant 0 : i32
      %add3A_92 = arith.addi %mul3A_82, %add3A_91 : i32
      %add3A_93 = arith.constant 4096 : i32
      %add3A_94 = arith.addi %add3A_80, %add3A_93 : i32
      %add3A_95 = arith.constant 4096 : i32
      %add3A_96 = arith.addi %mul3A_82, %add3A_95 : i32
      %add3A_97 = arith.constant 8192 : i32
      %add3A_98 = arith.addi %add3A_80, %add3A_97 : i32
      %add3A_99 = arith.constant 8192 : i32
      %add3A_100 = arith.addi %mul3A_82, %add3A_99 : i32
      %add3A_101 = arith.constant 12288 : i32
      %add3A_102 = arith.addi %add3A_80, %add3A_101 : i32
      %add3A_103 = arith.constant 12288 : i32
      %add3A_104 = arith.addi %mul3A_82, %add3A_103 : i32
      %add3A_105 = arith.constant 0 : i32
      %add3A_106 = arith.addi %mul3A_84, %add3A_105 : i32
      %add3A_107 = arith.constant 0 : i32
      %add3A_108 = arith.addi %add3A_88, %add3A_107 : i32
      %add3A_109 = arith.constant 4096 : i32
      %add3A_110 = arith.addi %mul3A_84, %add3A_109 : i32
      %add3A_111 = arith.constant 4096 : i32
      %add3A_112 = arith.addi %add3A_88, %add3A_111 : i32
      %dma_start3A_113 = arith.constant 0 : i32
      %dma_start3A_114 = tpu.memref_slice %arg16[%dma_start3A_113] : memref<4096xf32, #tpu.memory_space<vmem>> -> memref<4096xf32, #tpu.memory_space<vmem>>
      %dma_start3A_115 = tpu.memref_slice %arg2[%add3A_90] : memref<1600000xf32, #tpu.memory_space<hbm>> -> memref<4096xf32, #tpu.memory_space<hbm>>
      %dma_start3A_116 = arith.constant 0 : i32
      %dma_start3A_117 = tpu.memref_slice %arg16[%dma_start3A_116] : memref<4096xf32, #tpu.memory_space<vmem>> -> memref<4096xf32, #tpu.memory_space<vmem>>
      %dma_start3A_118 = tpu.memref_slice %arg2[%add3A_90] : memref<1600000xf32, #tpu.memory_space<hbm>> -> memref<4096xf32, #tpu.memory_space<hbm>>
      tpu.enqueue_dma source(%dma_start3A_118 : memref<4096xf32, #tpu.memory_space<hbm>>) target(%dma_start3A_117 : memref<4096xf32, #tpu.memory_space<vmem>>) target_semaphore(%arg29 : memref<!tpu.dma_semaphore, #tpu.memory_space<semaphore_mem>>)
      %dma_start3A_119 = arith.constant 0 : i32
      %dma_start3A_120 = tpu.memref_slice %arg17[%dma_start3A_119] : memref<4096xf32, #tpu.memory_space<vmem>> -> memref<4096xf32, #tpu.memory_space<vmem>>
      %dma_start3A_121 = tpu.memref_slice %arg2[%add3A_6] : memref<1600000xf32, #tpu.memory_space<hbm>> -> memref<4096xf32, #tpu.memory_space<hbm>>
      %dma_start3A_122 = arith.constant 0 : i32
      %dma_start3A_123 = tpu.memref_slice %arg17[%dma_start3A_122] : memref<4096xf32, #tpu.memory_space<vmem>> -> memref<4096xf32, #tpu.memory_space<vmem>>
      %dma_start3A_124 = tpu.memref_slice %arg2[%add3A_6] : memref<1600000xf32, #tpu.memory_space<hbm>> -> memref<4096xf32, #tpu.memory_space<hbm>>
      tpu.enqueue_dma source(%dma_start3A_124 : memref<4096xf32, #tpu.memory_space<hbm>>) target(%dma_start3A_123 : memref<4096xf32, #tpu.memory_space<vmem>>) target_semaphore(%arg30 : memref<!tpu.dma_semaphore, #tpu.memory_space<semaphore_mem>>)
      %dma_start3A_125 = arith.constant 0 : i32
      %dma_start3A_126 = tpu.memref_slice %arg18[%dma_start3A_125] : memref<4096xf32, #tpu.memory_space<vmem>> -> memref<4096xf32, #tpu.memory_space<vmem>>
      %dma_start3A_127 = tpu.memref_slice %arg2[%add3A_94] : memref<1600000xf32, #tpu.memory_space<hbm>> -> memref<4096xf32, #tpu.memory_space<hbm>>
      %dma_start3A_128 = arith.constant 0 : i32
      %dma_start3A_129 = tpu.memref_slice %arg18[%dma_start3A_128] : memref<4096xf32, #tpu.memory_space<vmem>> -> memref<4096xf32, #tpu.memory_space<vmem>>
      %dma_start3A_130 = tpu.memref_slice %arg2[%add3A_94] : memref<1600000xf32, #tpu.memory_space<hbm>> -> memref<4096xf32, #tpu.memory_space<hbm>>
      tpu.enqueue_dma source(%dma_start3A_130 : memref<4096xf32, #tpu.memory_space<hbm>>) target(%dma_start3A_129 : memref<4096xf32, #tpu.memory_space<vmem>>) target_semaphore(%arg31 : memref<!tpu.dma_semaphore, #tpu.memory_space<semaphore_mem>>)
      %dma_wait3A_131 = arith.constant 0 : i32
      %dma_wait3A_132 = tpu.memref_slice %arg16[%dma_wait3A_131] : memref<4096xf32, #tpu.memory_space<vmem>> -> memref<4096xf32, #tpu.memory_space<vmem>>
      %dma_wait3A_133 = tpu.memref_slice %arg2[%add3A_90] : memref<1600000xf32, #tpu.memory_space<hbm>> -> memref<4096xf32, #tpu.memory_space<hbm>>
      %dma_wait3A_134 = arith.constant 0 : i32
      %dma_wait3A_135 = tpu.memref_slice %arg16[%dma_wait3A_134] : memref<4096xf32, #tpu.memory_space<vmem>> -> memref<4096xf32, #tpu.memory_space<vmem>>
      %dma_wait3A_136 = tpu.memref_slice %arg2[%add3A_90] : memref<1600000xf32, #tpu.memory_space<hbm>> -> memref<4096xf32, #tpu.memory_space<hbm>>
      tpu.wait_dma2 semaphore(%arg29 : memref<!tpu.dma_semaphore, #tpu.memory_space<semaphore_mem>>) src(%dma_wait3A_136 : memref<4096xf32, #tpu.memory_space<hbm>>) dst(%dma_wait3A_135 : memref<4096xf32, #tpu.memory_space<vmem>>)
      %dma_start3A_137 = arith.constant 0 : i32
      %dma_start3A_138 = tpu.memref_slice %arg16[%dma_start3A_137] : memref<4096xf32, #tpu.memory_space<vmem>> -> memref<4096xf32, #tpu.memory_space<vmem>>
      %dma_start3A_139 = tpu.memref_slice %arg7[%add3A_92] : memref<764304xf32, #tpu.memory_space<vmem_shared>> -> memref<4096xf32, #tpu.memory_space<vmem_shared>>
      %dma_start3A_140 = tpu.memref_slice %arg7[%add3A_92] : memref<764304xf32, #tpu.memory_space<vmem_shared>> -> memref<4096xf32, #tpu.memory_space<vmem_shared>>
      %dma_start3A_141 = arith.constant 0 : i32
      %dma_start3A_142 = tpu.memref_slice %arg16[%dma_start3A_141] : memref<4096xf32, #tpu.memory_space<vmem>> -> memref<4096xf32, #tpu.memory_space<vmem>>
      tpu.enqueue_dma source(%dma_start3A_142 : memref<4096xf32, #tpu.memory_space<vmem>>) target(%dma_start3A_140 : memref<4096xf32, #tpu.memory_space<vmem_shared>>) target_semaphore(%arg29 : memref<!tpu.dma_semaphore, #tpu.memory_space<semaphore_mem>>)
      %dma_wait3A_143 = arith.constant 0 : i32
      %dma_wait3A_144 = tpu.memref_slice %arg16[%dma_wait3A_143] : memref<4096xf32, #tpu.memory_space<vmem>> -> memref<4096xf32, #tpu.memory_space<vmem>>
      %dma_wait3A_145 = tpu.memref_slice %arg7[%add3A_92] : memref<764304xf32, #tpu.memory_space<vmem_shared>> -> memref<4096xf32, #tpu.memory_space<vmem_shared>>
      %dma_wait3A_146 = tpu.memref_slice %arg7[%add3A_92] : memref<764304xf32, #tpu.memory_space<vmem_shared>> -> memref<4096xf32, #tpu.memory_space<vmem_shared>>
      %dma_wait3A_147 = arith.constant 0 : i32
      %dma_wait3A_148 = tpu.memref_slice %arg16[%dma_wait3A_147] : memref<4096xf32, #tpu.memory_space<vmem>> -> memref<4096xf32, #tpu.memory_space<vmem>>
      tpu.wait_dma2 semaphore(%arg29 : memref<!tpu.dma_semaphore, #tpu.memory_space<semaphore_mem>>) src(%dma_wait3A_148 : memref<4096xf32, #tpu.memory_space<vmem>>) dst(%dma_wait3A_146 : memref<4096xf32, #tpu.memory_space<vmem_shared>>)
      %dma_start3A_149 = arith.constant 0 : i32
      %dma_start3A_150 = tpu.memref_slice %arg16[%dma_start3A_149] : memref<4096xf32, #tpu.memory_space<vmem>> -> memref<4096xf32, #tpu.memory_space<vmem>>
      %dma_start3A_151 = tpu.memref_slice %arg2[%add3A_10] : memref<1600000xf32, #tpu.memory_space<hbm>> -> memref<4096xf32, #tpu.memory_space<hbm>>
      %dma_start3A_152 = arith.constant 0 : i32
      %dma_start3A_153 = tpu.memref_slice %arg16[%dma_start3A_152] : memref<4096xf32, #tpu.memory_space<vmem>> -> memref<4096xf32, #tpu.memory_space<vmem>>
      %dma_start3A_154 = tpu.memref_slice %arg2[%add3A_10] : memref<1600000xf32, #tpu.memory_space<hbm>> -> memref<4096xf32, #tpu.memory_space<hbm>>
      tpu.enqueue_dma source(%dma_start3A_154 : memref<4096xf32, #tpu.memory_space<hbm>>) target(%dma_start3A_153 : memref<4096xf32, #tpu.memory_space<vmem>>) target_semaphore(%arg29 : memref<!tpu.dma_semaphore, #tpu.memory_space<semaphore_mem>>)
      %dma_wait3A_155 = arith.constant 0 : i32
      %dma_wait3A_156 = tpu.memref_slice %arg17[%dma_wait3A_155] : memref<4096xf32, #tpu.memory_space<vmem>> -> memref<4096xf32, #tpu.memory_space<vmem>>
      %dma_wait3A_157 = tpu.memref_slice %arg2[%add3A_6] : memref<1600000xf32, #tpu.memory_space<hbm>> -> memref<4096xf32, #tpu.memory_space<hbm>>
      %dma_wait3A_158 = arith.constant 0 : i32
      %dma_wait3A_159 = tpu.memref_slice %arg17[%dma_wait3A_158] : memref<4096xf32, #tpu.memory_space<vmem>> -> memref<4096xf32, #tpu.memory_space<vmem>>
      %dma_wait3A_160 = tpu.memref_slice %arg2[%add3A_6] : memref<1600000xf32, #tpu.memory_space<hbm>> -> memref<4096xf32, #tpu.memory_space<hbm>>
      tpu.wait_dma2 semaphore(%arg30 : memref<!tpu.dma_semaphore, #tpu.memory_space<semaphore_mem>>) src(%dma_wait3A_160 : memref<4096xf32, #tpu.memory_space<hbm>>) dst(%dma_wait3A_159 : memref<4096xf32, #tpu.memory_space<vmem>>)
      %dma_start3A_161 = arith.constant 0 : i32
      %dma_start3A_162 = tpu.memref_slice %arg17[%dma_start3A_161] : memref<4096xf32, #tpu.memory_space<vmem>> -> memref<4096xf32, #tpu.memory_space<vmem>>
      %dma_start3A_163 = tpu.memref_slice %arg6[%add3A_8] : memref<1600000xf32, #tpu.memory_space<hbm>> -> memref<4096xf32, #tpu.memory_space<hbm>>
      %dma_start3A_164 = tpu.memref_slice %arg6[%add3A_8] : memref<1600000xf32, #tpu.memory_space<hbm>> -> memref<4096xf32, #tpu.memory_space<hbm>>
      %dma_start3A_165 = arith.constant 0 : i32
      %dma_start3A_166 = tpu.memref_slice %arg17[%dma_start3A_165] : memref<4096xf32, #tpu.memory_space<vmem>> -> memref<4096xf32, #tpu.memory_space<vmem>>
      tpu.enqueue_dma source(%dma_start3A_166 : memref<4096xf32, #tpu.memory_space<vmem>>) target(%dma_start3A_164 : memref<4096xf32, #tpu.memory_space<hbm>>) target_semaphore(%arg30 : memref<!tpu.dma_semaphore, #tpu.memory_space<semaphore_mem>>)
      %dma_wait3A_167 = arith.constant 0 : i32
      %dma_wait3A_168 = tpu.memref_slice %arg17[%dma_wait3A_167] : memref<4096xf32, #tpu.memory_space<vmem>> -> memref<4096xf32, #tpu.memory_space<vmem>>
      %dma_wait3A_169 = tpu.memref_slice %arg6[%add3A_8] : memref<1600000xf32, #tpu.memory_space<hbm>> -> memref<4096xf32, #tpu.memory_space<hbm>>
      %dma_wait3A_170 = tpu.memref_slice %arg6[%add3A_8] : memref<1600000xf32, #tpu.memory_space<hbm>> -> memref<4096xf32, #tpu.memory_space<hbm>>
      %dma_wait3A_171 = arith.constant 0 : i32
      %dma_wait3A_172 = tpu.memref_slice %arg17[%dma_wait3A_171] : memref<4096xf32, #tpu.memory_space<vmem>> -> memref<4096xf32, #tpu.memory_space<vmem>>
      tpu.wait_dma2 semaphore(%arg30 : memref<!tpu.dma_semaphore, #tpu.memory_space<semaphore_mem>>) src(%dma_wait3A_172 : memref<4096xf32, #tpu.memory_space<vmem>>) dst(%dma_wait3A_170 : memref<4096xf32, #tpu.memory_space<hbm>>)
      %dma_start3A_173 = arith.constant 0 : i32
      %dma_start3A_174 = tpu.memref_slice %arg17[%dma_start3A_173] : memref<4096xf32, #tpu.memory_space<vmem>> -> memref<4096xf32, #tpu.memory_space<vmem>>
      %dma_start3A_175 = tpu.memref_slice %arg2[%add3A_98] : memref<1600000xf32, #tpu.memory_space<hbm>> -> memref<4096xf32, #tpu.memory_space<hbm>>
      %dma_start3A_176 = arith.constant 0 : i32
      %dma_start3A_177 = tpu.memref_slice %arg17[%dma_start3A_176] : memref<4096xf32, #tpu.memory_space<vmem>> -> memref<4096xf32, #tpu.memory_space<vmem>>
      %dma_start3A_178 = tpu.memref_slice %arg2[%add3A_98] : memref<1600000xf32, #tpu.memory_space<hbm>> -> memref<4096xf32, #tpu.memory_space<hbm>>
      tpu.enqueue_dma source(%dma_start3A_178 : memref<4096xf32, #tpu.memory_space<hbm>>) target(%dma_start3A_177 : memref<4096xf32, #tpu.memory_space<vmem>>) target_semaphore(%arg30 : memref<!tpu.dma_semaphore, #tpu.memory_space<semaphore_mem>>)
      %dma_wait3A_179 = arith.constant 0 : i32
      %dma_wait3A_180 = tpu.memref_slice %arg18[%dma_wait3A_179] : memref<4096xf32, #tpu.memory_space<vmem>> -> memref<4096xf32, #tpu.memory_space<vmem>>
      %dma_wait3A_181 = tpu.memref_slice %arg2[%add3A_94] : memref<1600000xf32, #tpu.memory_space<hbm>> -> memref<4096xf32, #tpu.memory_space<hbm>>
      %dma_wait3A_182 = arith.constant 0 : i32
      %dma_wait3A_183 = tpu.memref_slice %arg18[%dma_wait3A_182] : memref<4096xf32, #tpu.memory_space<vmem>> -> memref<4096xf32, #tpu.memory_space<vmem>>
      %dma_wait3A_184 = tpu.memref_slice %arg2[%add3A_94] : memref<1600000xf32, #tpu.memory_space<hbm>> -> memref<4096xf32, #tpu.memory_space<hbm>>
      tpu.wait_dma2 semaphore(%arg31 : memref<!tpu.dma_semaphore, #tpu.memory_space<semaphore_mem>>) src(%dma_wait3A_184 : memref<4096xf32, #tpu.memory_space<hbm>>) dst(%dma_wait3A_183 : memref<4096xf32, #tpu.memory_space<vmem>>)
      %dma_start3A_185 = arith.constant 0 : i32
      %dma_start3A_186 = tpu.memref_slice %arg18[%dma_start3A_185] : memref<4096xf32, #tpu.memory_space<vmem>> -> memref<4096xf32, #tpu.memory_space<vmem>>
      %dma_start3A_187 = tpu.memref_slice %arg7[%add3A_96] : memref<764304xf32, #tpu.memory_space<vmem_shared>> -> memref<4096xf32, #tpu.memory_space<vmem_shared>>
      %dma_start3A_188 = tpu.memref_slice %arg7[%add3A_96] : memref<764304xf32, #tpu.memory_space<vmem_shared>> -> memref<4096xf32, #tpu.memory_space<vmem_shared>>
      %dma_start3A_189 = arith.constant 0 : i32
      %dma_start3A_190 = tpu.memref_slice %arg18[%dma_start3A_189] : memref<4096xf32, #tpu.memory_space<vmem>> -> memref<4096xf32, #tpu.memory_space<vmem>>
      tpu.enqueue_dma source(%dma_start3A_190 : memref<4096xf32, #tpu.memory_space<vmem>>) target(%dma_start3A_188 : memref<4096xf32, #tpu.memory_space<vmem_shared>>) target_semaphore(%arg31 : memref<!tpu.dma_semaphore, #tpu.memory_space<semaphore_mem>>)
      %dma_wait3A_191 = arith.constant 0 : i32
      %dma_wait3A_192 = tpu.memref_slice %arg18[%dma_wait3A_191] : memref<4096xf32, #tpu.memory_space<vmem>> -> memref<4096xf32, #tpu.memory_space<vmem>>
      %dma_wait3A_193 = tpu.memref_slice %arg7[%add3A_96] : memref<764304xf32, #tpu.memory_space<vmem_shared>> -> memref<4096xf32, #tpu.memory_space<vmem_shared>>
      %dma_wait3A_194 = tpu.memref_slice %arg7[%add3A_96] : memref<764304xf32, #tpu.memory_space<vmem_shared>> -> memref<4096xf32, #tpu.memory_space<vmem_shared>>
      %dma_wait3A_195 = arith.constant 0 : i32
      %dma_wait3A_196 = tpu.memref_slice %arg18[%dma_wait3A_195] : memref<4096xf32, #tpu.memory_space<vmem>> -> memref<4096xf32, #tpu.memory_space<vmem>>
      tpu.wait_dma2 semaphore(%arg31 : memref<!tpu.dma_semaphore, #tpu.memory_space<semaphore_mem>>) src(%dma_wait3A_196 : memref<4096xf32, #tpu.memory_space<vmem>>) dst(%dma_wait3A_194 : memref<4096xf32, #tpu.memory_space<vmem_shared>>)
      %dma_start3A_197 = arith.constant 0 : i32
      %dma_start3A_198 = tpu.memref_slice %arg18[%dma_start3A_197] : memref<4096xf32, #tpu.memory_space<vmem>> -> memref<4096xf32, #tpu.memory_space<vmem>>
      %dma_start3A_199 = tpu.memref_slice %arg2[%add3A_14] : memref<1600000xf32, #tpu.memory_space<hbm>> -> memref<4096xf32, #tpu.memory_space<hbm>>
      %dma_start3A_200 = arith.constant 0 : i32
      %dma_start3A_201 = tpu.memref_slice %arg18[%dma_start3A_200] : memref<4096xf32, #tpu.memory_space<vmem>> -> memref<4096xf32, #tpu.memory_space<vmem>>
      %dma_start3A_202 = tpu.memref_slice %arg2[%add3A_14] : memref<1600000xf32, #tpu.memory_space<hbm>> -> memref<4096xf32, #tpu.memory_space<hbm>>
      tpu.enqueue_dma source(%dma_start3A_202 : memref<4096xf32, #tpu.memory_space<hbm>>) target(%dma_start3A_201 : memref<4096xf32, #tpu.memory_space<vmem>>) target_semaphore(%arg31 : memref<!tpu.dma_semaphore, #tpu.memory_space<semaphore_mem>>)
      %dma_wait3A_203 = arith.constant 0 : i32
      %dma_wait3A_204 = tpu.memref_slice %arg16[%dma_wait3A_203] : memref<4096xf32, #tpu.memory_space<vmem>> -> memref<4096xf32, #tpu.memory_space<vmem>>
      %dma_wait3A_205 = tpu.memref_slice %arg2[%add3A_10] : memref<1600000xf32, #tpu.memory_space<hbm>> -> memref<4096xf32, #tpu.memory_space<hbm>>
      %dma_wait3A_206 = arith.constant 0 : i32
      %dma_wait3A_207 = tpu.memref_slice %arg16[%dma_wait3A_206] : memref<4096xf32, #tpu.memory_space<vmem>> -> memref<4096xf32, #tpu.memory_space<vmem>>
      %dma_wait3A_208 = tpu.memref_slice %arg2[%add3A_10] : memref<1600000xf32, #tpu.memory_space<hbm>> -> memref<4096xf32, #tpu.memory_space<hbm>>
      tpu.wait_dma2 semaphore(%arg29 : memref<!tpu.dma_semaphore, #tpu.memory_space<semaphore_mem>>) src(%dma_wait3A_208 : memref<4096xf32, #tpu.memory_space<hbm>>) dst(%dma_wait3A_207 : memref<4096xf32, #tpu.memory_space<vmem>>)
      %dma_start3A_209 = arith.constant 0 : i32
      %dma_start3A_210 = tpu.memref_slice %arg16[%dma_start3A_209] : memref<4096xf32, #tpu.memory_space<vmem>> -> memref<4096xf32, #tpu.memory_space<vmem>>
      %dma_start3A_211 = tpu.memref_slice %arg6[%add3A_12] : memref<1600000xf32, #tpu.memory_space<hbm>> -> memref<4096xf32, #tpu.memory_space<hbm>>
      %dma_start3A_212 = tpu.memref_slice %arg6[%add3A_12] : memref<1600000xf32, #tpu.memory_space<hbm>> -> memref<4096xf32, #tpu.memory_space<hbm>>
      %dma_start3A_213 = arith.constant 0 : i32
      %dma_start3A_214 = tpu.memref_slice %arg16[%dma_start3A_213] : memref<4096xf32, #tpu.memory_space<vmem>> -> memref<4096xf32, #tpu.memory_space<vmem>>
      tpu.enqueue_dma source(%dma_start3A_214 : memref<4096xf32, #tpu.memory_space<vmem>>) target(%dma_start3A_212 : memref<4096xf32, #tpu.memory_space<hbm>>) target_semaphore(%arg29 : memref<!tpu.dma_semaphore, #tpu.memory_space<semaphore_mem>>)
      %dma_wait3A_215 = arith.constant 0 : i32
      %dma_wait3A_216 = tpu.memref_slice %arg16[%dma_wait3A_215] : memref<4096xf32, #tpu.memory_space<vmem>> -> memref<4096xf32, #tpu.memory_space<vmem>>
      %dma_wait3A_217 = tpu.memref_slice %arg6[%add3A_12] : memref<1600000xf32, #tpu.memory_space<hbm>> -> memref<4096xf32, #tpu.memory_space<hbm>>
      %dma_wait3A_218 = tpu.memref_slice %arg6[%add3A_12] : memref<1600000xf32, #tpu.memory_space<hbm>> -> memref<4096xf32, #tpu.memory_space<hbm>>
      %dma_wait3A_219 = arith.constant 0 : i32
      %dma_wait3A_220 = tpu.memref_slice %arg16[%dma_wait3A_219] : memref<4096xf32, #tpu.memory_space<vmem>> -> memref<4096xf32, #tpu.memory_space<vmem>>
      tpu.wait_dma2 semaphore(%arg29 : memref<!tpu.dma_semaphore, #tpu.memory_space<semaphore_mem>>) src(%dma_wait3A_220 : memref<4096xf32, #tpu.memory_space<vmem>>) dst(%dma_wait3A_218 : memref<4096xf32, #tpu.memory_space<hbm>>)
      %dma_start3A_221 = arith.constant 0 : i32
      %dma_start3A_222 = tpu.memref_slice %arg16[%dma_start3A_221] : memref<4096xf32, #tpu.memory_space<vmem>> -> memref<2712xf32, #tpu.memory_space<vmem>>
      %dma_start3A_223 = tpu.memref_slice %arg2[%add3A_102] : memref<1600000xf32, #tpu.memory_space<hbm>> -> memref<2712xf32, #tpu.memory_space<hbm>>
      %dma_start3A_224 = arith.constant 0 : i32
      %dma_start3A_225 = tpu.memref_slice %arg16[%dma_start3A_224] : memref<4096xf32, #tpu.memory_space<vmem>> -> memref<2712xf32, #tpu.memory_space<vmem>>
      %dma_start3A_226 = tpu.memref_slice %arg2[%add3A_102] : memref<1600000xf32, #tpu.memory_space<hbm>> -> memref<2712xf32, #tpu.memory_space<hbm>>
      tpu.enqueue_dma source(%dma_start3A_226 : memref<2712xf32, #tpu.memory_space<hbm>>) target(%dma_start3A_225 : memref<2712xf32, #tpu.memory_space<vmem>>) target_semaphore(%arg29 : memref<!tpu.dma_semaphore, #tpu.memory_space<semaphore_mem>>)
      %dma_wait3A_227 = arith.constant 0 : i32
      %dma_wait3A_228 = tpu.memref_slice %arg17[%dma_wait3A_227] : memref<4096xf32, #tpu.memory_space<vmem>> -> memref<4096xf32, #tpu.memory_space<vmem>>
      %dma_wait3A_229 = tpu.memref_slice %arg2[%add3A_98] : memref<1600000xf32, #tpu.memory_space<hbm>> -> memref<4096xf32, #tpu.memory_space<hbm>>
      %dma_wait3A_230 = arith.constant 0 : i32
      %dma_wait3A_231 = tpu.memref_slice %arg17[%dma_wait3A_230] : memref<4096xf32, #tpu.memory_space<vmem>> -> memref<4096xf32, #tpu.memory_space<vmem>>
      %dma_wait3A_232 = tpu.memref_slice %arg2[%add3A_98] : memref<1600000xf32, #tpu.memory_space<hbm>> -> memref<4096xf32, #tpu.memory_space<hbm>>
      tpu.wait_dma2 semaphore(%arg30 : memref<!tpu.dma_semaphore, #tpu.memory_space<semaphore_mem>>) src(%dma_wait3A_232 : memref<4096xf32, #tpu.memory_space<hbm>>) dst(%dma_wait3A_231 : memref<4096xf32, #tpu.memory_space<vmem>>)
      %dma_start3A_233 = arith.constant 0 : i32
      %dma_start3A_234 = tpu.memref_slice %arg17[%dma_start3A_233] : memref<4096xf32, #tpu.memory_space<vmem>> -> memref<4096xf32, #tpu.memory_space<vmem>>
      %dma_start3A_235 = tpu.memref_slice %arg7[%add3A_100] : memref<764304xf32, #tpu.memory_space<vmem_shared>> -> memref<4096xf32, #tpu.memory_space<vmem_shared>>
      %dma_start3A_236 = tpu.memref_slice %arg7[%add3A_100] : memref<764304xf32, #tpu.memory_space<vmem_shared>> -> memref<4096xf32, #tpu.memory_space<vmem_shared>>
      %dma_start3A_237 = arith.constant 0 : i32
      %dma_start3A_238 = tpu.memref_slice %arg17[%dma_start3A_237] : memref<4096xf32, #tpu.memory_space<vmem>> -> memref<4096xf32, #tpu.memory_space<vmem>>
      tpu.enqueue_dma source(%dma_start3A_238 : memref<4096xf32, #tpu.memory_space<vmem>>) target(%dma_start3A_236 : memref<4096xf32, #tpu.memory_space<vmem_shared>>) target_semaphore(%arg30 : memref<!tpu.dma_semaphore, #tpu.memory_space<semaphore_mem>>)
      %dma_wait3A_239 = arith.constant 0 : i32
      %dma_wait3A_240 = tpu.memref_slice %arg17[%dma_wait3A_239] : memref<4096xf32, #tpu.memory_space<vmem>> -> memref<4096xf32, #tpu.memory_space<vmem>>
      %dma_wait3A_241 = tpu.memref_slice %arg7[%add3A_100] : memref<764304xf32, #tpu.memory_space<vmem_shared>> -> memref<4096xf32, #tpu.memory_space<vmem_shared>>
      %dma_wait3A_242 = tpu.memref_slice %arg7[%add3A_100] : memref<764304xf32, #tpu.memory_space<vmem_shared>> -> memref<4096xf32, #tpu.memory_space<vmem_shared>>
      %dma_wait3A_243 = arith.constant 0 : i32
      %dma_wait3A_244 = tpu.memref_slice %arg17[%dma_wait3A_243] : memref<4096xf32, #tpu.memory_space<vmem>> -> memref<4096xf32, #tpu.memory_space<vmem>>
      tpu.wait_dma2 semaphore(%arg30 : memref<!tpu.dma_semaphore, #tpu.memory_space<semaphore_mem>>) src(%dma_wait3A_244 : memref<4096xf32, #tpu.memory_space<vmem>>) dst(%dma_wait3A_242 : memref<4096xf32, #tpu.memory_space<vmem_shared>>)
      %dma_start3A_245 = arith.constant 0 : i32
      %dma_start3A_246 = tpu.memref_slice %arg17[%dma_start3A_245] : memref<4096xf32, #tpu.memory_space<vmem>> -> memref<4096xf32, #tpu.memory_space<vmem>>
      %dma_start3A_247 = tpu.memref_slice %arg2[%add3A_18] : memref<1600000xf32, #tpu.memory_space<hbm>> -> memref<4096xf32, #tpu.memory_space<hbm>>
      %dma_start3A_248 = arith.constant 0 : i32
      %dma_start3A_249 = tpu.memref_slice %arg17[%dma_start3A_248] : memref<4096xf32, #tpu.memory_space<vmem>> -> memref<4096xf32, #tpu.memory_space<vmem>>
      %dma_start3A_250 = tpu.memref_slice %arg2[%add3A_18] : memref<1600000xf32, #tpu.memory_space<hbm>> -> memref<4096xf32, #tpu.memory_space<hbm>>
      tpu.enqueue_dma source(%dma_start3A_250 : memref<4096xf32, #tpu.memory_space<hbm>>) target(%dma_start3A_249 : memref<4096xf32, #tpu.memory_space<vmem>>) target_semaphore(%arg30 : memref<!tpu.dma_semaphore, #tpu.memory_space<semaphore_mem>>)
      %dma_wait3A_251 = arith.constant 0 : i32
      %dma_wait3A_252 = tpu.memref_slice %arg18[%dma_wait3A_251] : memref<4096xf32, #tpu.memory_space<vmem>> -> memref<4096xf32, #tpu.memory_space<vmem>>
      %dma_wait3A_253 = tpu.memref_slice %arg2[%add3A_14] : memref<1600000xf32, #tpu.memory_space<hbm>> -> memref<4096xf32, #tpu.memory_space<hbm>>
      %dma_wait3A_254 = arith.constant 0 : i32
      %dma_wait3A_255 = tpu.memref_slice %arg18[%dma_wait3A_254] : memref<4096xf32, #tpu.memory_space<vmem>> -> memref<4096xf32, #tpu.memory_space<vmem>>
      %dma_wait3A_256 = tpu.memref_slice %arg2[%add3A_14] : memref<1600000xf32, #tpu.memory_space<hbm>> -> memref<4096xf32, #tpu.memory_space<hbm>>
      tpu.wait_dma2 semaphore(%arg31 : memref<!tpu.dma_semaphore, #tpu.memory_space<semaphore_mem>>) src(%dma_wait3A_256 : memref<4096xf32, #tpu.memory_space<hbm>>) dst(%dma_wait3A_255 : memref<4096xf32, #tpu.memory_space<vmem>>)
      %dma_start3A_257 = arith.constant 0 : i32
      %dma_start3A_258 = tpu.memref_slice %arg18[%dma_start3A_257] : memref<4096xf32, #tpu.memory_space<vmem>> -> memref<4096xf32, #tpu.memory_space<vmem>>
      %dma_start3A_259 = tpu.memref_slice %arg6[%add3A_16] : memref<1600000xf32, #tpu.memory_space<hbm>> -> memref<4096xf32, #tpu.memory_space<hbm>>
      %dma_start3A_260 = tpu.memref_slice %arg6[%add3A_16] : memref<1600000xf32, #tpu.memory_space<hbm>> -> memref<4096xf32, #tpu.memory_space<hbm>>
      %dma_start3A_261 = arith.constant 0 : i32
      %dma_start3A_262 = tpu.memref_slice %arg18[%dma_start3A_261] : memref<4096xf32, #tpu.memory_space<vmem>> -> memref<4096xf32, #tpu.memory_space<vmem>>
      tpu.enqueue_dma source(%dma_start3A_262 : memref<4096xf32, #tpu.memory_space<vmem>>) target(%dma_start3A_260 : memref<4096xf32, #tpu.memory_space<hbm>>) target_semaphore(%arg31 : memref<!tpu.dma_semaphore, #tpu.memory_space<semaphore_mem>>)
      %dma_wait3A_263 = arith.constant 0 : i32
      %dma_wait3A_264 = tpu.memref_slice %arg18[%dma_wait3A_263] : memref<4096xf32, #tpu.memory_space<vmem>> -> memref<4096xf32, #tpu.memory_space<vmem>>
      %dma_wait3A_265 = tpu.memref_slice %arg6[%add3A_16] : memref<1600000xf32, #tpu.memory_space<hbm>> -> memref<4096xf32, #tpu.memory_space<hbm>>
      %dma_wait3A_266 = tpu.memref_slice %arg6[%add3A_16] : memref<1600000xf32, #tpu.memory_space<hbm>> -> memref<4096xf32, #tpu.memory_space<hbm>>
      %dma_wait3A_267 = arith.constant 0 : i32
      %dma_wait3A_268 = tpu.memref_slice %arg18[%dma_wait3A_267] : memref<4096xf32, #tpu.memory_space<vmem>> -> memref<4096xf32, #tpu.memory_space<vmem>>
      tpu.wait_dma2 semaphore(%arg31 : memref<!tpu.dma_semaphore, #tpu.memory_space<semaphore_mem>>) src(%dma_wait3A_268 : memref<4096xf32, #tpu.memory_space<vmem>>) dst(%dma_wait3A_266 : memref<4096xf32, #tpu.memory_space<hbm>>)
      %dma_start3A_269 = arith.constant 0 : i32
      %dma_start3A_270 = tpu.memref_slice %arg18[%dma_start3A_269] : memref<4096xf32, #tpu.memory_space<vmem>> -> memref<4096xf32, #tpu.memory_space<vmem>>
      %dma_start3A_271 = tpu.memref_slice %arg2[%add3A_106] : memref<1600000xf32, #tpu.memory_space<hbm>> -> memref<4096xf32, #tpu.memory_space<hbm>>
      %dma_start3A_272 = arith.constant 0 : i32
      %dma_start3A_273 = tpu.memref_slice %arg18[%dma_start3A_272] : memref<4096xf32, #tpu.memory_space<vmem>> -> memref<4096xf32, #tpu.memory_space<vmem>>
      %dma_start3A_274 = tpu.memref_slice %arg2[%add3A_106] : memref<1600000xf32, #tpu.memory_space<hbm>> -> memref<4096xf32, #tpu.memory_space<hbm>>
      tpu.enqueue_dma source(%dma_start3A_274 : memref<4096xf32, #tpu.memory_space<hbm>>) target(%dma_start3A_273 : memref<4096xf32, #tpu.memory_space<vmem>>) target_semaphore(%arg31 : memref<!tpu.dma_semaphore, #tpu.memory_space<semaphore_mem>>)
      %dma_wait3A_275 = arith.constant 0 : i32
      %dma_wait3A_276 = tpu.memref_slice %arg16[%dma_wait3A_275] : memref<4096xf32, #tpu.memory_space<vmem>> -> memref<2712xf32, #tpu.memory_space<vmem>>
      %dma_wait3A_277 = tpu.memref_slice %arg2[%add3A_102] : memref<1600000xf32, #tpu.memory_space<hbm>> -> memref<2712xf32, #tpu.memory_space<hbm>>
      %dma_wait3A_278 = arith.constant 0 : i32
      %dma_wait3A_279 = tpu.memref_slice %arg16[%dma_wait3A_278] : memref<4096xf32, #tpu.memory_space<vmem>> -> memref<2712xf32, #tpu.memory_space<vmem>>
      %dma_wait3A_280 = tpu.memref_slice %arg2[%add3A_102] : memref<1600000xf32, #tpu.memory_space<hbm>> -> memref<2712xf32, #tpu.memory_space<hbm>>
      tpu.wait_dma2 semaphore(%arg29 : memref<!tpu.dma_semaphore, #tpu.memory_space<semaphore_mem>>) src(%dma_wait3A_280 : memref<2712xf32, #tpu.memory_space<hbm>>) dst(%dma_wait3A_279 : memref<2712xf32, #tpu.memory_space<vmem>>)
      %dma_start3A_281 = arith.constant 0 : i32
      %dma_start3A_282 = tpu.memref_slice %arg16[%dma_start3A_281] : memref<4096xf32, #tpu.memory_space<vmem>> -> memref<2712xf32, #tpu.memory_space<vmem>>
      %dma_start3A_283 = tpu.memref_slice %arg7[%add3A_104] : memref<764304xf32, #tpu.memory_space<vmem_shared>> -> memref<2712xf32, #tpu.memory_space<vmem_shared>>
      %dma_start3A_284 = tpu.memref_slice %arg7[%add3A_104] : memref<764304xf32, #tpu.memory_space<vmem_shared>> -> memref<2712xf32, #tpu.memory_space<vmem_shared>>
      %dma_start3A_285 = arith.constant 0 : i32
      %dma_start3A_286 = tpu.memref_slice %arg16[%dma_start3A_285] : memref<4096xf32, #tpu.memory_space<vmem>> -> memref<2712xf32, #tpu.memory_space<vmem>>
      tpu.enqueue_dma source(%dma_start3A_286 : memref<2712xf32, #tpu.memory_space<vmem>>) target(%dma_start3A_284 : memref<2712xf32, #tpu.memory_space<vmem_shared>>) target_semaphore(%arg29 : memref<!tpu.dma_semaphore, #tpu.memory_space<semaphore_mem>>)
      %dma_wait3A_287 = arith.constant 0 : i32
      %dma_wait3A_288 = tpu.memref_slice %arg16[%dma_wait3A_287] : memref<4096xf32, #tpu.memory_space<vmem>> -> memref<2712xf32, #tpu.memory_space<vmem>>
      %dma_wait3A_289 = tpu.memref_slice %arg7[%add3A_104] : memref<764304xf32, #tpu.memory_space<vmem_shared>> -> memref<2712xf32, #tpu.memory_space<vmem_shared>>
      %dma_wait3A_290 = tpu.memref_slice %arg7[%add3A_104] : memref<764304xf32, #tpu.memory_space<vmem_shared>> -> memref<2712xf32, #tpu.memory_space<vmem_shared>>
      %dma_wait3A_291 = arith.constant 0 : i32
      %dma_wait3A_292 = tpu.memref_slice %arg16[%dma_wait3A_291] : memref<4096xf32, #tpu.memory_space<vmem>> -> memref<2712xf32, #tpu.memory_space<vmem>>
      tpu.wait_dma2 semaphore(%arg29 : memref<!tpu.dma_semaphore, #tpu.memory_space<semaphore_mem>>) src(%dma_wait3A_292 : memref<2712xf32, #tpu.memory_space<vmem>>) dst(%dma_wait3A_290 : memref<2712xf32, #tpu.memory_space<vmem_shared>>)
      %dma_start3A_293 = arith.constant 0 : i32
      %dma_start3A_294 = tpu.memref_slice %arg16[%dma_start3A_293] : memref<4096xf32, #tpu.memory_space<vmem>> -> memref<848xf32, #tpu.memory_space<vmem>>
      %dma_start3A_295 = tpu.memref_slice %arg2[%add3A_22] : memref<1600000xf32, #tpu.memory_space<hbm>> -> memref<848xf32, #tpu.memory_space<hbm>>
      %dma_start3A_296 = arith.constant 0 : i32
      %dma_start3A_297 = tpu.memref_slice %arg16[%dma_start3A_296] : memref<4096xf32, #tpu.memory_space<vmem>> -> memref<848xf32, #tpu.memory_space<vmem>>
      %dma_start3A_298 = tpu.memref_slice %arg2[%add3A_22] : memref<1600000xf32, #tpu.memory_space<hbm>> -> memref<848xf32, #tpu.memory_space<hbm>>
      tpu.enqueue_dma source(%dma_start3A_298 : memref<848xf32, #tpu.memory_space<hbm>>) target(%dma_start3A_297 : memref<848xf32, #tpu.memory_space<vmem>>) target_semaphore(%arg29 : memref<!tpu.dma_semaphore, #tpu.memory_space<semaphore_mem>>)
      %dma_wait3A_299 = arith.constant 0 : i32
      %dma_wait3A_300 = tpu.memref_slice %arg17[%dma_wait3A_299] : memref<4096xf32, #tpu.memory_space<vmem>> -> memref<4096xf32, #tpu.memory_space<vmem>>
      %dma_wait3A_301 = tpu.memref_slice %arg2[%add3A_18] : memref<1600000xf32, #tpu.memory_space<hbm>> -> memref<4096xf32, #tpu.memory_space<hbm>>
      %dma_wait3A_302 = arith.constant 0 : i32
      %dma_wait3A_303 = tpu.memref_slice %arg17[%dma_wait3A_302] : memref<4096xf32, #tpu.memory_space<vmem>> -> memref<4096xf32, #tpu.memory_space<vmem>>
      %dma_wait3A_304 = tpu.memref_slice %arg2[%add3A_18] : memref<1600000xf32, #tpu.memory_space<hbm>> -> memref<4096xf32, #tpu.memory_space<hbm>>
      tpu.wait_dma2 semaphore(%arg30 : memref<!tpu.dma_semaphore, #tpu.memory_space<semaphore_mem>>) src(%dma_wait3A_304 : memref<4096xf32, #tpu.memory_space<hbm>>) dst(%dma_wait3A_303 : memref<4096xf32, #tpu.memory_space<vmem>>)
      %dma_start3A_305 = arith.constant 0 : i32
      %dma_start3A_306 = tpu.memref_slice %arg17[%dma_start3A_305] : memref<4096xf32, #tpu.memory_space<vmem>> -> memref<4096xf32, #tpu.memory_space<vmem>>
      %dma_start3A_307 = tpu.memref_slice %arg6[%add3A_20] : memref<1600000xf32, #tpu.memory_space<hbm>> -> memref<4096xf32, #tpu.memory_space<hbm>>
      %dma_start3A_308 = tpu.memref_slice %arg6[%add3A_20] : memref<1600000xf32, #tpu.memory_space<hbm>> -> memref<4096xf32, #tpu.memory_space<hbm>>
      %dma_start3A_309 = arith.constant 0 : i32
      %dma_start3A_310 = tpu.memref_slice %arg17[%dma_start3A_309] : memref<4096xf32, #tpu.memory_space<vmem>> -> memref<4096xf32, #tpu.memory_space<vmem>>
      tpu.enqueue_dma source(%dma_start3A_310 : memref<4096xf32, #tpu.memory_space<vmem>>) target(%dma_start3A_308 : memref<4096xf32, #tpu.memory_space<hbm>>) target_semaphore(%arg30 : memref<!tpu.dma_semaphore, #tpu.memory_space<semaphore_mem>>)
      %dma_wait3A_311 = arith.constant 0 : i32
      %dma_wait3A_312 = tpu.memref_slice %arg17[%dma_wait3A_311] : memref<4096xf32, #tpu.memory_space<vmem>> -> memref<4096xf32, #tpu.memory_space<vmem>>
      %dma_wait3A_313 = tpu.memref_slice %arg6[%add3A_20] : memref<1600000xf32, #tpu.memory_space<hbm>> -> memref<4096xf32, #tpu.memory_space<hbm>>
      %dma_wait3A_314 = tpu.memref_slice %arg6[%add3A_20] : memref<1600000xf32, #tpu.memory_space<hbm>> -> memref<4096xf32, #tpu.memory_space<hbm>>
      %dma_wait3A_315 = arith.constant 0 : i32
      %dma_wait3A_316 = tpu.memref_slice %arg17[%dma_wait3A_315] : memref<4096xf32, #tpu.memory_space<vmem>> -> memref<4096xf32, #tpu.memory_space<vmem>>
      tpu.wait_dma2 semaphore(%arg30 : memref<!tpu.dma_semaphore, #tpu.memory_space<semaphore_mem>>) src(%dma_wait3A_316 : memref<4096xf32, #tpu.memory_space<vmem>>) dst(%dma_wait3A_314 : memref<4096xf32, #tpu.memory_space<hbm>>)
      %dma_start3A_317 = arith.constant 0 : i32
      %dma_start3A_318 = tpu.memref_slice %arg17[%dma_start3A_317] : memref<4096xf32, #tpu.memory_space<vmem>> -> memref<4096xf32, #tpu.memory_space<vmem>>
      %dma_start3A_319 = tpu.memref_slice %arg2[%add3A_110] : memref<1600000xf32, #tpu.memory_space<hbm>> -> memref<4096xf32, #tpu.memory_space<hbm>>
      %dma_start3A_320 = arith.constant 0 : i32
      %dma_start3A_321 = tpu.memref_slice %arg17[%dma_start3A_320] : memref<4096xf32, #tpu.memory_space<vmem>> -> memref<4096xf32, #tpu.memory_space<vmem>>
      %dma_start3A_322 = tpu.memref_slice %arg2[%add3A_110] : memref<1600000xf32, #tpu.memory_space<hbm>> -> memref<4096xf32, #tpu.memory_space<hbm>>
      tpu.enqueue_dma source(%dma_start3A_322 : memref<4096xf32, #tpu.memory_space<hbm>>) target(%dma_start3A_321 : memref<4096xf32, #tpu.memory_space<vmem>>) target_semaphore(%arg30 : memref<!tpu.dma_semaphore, #tpu.memory_space<semaphore_mem>>)
      %dma_wait3A_323 = arith.constant 0 : i32
      %dma_wait3A_324 = tpu.memref_slice %arg18[%dma_wait3A_323] : memref<4096xf32, #tpu.memory_space<vmem>> -> memref<4096xf32, #tpu.memory_space<vmem>>
      %dma_wait3A_325 = tpu.memref_slice %arg2[%add3A_106] : memref<1600000xf32, #tpu.memory_space<hbm>> -> memref<4096xf32, #tpu.memory_space<hbm>>
      %dma_wait3A_326 = arith.constant 0 : i32
      %dma_wait3A_327 = tpu.memref_slice %arg18[%dma_wait3A_326] : memref<4096xf32, #tpu.memory_space<vmem>> -> memref<4096xf32, #tpu.memory_space<vmem>>
      %dma_wait3A_328 = tpu.memref_slice %arg2[%add3A_106] : memref<1600000xf32, #tpu.memory_space<hbm>> -> memref<4096xf32, #tpu.memory_space<hbm>>
      tpu.wait_dma2 semaphore(%arg31 : memref<!tpu.dma_semaphore, #tpu.memory_space<semaphore_mem>>) src(%dma_wait3A_328 : memref<4096xf32, #tpu.memory_space<hbm>>) dst(%dma_wait3A_327 : memref<4096xf32, #tpu.memory_space<vmem>>)
      %dma_start3A_329 = arith.constant 0 : i32
      %dma_start3A_330 = tpu.memref_slice %arg18[%dma_start3A_329] : memref<4096xf32, #tpu.memory_space<vmem>> -> memref<4096xf32, #tpu.memory_space<vmem>>
      %dma_start3A_331 = tpu.memref_slice %arg7[%add3A_108] : memref<764304xf32, #tpu.memory_space<vmem_shared>> -> memref<4096xf32, #tpu.memory_space<vmem_shared>>
      %dma_start3A_332 = tpu.memref_slice %arg7[%add3A_108] : memref<764304xf32, #tpu.memory_space<vmem_shared>> -> memref<4096xf32, #tpu.memory_space<vmem_shared>>
      %dma_start3A_333 = arith.constant 0 : i32
      %dma_start3A_334 = tpu.memref_slice %arg18[%dma_start3A_333] : memref<4096xf32, #tpu.memory_space<vmem>> -> memref<4096xf32, #tpu.memory_space<vmem>>
      tpu.enqueue_dma source(%dma_start3A_334 : memref<4096xf32, #tpu.memory_space<vmem>>) target(%dma_start3A_332 : memref<4096xf32, #tpu.memory_space<vmem_shared>>) target_semaphore(%arg31 : memref<!tpu.dma_semaphore, #tpu.memory_space<semaphore_mem>>)
      %dma_wait3A_335 = arith.constant 0 : i32
      %dma_wait3A_336 = tpu.memref_slice %arg18[%dma_wait3A_335] : memref<4096xf32, #tpu.memory_space<vmem>> -> memref<4096xf32, #tpu.memory_space<vmem>>
      %dma_wait3A_337 = tpu.memref_slice %arg7[%add3A_108] : memref<764304xf32, #tpu.memory_space<vmem_shared>> -> memref<4096xf32, #tpu.memory_space<vmem_shared>>
      %dma_wait3A_338 = tpu.memref_slice %arg7[%add3A_108] : memref<764304xf32, #tpu.memory_space<vmem_shared>> -> memref<4096xf32, #tpu.memory_space<vmem_shared>>
      %dma_wait3A_339 = arith.constant 0 : i32
      %dma_wait3A_340 = tpu.memref_slice %arg18[%dma_wait3A_339] : memref<4096xf32, #tpu.memory_space<vmem>> -> memref<4096xf32, #tpu.memory_space<vmem>>
      tpu.wait_dma2 semaphore(%arg31 : memref<!tpu.dma_semaphore, #tpu.memory_space<semaphore_mem>>) src(%dma_wait3A_340 : memref<4096xf32, #tpu.memory_space<vmem>>) dst(%dma_wait3A_338 : memref<4096xf32, #tpu.memory_space<vmem_shared>>)
      %dma_wait3A_341 = arith.constant 0 : i32
      %dma_wait3A_342 = tpu.memref_slice %arg16[%dma_wait3A_341] : memref<4096xf32, #tpu.memory_space<vmem>> -> memref<848xf32, #tpu.memory_space<vmem>>
      %dma_wait3A_343 = tpu.memref_slice %arg2[%add3A_22] : memref<1600000xf32, #tpu.memory_space<hbm>> -> memref<848xf32, #tpu.memory_space<hbm>>
      %dma_wait3A_344 = arith.constant 0 : i32
      %dma_wait3A_345 = tpu.memref_slice %arg16[%dma_wait3A_344] : memref<4096xf32, #tpu.memory_space<vmem>> -> memref<848xf32, #tpu.memory_space<vmem>>
      %dma_wait3A_346 = tpu.memref_slice %arg2[%add3A_22] : memref<1600000xf32, #tpu.memory_space<hbm>> -> memref<848xf32, #tpu.memory_space<hbm>>
      tpu.wait_dma2 semaphore(%arg29 : memref<!tpu.dma_semaphore, #tpu.memory_space<semaphore_mem>>) src(%dma_wait3A_346 : memref<848xf32, #tpu.memory_space<hbm>>) dst(%dma_wait3A_345 : memref<848xf32, #tpu.memory_space<vmem>>)
      %dma_start3A_347 = arith.constant 0 : i32
      %dma_start3A_348 = tpu.memref_slice %arg16[%dma_start3A_347] : memref<4096xf32, #tpu.memory_space<vmem>> -> memref<848xf32, #tpu.memory_space<vmem>>
      %dma_start3A_349 = tpu.memref_slice %arg6[%add3A_24] : memref<1600000xf32, #tpu.memory_space<hbm>> -> memref<848xf32, #tpu.memory_space<hbm>>
      %dma_start3A_350 = tpu.memref_slice %arg6[%add3A_24] : memref<1600000xf32, #tpu.memory_space<hbm>> -> memref<848xf32, #tpu.memory_space<hbm>>
      %dma_start3A_351 = arith.constant 0 : i32
      %dma_start3A_352 = tpu.memref_slice %arg16[%dma_start3A_351] : memref<4096xf32, #tpu.memory_space<vmem>> -> memref<848xf32, #tpu.memory_space<vmem>>
      tpu.enqueue_dma source(%dma_start3A_352 : memref<848xf32, #tpu.memory_space<vmem>>) target(%dma_start3A_350 : memref<848xf32, #tpu.memory_space<hbm>>) target_semaphore(%arg29 : memref<!tpu.dma_semaphore, #tpu.memory_space<semaphore_mem>>)
      %dma_wait3A_353 = arith.constant 0 : i32
      %dma_wait3A_354 = tpu.memref_slice %arg16[%dma_wait3A_353] : memref<4096xf32, #tpu.memory_space<vmem>> -> memref<848xf32, #tpu.memory_space<vmem>>
      %dma_wait3A_355 = tpu.memref_slice %arg6[%add3A_24] : memref<1600000xf32, #tpu.memory_space<hbm>> -> memref<848xf32, #tpu.memory_space<hbm>>
      %dma_wait3A_356 = tpu.memref_slice %arg6[%add3A_24] : memref<1600000xf32, #tpu.memory_space<hbm>> -> memref<848xf32, #tpu.memory_space<hbm>>
      %dma_wait3A_357 = arith.constant 0 : i32
      %dma_wait3A_358 = tpu.memref_slice %arg16[%dma_wait3A_357] : memref<4096xf32, #tpu.memory_space<vmem>> -> memref<848xf32, #tpu.memory_space<vmem>>
      tpu.wait_dma2 semaphore(%arg29 : memref<!tpu.dma_semaphore, #tpu.memory_space<semaphore_mem>>) src(%dma_wait3A_358 : memref<848xf32, #tpu.memory_space<vmem>>) dst(%dma_wait3A_356 : memref<848xf32, #tpu.memory_space<hbm>>)
      %dma_wait3A_359 = arith.constant 0 : i32
      %dma_wait3A_360 = tpu.memref_slice %arg17[%dma_wait3A_359] : memref<4096xf32, #tpu.memory_space<vmem>> -> memref<4096xf32, #tpu.memory_space<vmem>>
      %dma_wait3A_361 = tpu.memref_slice %arg2[%add3A_110] : memref<1600000xf32, #tpu.memory_space<hbm>> -> memref<4096xf32, #tpu.memory_space<hbm>>
      %dma_wait3A_362 = arith.constant 0 : i32
      %dma_wait3A_363 = tpu.memref_slice %arg17[%dma_wait3A_362] : memref<4096xf32, #tpu.memory_space<vmem>> -> memref<4096xf32, #tpu.memory_space<vmem>>
      %dma_wait3A_364 = tpu.memref_slice %arg2[%add3A_110] : memref<1600000xf32, #tpu.memory_space<hbm>> -> memref<4096xf32, #tpu.memory_space<hbm>>
      tpu.wait_dma2 semaphore(%arg30 : memref<!tpu.dma_semaphore, #tpu.memory_space<semaphore_mem>>) src(%dma_wait3A_364 : memref<4096xf32, #tpu.memory_space<hbm>>) dst(%dma_wait3A_363 : memref<4096xf32, #tpu.memory_space<vmem>>)
      %dma_start3A_365 = arith.constant 0 : i32
      %dma_start3A_366 = tpu.memref_slice %arg17[%dma_start3A_365] : memref<4096xf32, #tpu.memory_space<vmem>> -> memref<4096xf32, #tpu.memory_space<vmem>>
      %dma_start3A_367 = tpu.memref_slice %arg7[%add3A_112] : memref<764304xf32, #tpu.memory_space<vmem_shared>> -> memref<4096xf32, #tpu.memory_space<vmem_shared>>
      %dma_start3A_368 = tpu.memref_slice %arg7[%add3A_112] : memref<764304xf32, #tpu.memory_space<vmem_shared>> -> memref<4096xf32, #tpu.memory_space<vmem_shared>>
      %dma_start3A_369 = arith.constant 0 : i32
      %dma_start3A_370 = tpu.memref_slice %arg17[%dma_start3A_369] : memref<4096xf32, #tpu.memory_space<vmem>> -> memref<4096xf32, #tpu.memory_space<vmem>>
      tpu.enqueue_dma source(%dma_start3A_370 : memref<4096xf32, #tpu.memory_space<vmem>>) target(%dma_start3A_368 : memref<4096xf32, #tpu.memory_space<vmem_shared>>) target_semaphore(%arg30 : memref<!tpu.dma_semaphore, #tpu.memory_space<semaphore_mem>>)
      %dma_wait3A_371 = arith.constant 0 : i32
      %dma_wait3A_372 = tpu.memref_slice %arg17[%dma_wait3A_371] : memref<4096xf32, #tpu.memory_space<vmem>> -> memref<4096xf32, #tpu.memory_space<vmem>>
      %dma_wait3A_373 = tpu.memref_slice %arg7[%add3A_112] : memref<764304xf32, #tpu.memory_space<vmem_shared>> -> memref<4096xf32, #tpu.memory_space<vmem_shared>>
      %dma_wait3A_374 = tpu.memref_slice %arg7[%add3A_112] : memref<764304xf32, #tpu.memory_space<vmem_shared>> -> memref<4096xf32, #tpu.memory_space<vmem_shared>>
      %dma_wait3A_375 = arith.constant 0 : i32
      %dma_wait3A_376 = tpu.memref_slice %arg17[%dma_wait3A_375] : memref<4096xf32, #tpu.memory_space<vmem>> -> memref<4096xf32, #tpu.memory_space<vmem>>
      tpu.wait_dma2 semaphore(%arg30 : memref<!tpu.dma_semaphore, #tpu.memory_space<semaphore_mem>>) src(%dma_wait3A_376 : memref<4096xf32, #tpu.memory_space<vmem>>) dst(%dma_wait3A_374 : memref<4096xf32, #tpu.memory_space<vmem_shared>>)
    } else {
    }
    %eq3A_27 = arith.constant 1 : i32
    %eq3A_28 = arith.cmpi eq, %arg0, %eq3A_27 : i32
    %convert_element_type3A_29 = arith.extui %eq3A_28 : i1 to i32
    %cond3A_30 = arith.constant 0 : i32
    %cond3A_31 = arith.cmpi ne, %convert_element_type3A_29, %cond3A_30 : i32
    scf.if %cond3A_31 {
      %mul3A_77 = arith.constant 23192 : i32
      %mul3A_78 = arith.muli %arg1, %mul3A_77 : i32
      %add3A_79 = arith.constant 284288 : i32
      %add3A_80 = arith.addi %add3A_79, %mul3A_78 : i32
      %mul3A_81 = arith.constant 23192 : i32
      %mul3A_82 = arith.muli %arg1, %mul3A_81 : i32
      %add3A_83 = arith.constant 0 : i32
      %add3A_84 = arith.addi %add3A_80, %add3A_83 : i32
      %add3A_85 = arith.constant 0 : i32
      %add3A_86 = arith.addi %mul3A_82, %add3A_85 : i32
      %add3A_87 = arith.constant 4096 : i32
      %add3A_88 = arith.addi %add3A_80, %add3A_87 : i32
      %add3A_89 = arith.constant 4096 : i32
      %add3A_90 = arith.addi %mul3A_82, %add3A_89 : i32
      %add3A_91 = arith.constant 8192 : i32
      %add3A_92 = arith.addi %add3A_80, %add3A_91 : i32
      %add3A_93 = arith.constant 8192 : i32
      %add3A_94 = arith.addi %mul3A_82, %add3A_93 : i32
      %add3A_95 = arith.constant 12288 : i32
      %add3A_96 = arith.addi %add3A_80, %add3A_95 : i32
      %add3A_97 = arith.constant 12288 : i32
      %add3A_98 = arith.addi %mul3A_82, %add3A_97 : i32
      %add3A_99 = arith.constant 16384 : i32
      %add3A_100 = arith.addi %add3A_80, %add3A_99 : i32
      %add3A_101 = arith.constant 16384 : i32
      %add3A_102 = arith.addi %mul3A_82, %add3A_101 : i32
      %add3A_103 = arith.constant 20480 : i32
      %add3A_104 = arith.addi %add3A_80, %add3A_103 : i32
      %add3A_105 = arith.constant 20480 : i32
      %add3A_106 = arith.addi %mul3A_82, %add3A_105 : i32
      %dma_start3A_107 = arith.constant 0 : i32
      %dma_start3A_108 = tpu.memref_slice %arg16[%dma_start3A_107] : memref<4096xf32, #tpu.memory_space<vmem>> -> memref<4096xf32, #tpu.memory_space<vmem>>
      %dma_start3A_109 = tpu.memref_slice %arg2[%add3A_84] : memref<1600000xf32, #tpu.memory_space<hbm>> -> memref<4096xf32, #tpu.memory_space<hbm>>
      %dma_start3A_110 = arith.constant 0 : i32
      %dma_start3A_111 = tpu.memref_slice %arg16[%dma_start3A_110] : memref<4096xf32, #tpu.memory_space<vmem>> -> memref<4096xf32, #tpu.memory_space<vmem>>
      %dma_start3A_112 = tpu.memref_slice %arg2[%add3A_84] : memref<1600000xf32, #tpu.memory_space<hbm>> -> memref<4096xf32, #tpu.memory_space<hbm>>
      tpu.enqueue_dma source(%dma_start3A_112 : memref<4096xf32, #tpu.memory_space<hbm>>) target(%dma_start3A_111 : memref<4096xf32, #tpu.memory_space<vmem>>) target_semaphore(%arg29 : memref<!tpu.dma_semaphore, #tpu.memory_space<semaphore_mem>>)
      %dma_start3A_113 = arith.constant 0 : i32
      %dma_start3A_114 = tpu.memref_slice %arg17[%dma_start3A_113] : memref<4096xf32, #tpu.memory_space<vmem>> -> memref<4096xf32, #tpu.memory_space<vmem>>
      %dma_start3A_115 = tpu.memref_slice %arg2[%add3A_6] : memref<1600000xf32, #tpu.memory_space<hbm>> -> memref<4096xf32, #tpu.memory_space<hbm>>
      %dma_start3A_116 = arith.constant 0 : i32
      %dma_start3A_117 = tpu.memref_slice %arg17[%dma_start3A_116] : memref<4096xf32, #tpu.memory_space<vmem>> -> memref<4096xf32, #tpu.memory_space<vmem>>
      %dma_start3A_118 = tpu.memref_slice %arg2[%add3A_6] : memref<1600000xf32, #tpu.memory_space<hbm>> -> memref<4096xf32, #tpu.memory_space<hbm>>
      tpu.enqueue_dma source(%dma_start3A_118 : memref<4096xf32, #tpu.memory_space<hbm>>) target(%dma_start3A_117 : memref<4096xf32, #tpu.memory_space<vmem>>) target_semaphore(%arg30 : memref<!tpu.dma_semaphore, #tpu.memory_space<semaphore_mem>>)
      %dma_start3A_119 = arith.constant 0 : i32
      %dma_start3A_120 = tpu.memref_slice %arg18[%dma_start3A_119] : memref<4096xf32, #tpu.memory_space<vmem>> -> memref<4096xf32, #tpu.memory_space<vmem>>
      %dma_start3A_121 = tpu.memref_slice %arg2[%add3A_88] : memref<1600000xf32, #tpu.memory_space<hbm>> -> memref<4096xf32, #tpu.memory_space<hbm>>
      %dma_start3A_122 = arith.constant 0 : i32
      %dma_start3A_123 = tpu.memref_slice %arg18[%dma_start3A_122] : memref<4096xf32, #tpu.memory_space<vmem>> -> memref<4096xf32, #tpu.memory_space<vmem>>
      %dma_start3A_124 = tpu.memref_slice %arg2[%add3A_88] : memref<1600000xf32, #tpu.memory_space<hbm>> -> memref<4096xf32, #tpu.memory_space<hbm>>
      tpu.enqueue_dma source(%dma_start3A_124 : memref<4096xf32, #tpu.memory_space<hbm>>) target(%dma_start3A_123 : memref<4096xf32, #tpu.memory_space<vmem>>) target_semaphore(%arg31 : memref<!tpu.dma_semaphore, #tpu.memory_space<semaphore_mem>>)
      %dma_wait3A_125 = arith.constant 0 : i32
      %dma_wait3A_126 = tpu.memref_slice %arg16[%dma_wait3A_125] : memref<4096xf32, #tpu.memory_space<vmem>> -> memref<4096xf32, #tpu.memory_space<vmem>>
      %dma_wait3A_127 = tpu.memref_slice %arg2[%add3A_84] : memref<1600000xf32, #tpu.memory_space<hbm>> -> memref<4096xf32, #tpu.memory_space<hbm>>
      %dma_wait3A_128 = arith.constant 0 : i32
      %dma_wait3A_129 = tpu.memref_slice %arg16[%dma_wait3A_128] : memref<4096xf32, #tpu.memory_space<vmem>> -> memref<4096xf32, #tpu.memory_space<vmem>>
      %dma_wait3A_130 = tpu.memref_slice %arg2[%add3A_84] : memref<1600000xf32, #tpu.memory_space<hbm>> -> memref<4096xf32, #tpu.memory_space<hbm>>
      tpu.wait_dma2 semaphore(%arg29 : memref<!tpu.dma_semaphore, #tpu.memory_space<semaphore_mem>>) src(%dma_wait3A_130 : memref<4096xf32, #tpu.memory_space<hbm>>) dst(%dma_wait3A_129 : memref<4096xf32, #tpu.memory_space<vmem>>)
      %dma_start3A_131 = arith.constant 0 : i32
      %dma_start3A_132 = tpu.memref_slice %arg16[%dma_start3A_131] : memref<4096xf32, #tpu.memory_space<vmem>> -> memref<4096xf32, #tpu.memory_space<vmem>>
      %dma_start3A_133 = tpu.memref_slice %arg7[%add3A_86] : memref<764304xf32, #tpu.memory_space<vmem_shared>> -> memref<4096xf32, #tpu.memory_space<vmem_shared>>
      %dma_start3A_134 = tpu.memref_slice %arg7[%add3A_86] : memref<764304xf32, #tpu.memory_space<vmem_shared>> -> memref<4096xf32, #tpu.memory_space<vmem_shared>>
      %dma_start3A_135 = arith.constant 0 : i32
      %dma_start3A_136 = tpu.memref_slice %arg16[%dma_start3A_135] : memref<4096xf32, #tpu.memory_space<vmem>> -> memref<4096xf32, #tpu.memory_space<vmem>>
      tpu.enqueue_dma source(%dma_start3A_136 : memref<4096xf32, #tpu.memory_space<vmem>>) target(%dma_start3A_134 : memref<4096xf32, #tpu.memory_space<vmem_shared>>) target_semaphore(%arg29 : memref<!tpu.dma_semaphore, #tpu.memory_space<semaphore_mem>>)
      %dma_wait3A_137 = arith.constant 0 : i32
      %dma_wait3A_138 = tpu.memref_slice %arg16[%dma_wait3A_137] : memref<4096xf32, #tpu.memory_space<vmem>> -> memref<4096xf32, #tpu.memory_space<vmem>>
      %dma_wait3A_139 = tpu.memref_slice %arg7[%add3A_86] : memref<764304xf32, #tpu.memory_space<vmem_shared>> -> memref<4096xf32, #tpu.memory_space<vmem_shared>>
      %dma_wait3A_140 = tpu.memref_slice %arg7[%add3A_86] : memref<764304xf32, #tpu.memory_space<vmem_shared>> -> memref<4096xf32, #tpu.memory_space<vmem_shared>>
      %dma_wait3A_141 = arith.constant 0 : i32
      %dma_wait3A_142 = tpu.memref_slice %arg16[%dma_wait3A_141] : memref<4096xf32, #tpu.memory_space<vmem>> -> memref<4096xf32, #tpu.memory_space<vmem>>
      tpu.wait_dma2 semaphore(%arg29 : memref<!tpu.dma_semaphore, #tpu.memory_space<semaphore_mem>>) src(%dma_wait3A_142 : memref<4096xf32, #tpu.memory_space<vmem>>) dst(%dma_wait3A_140 : memref<4096xf32, #tpu.memory_space<vmem_shared>>)
      %dma_start3A_143 = arith.constant 0 : i32
      %dma_start3A_144 = tpu.memref_slice %arg16[%dma_start3A_143] : memref<4096xf32, #tpu.memory_space<vmem>> -> memref<4096xf32, #tpu.memory_space<vmem>>
      %dma_start3A_145 = tpu.memref_slice %arg2[%add3A_10] : memref<1600000xf32, #tpu.memory_space<hbm>> -> memref<4096xf32, #tpu.memory_space<hbm>>
      %dma_start3A_146 = arith.constant 0 : i32
      %dma_start3A_147 = tpu.memref_slice %arg16[%dma_start3A_146] : memref<4096xf32, #tpu.memory_space<vmem>> -> memref<4096xf32, #tpu.memory_space<vmem>>
      %dma_start3A_148 = tpu.memref_slice %arg2[%add3A_10] : memref<1600000xf32, #tpu.memory_space<hbm>> -> memref<4096xf32, #tpu.memory_space<hbm>>
      tpu.enqueue_dma source(%dma_start3A_148 : memref<4096xf32, #tpu.memory_space<hbm>>) target(%dma_start3A_147 : memref<4096xf32, #tpu.memory_space<vmem>>) target_semaphore(%arg29 : memref<!tpu.dma_semaphore, #tpu.memory_space<semaphore_mem>>)
      %dma_wait3A_149 = arith.constant 0 : i32
      %dma_wait3A_150 = tpu.memref_slice %arg17[%dma_wait3A_149] : memref<4096xf32, #tpu.memory_space<vmem>> -> memref<4096xf32, #tpu.memory_space<vmem>>
      %dma_wait3A_151 = tpu.memref_slice %arg2[%add3A_6] : memref<1600000xf32, #tpu.memory_space<hbm>> -> memref<4096xf32, #tpu.memory_space<hbm>>
      %dma_wait3A_152 = arith.constant 0 : i32
      %dma_wait3A_153 = tpu.memref_slice %arg17[%dma_wait3A_152] : memref<4096xf32, #tpu.memory_space<vmem>> -> memref<4096xf32, #tpu.memory_space<vmem>>
      %dma_wait3A_154 = tpu.memref_slice %arg2[%add3A_6] : memref<1600000xf32, #tpu.memory_space<hbm>> -> memref<4096xf32, #tpu.memory_space<hbm>>
      tpu.wait_dma2 semaphore(%arg30 : memref<!tpu.dma_semaphore, #tpu.memory_space<semaphore_mem>>) src(%dma_wait3A_154 : memref<4096xf32, #tpu.memory_space<hbm>>) dst(%dma_wait3A_153 : memref<4096xf32, #tpu.memory_space<vmem>>)
      %dma_start3A_155 = arith.constant 0 : i32
      %dma_start3A_156 = tpu.memref_slice %arg17[%dma_start3A_155] : memref<4096xf32, #tpu.memory_space<vmem>> -> memref<4096xf32, #tpu.memory_space<vmem>>
      %dma_start3A_157 = tpu.memref_slice %arg6[%add3A_8] : memref<1600000xf32, #tpu.memory_space<hbm>> -> memref<4096xf32, #tpu.memory_space<hbm>>
      %dma_start3A_158 = tpu.memref_slice %arg6[%add3A_8] : memref<1600000xf32, #tpu.memory_space<hbm>> -> memref<4096xf32, #tpu.memory_space<hbm>>
      %dma_start3A_159 = arith.constant 0 : i32
      %dma_start3A_160 = tpu.memref_slice %arg17[%dma_start3A_159] : memref<4096xf32, #tpu.memory_space<vmem>> -> memref<4096xf32, #tpu.memory_space<vmem>>
      tpu.enqueue_dma source(%dma_start3A_160 : memref<4096xf32, #tpu.memory_space<vmem>>) target(%dma_start3A_158 : memref<4096xf32, #tpu.memory_space<hbm>>) target_semaphore(%arg30 : memref<!tpu.dma_semaphore, #tpu.memory_space<semaphore_mem>>)
      %dma_wait3A_161 = arith.constant 0 : i32
      %dma_wait3A_162 = tpu.memref_slice %arg17[%dma_wait3A_161] : memref<4096xf32, #tpu.memory_space<vmem>> -> memref<4096xf32, #tpu.memory_space<vmem>>
      %dma_wait3A_163 = tpu.memref_slice %arg6[%add3A_8] : memref<1600000xf32, #tpu.memory_space<hbm>> -> memref<4096xf32, #tpu.memory_space<hbm>>
      %dma_wait3A_164 = tpu.memref_slice %arg6[%add3A_8] : memref<1600000xf32, #tpu.memory_space<hbm>> -> memref<4096xf32, #tpu.memory_space<hbm>>
      %dma_wait3A_165 = arith.constant 0 : i32
      %dma_wait3A_166 = tpu.memref_slice %arg17[%dma_wait3A_165] : memref<4096xf32, #tpu.memory_space<vmem>> -> memref<4096xf32, #tpu.memory_space<vmem>>
      tpu.wait_dma2 semaphore(%arg30 : memref<!tpu.dma_semaphore, #tpu.memory_space<semaphore_mem>>) src(%dma_wait3A_166 : memref<4096xf32, #tpu.memory_space<vmem>>) dst(%dma_wait3A_164 : memref<4096xf32, #tpu.memory_space<hbm>>)
      %dma_start3A_167 = arith.constant 0 : i32
      %dma_start3A_168 = tpu.memref_slice %arg17[%dma_start3A_167] : memref<4096xf32, #tpu.memory_space<vmem>> -> memref<4096xf32, #tpu.memory_space<vmem>>
      %dma_start3A_169 = tpu.memref_slice %arg2[%add3A_92] : memref<1600000xf32, #tpu.memory_space<hbm>> -> memref<4096xf32, #tpu.memory_space<hbm>>
      %dma_start3A_170 = arith.constant 0 : i32
      %dma_start3A_171 = tpu.memref_slice %arg17[%dma_start3A_170] : memref<4096xf32, #tpu.memory_space<vmem>> -> memref<4096xf32, #tpu.memory_space<vmem>>
      %dma_start3A_172 = tpu.memref_slice %arg2[%add3A_92] : memref<1600000xf32, #tpu.memory_space<hbm>> -> memref<4096xf32, #tpu.memory_space<hbm>>
      tpu.enqueue_dma source(%dma_start3A_172 : memref<4096xf32, #tpu.memory_space<hbm>>) target(%dma_start3A_171 : memref<4096xf32, #tpu.memory_space<vmem>>) target_semaphore(%arg30 : memref<!tpu.dma_semaphore, #tpu.memory_space<semaphore_mem>>)
      %dma_wait3A_173 = arith.constant 0 : i32
      %dma_wait3A_174 = tpu.memref_slice %arg18[%dma_wait3A_173] : memref<4096xf32, #tpu.memory_space<vmem>> -> memref<4096xf32, #tpu.memory_space<vmem>>
      %dma_wait3A_175 = tpu.memref_slice %arg2[%add3A_88] : memref<1600000xf32, #tpu.memory_space<hbm>> -> memref<4096xf32, #tpu.memory_space<hbm>>
      %dma_wait3A_176 = arith.constant 0 : i32
      %dma_wait3A_177 = tpu.memref_slice %arg18[%dma_wait3A_176] : memref<4096xf32, #tpu.memory_space<vmem>> -> memref<4096xf32, #tpu.memory_space<vmem>>
      %dma_wait3A_178 = tpu.memref_slice %arg2[%add3A_88] : memref<1600000xf32, #tpu.memory_space<hbm>> -> memref<4096xf32, #tpu.memory_space<hbm>>
      tpu.wait_dma2 semaphore(%arg31 : memref<!tpu.dma_semaphore, #tpu.memory_space<semaphore_mem>>) src(%dma_wait3A_178 : memref<4096xf32, #tpu.memory_space<hbm>>) dst(%dma_wait3A_177 : memref<4096xf32, #tpu.memory_space<vmem>>)
      %dma_start3A_179 = arith.constant 0 : i32
      %dma_start3A_180 = tpu.memref_slice %arg18[%dma_start3A_179] : memref<4096xf32, #tpu.memory_space<vmem>> -> memref<4096xf32, #tpu.memory_space<vmem>>
      %dma_start3A_181 = tpu.memref_slice %arg7[%add3A_90] : memref<764304xf32, #tpu.memory_space<vmem_shared>> -> memref<4096xf32, #tpu.memory_space<vmem_shared>>
      %dma_start3A_182 = tpu.memref_slice %arg7[%add3A_90] : memref<764304xf32, #tpu.memory_space<vmem_shared>> -> memref<4096xf32, #tpu.memory_space<vmem_shared>>
      %dma_start3A_183 = arith.constant 0 : i32
      %dma_start3A_184 = tpu.memref_slice %arg18[%dma_start3A_183] : memref<4096xf32, #tpu.memory_space<vmem>> -> memref<4096xf32, #tpu.memory_space<vmem>>
      tpu.enqueue_dma source(%dma_start3A_184 : memref<4096xf32, #tpu.memory_space<vmem>>) target(%dma_start3A_182 : memref<4096xf32, #tpu.memory_space<vmem_shared>>) target_semaphore(%arg31 : memref<!tpu.dma_semaphore, #tpu.memory_space<semaphore_mem>>)
      %dma_wait3A_185 = arith.constant 0 : i32
      %dma_wait3A_186 = tpu.memref_slice %arg18[%dma_wait3A_185] : memref<4096xf32, #tpu.memory_space<vmem>> -> memref<4096xf32, #tpu.memory_space<vmem>>
      %dma_wait3A_187 = tpu.memref_slice %arg7[%add3A_90] : memref<764304xf32, #tpu.memory_space<vmem_shared>> -> memref<4096xf32, #tpu.memory_space<vmem_shared>>
      %dma_wait3A_188 = tpu.memref_slice %arg7[%add3A_90] : memref<764304xf32, #tpu.memory_space<vmem_shared>> -> memref<4096xf32, #tpu.memory_space<vmem_shared>>
      %dma_wait3A_189 = arith.constant 0 : i32
      %dma_wait3A_190 = tpu.memref_slice %arg18[%dma_wait3A_189] : memref<4096xf32, #tpu.memory_space<vmem>> -> memref<4096xf32, #tpu.memory_space<vmem>>
      tpu.wait_dma2 semaphore(%arg31 : memref<!tpu.dma_semaphore, #tpu.memory_space<semaphore_mem>>) src(%dma_wait3A_190 : memref<4096xf32, #tpu.memory_space<vmem>>) dst(%dma_wait3A_188 : memref<4096xf32, #tpu.memory_space<vmem_shared>>)
      %dma_start3A_191 = arith.constant 0 : i32
      %dma_start3A_192 = tpu.memref_slice %arg18[%dma_start3A_191] : memref<4096xf32, #tpu.memory_space<vmem>> -> memref<4096xf32, #tpu.memory_space<vmem>>
      %dma_start3A_193 = tpu.memref_slice %arg2[%add3A_14] : memref<1600000xf32, #tpu.memory_space<hbm>> -> memref<4096xf32, #tpu.memory_space<hbm>>
      %dma_start3A_194 = arith.constant 0 : i32
      %dma_start3A_195 = tpu.memref_slice %arg18[%dma_start3A_194] : memref<4096xf32, #tpu.memory_space<vmem>> -> memref<4096xf32, #tpu.memory_space<vmem>>
      %dma_start3A_196 = tpu.memref_slice %arg2[%add3A_14] : memref<1600000xf32, #tpu.memory_space<hbm>> -> memref<4096xf32, #tpu.memory_space<hbm>>
      tpu.enqueue_dma source(%dma_start3A_196 : memref<4096xf32, #tpu.memory_space<hbm>>) target(%dma_start3A_195 : memref<4096xf32, #tpu.memory_space<vmem>>) target_semaphore(%arg31 : memref<!tpu.dma_semaphore, #tpu.memory_space<semaphore_mem>>)
      %dma_wait3A_197 = arith.constant 0 : i32
      %dma_wait3A_198 = tpu.memref_slice %arg16[%dma_wait3A_197] : memref<4096xf32, #tpu.memory_space<vmem>> -> memref<4096xf32, #tpu.memory_space<vmem>>
      %dma_wait3A_199 = tpu.memref_slice %arg2[%add3A_10] : memref<1600000xf32, #tpu.memory_space<hbm>> -> memref<4096xf32, #tpu.memory_space<hbm>>
      %dma_wait3A_200 = arith.constant 0 : i32
      %dma_wait3A_201 = tpu.memref_slice %arg16[%dma_wait3A_200] : memref<4096xf32, #tpu.memory_space<vmem>> -> memref<4096xf32, #tpu.memory_space<vmem>>
      %dma_wait3A_202 = tpu.memref_slice %arg2[%add3A_10] : memref<1600000xf32, #tpu.memory_space<hbm>> -> memref<4096xf32, #tpu.memory_space<hbm>>
      tpu.wait_dma2 semaphore(%arg29 : memref<!tpu.dma_semaphore, #tpu.memory_space<semaphore_mem>>) src(%dma_wait3A_202 : memref<4096xf32, #tpu.memory_space<hbm>>) dst(%dma_wait3A_201 : memref<4096xf32, #tpu.memory_space<vmem>>)
      %dma_start3A_203 = arith.constant 0 : i32
      %dma_start3A_204 = tpu.memref_slice %arg16[%dma_start3A_203] : memref<4096xf32, #tpu.memory_space<vmem>> -> memref<4096xf32, #tpu.memory_space<vmem>>
      %dma_start3A_205 = tpu.memref_slice %arg6[%add3A_12] : memref<1600000xf32, #tpu.memory_space<hbm>> -> memref<4096xf32, #tpu.memory_space<hbm>>
      %dma_start3A_206 = tpu.memref_slice %arg6[%add3A_12] : memref<1600000xf32, #tpu.memory_space<hbm>> -> memref<4096xf32, #tpu.memory_space<hbm>>
      %dma_start3A_207 = arith.constant 0 : i32
      %dma_start3A_208 = tpu.memref_slice %arg16[%dma_start3A_207] : memref<4096xf32, #tpu.memory_space<vmem>> -> memref<4096xf32, #tpu.memory_space<vmem>>
      tpu.enqueue_dma source(%dma_start3A_208 : memref<4096xf32, #tpu.memory_space<vmem>>) target(%dma_start3A_206 : memref<4096xf32, #tpu.memory_space<hbm>>) target_semaphore(%arg29 : memref<!tpu.dma_semaphore, #tpu.memory_space<semaphore_mem>>)
      %dma_wait3A_209 = arith.constant 0 : i32
      %dma_wait3A_210 = tpu.memref_slice %arg16[%dma_wait3A_209] : memref<4096xf32, #tpu.memory_space<vmem>> -> memref<4096xf32, #tpu.memory_space<vmem>>
      %dma_wait3A_211 = tpu.memref_slice %arg6[%add3A_12] : memref<1600000xf32, #tpu.memory_space<hbm>> -> memref<4096xf32, #tpu.memory_space<hbm>>
      %dma_wait3A_212 = tpu.memref_slice %arg6[%add3A_12] : memref<1600000xf32, #tpu.memory_space<hbm>> -> memref<4096xf32, #tpu.memory_space<hbm>>
      %dma_wait3A_213 = arith.constant 0 : i32
      %dma_wait3A_214 = tpu.memref_slice %arg16[%dma_wait3A_213] : memref<4096xf32, #tpu.memory_space<vmem>> -> memref<4096xf32, #tpu.memory_space<vmem>>
      tpu.wait_dma2 semaphore(%arg29 : memref<!tpu.dma_semaphore, #tpu.memory_space<semaphore_mem>>) src(%dma_wait3A_214 : memref<4096xf32, #tpu.memory_space<vmem>>) dst(%dma_wait3A_212 : memref<4096xf32, #tpu.memory_space<hbm>>)
      %dma_start3A_215 = arith.constant 0 : i32
      %dma_start3A_216 = tpu.memref_slice %arg16[%dma_start3A_215] : memref<4096xf32, #tpu.memory_space<vmem>> -> memref<4096xf32, #tpu.memory_space<vmem>>
      %dma_start3A_217 = tpu.memref_slice %arg2[%add3A_96] : memref<1600000xf32, #tpu.memory_space<hbm>> -> memref<4096xf32, #tpu.memory_space<hbm>>
      %dma_start3A_218 = arith.constant 0 : i32
      %dma_start3A_219 = tpu.memref_slice %arg16[%dma_start3A_218] : memref<4096xf32, #tpu.memory_space<vmem>> -> memref<4096xf32, #tpu.memory_space<vmem>>
      %dma_start3A_220 = tpu.memref_slice %arg2[%add3A_96] : memref<1600000xf32, #tpu.memory_space<hbm>> -> memref<4096xf32, #tpu.memory_space<hbm>>
      tpu.enqueue_dma source(%dma_start3A_220 : memref<4096xf32, #tpu.memory_space<hbm>>) target(%dma_start3A_219 : memref<4096xf32, #tpu.memory_space<vmem>>) target_semaphore(%arg29 : memref<!tpu.dma_semaphore, #tpu.memory_space<semaphore_mem>>)
      %dma_wait3A_221 = arith.constant 0 : i32
      %dma_wait3A_222 = tpu.memref_slice %arg17[%dma_wait3A_221] : memref<4096xf32, #tpu.memory_space<vmem>> -> memref<4096xf32, #tpu.memory_space<vmem>>
      %dma_wait3A_223 = tpu.memref_slice %arg2[%add3A_92] : memref<1600000xf32, #tpu.memory_space<hbm>> -> memref<4096xf32, #tpu.memory_space<hbm>>
      %dma_wait3A_224 = arith.constant 0 : i32
      %dma_wait3A_225 = tpu.memref_slice %arg17[%dma_wait3A_224] : memref<4096xf32, #tpu.memory_space<vmem>> -> memref<4096xf32, #tpu.memory_space<vmem>>
      %dma_wait3A_226 = tpu.memref_slice %arg2[%add3A_92] : memref<1600000xf32, #tpu.memory_space<hbm>> -> memref<4096xf32, #tpu.memory_space<hbm>>
      tpu.wait_dma2 semaphore(%arg30 : memref<!tpu.dma_semaphore, #tpu.memory_space<semaphore_mem>>) src(%dma_wait3A_226 : memref<4096xf32, #tpu.memory_space<hbm>>) dst(%dma_wait3A_225 : memref<4096xf32, #tpu.memory_space<vmem>>)
      %dma_start3A_227 = arith.constant 0 : i32
      %dma_start3A_228 = tpu.memref_slice %arg17[%dma_start3A_227] : memref<4096xf32, #tpu.memory_space<vmem>> -> memref<4096xf32, #tpu.memory_space<vmem>>
      %dma_start3A_229 = tpu.memref_slice %arg7[%add3A_94] : memref<764304xf32, #tpu.memory_space<vmem_shared>> -> memref<4096xf32, #tpu.memory_space<vmem_shared>>
      %dma_start3A_230 = tpu.memref_slice %arg7[%add3A_94] : memref<764304xf32, #tpu.memory_space<vmem_shared>> -> memref<4096xf32, #tpu.memory_space<vmem_shared>>
      %dma_start3A_231 = arith.constant 0 : i32
      %dma_start3A_232 = tpu.memref_slice %arg17[%dma_start3A_231] : memref<4096xf32, #tpu.memory_space<vmem>> -> memref<4096xf32, #tpu.memory_space<vmem>>
      tpu.enqueue_dma source(%dma_start3A_232 : memref<4096xf32, #tpu.memory_space<vmem>>) target(%dma_start3A_230 : memref<4096xf32, #tpu.memory_space<vmem_shared>>) target_semaphore(%arg30 : memref<!tpu.dma_semaphore, #tpu.memory_space<semaphore_mem>>)
      %dma_wait3A_233 = arith.constant 0 : i32
      %dma_wait3A_234 = tpu.memref_slice %arg17[%dma_wait3A_233] : memref<4096xf32, #tpu.memory_space<vmem>> -> memref<4096xf32, #tpu.memory_space<vmem>>
      %dma_wait3A_235 = tpu.memref_slice %arg7[%add3A_94] : memref<764304xf32, #tpu.memory_space<vmem_shared>> -> memref<4096xf32, #tpu.memory_space<vmem_shared>>
      %dma_wait3A_236 = tpu.memref_slice %arg7[%add3A_94] : memref<764304xf32, #tpu.memory_space<vmem_shared>> -> memref<4096xf32, #tpu.memory_space<vmem_shared>>
      %dma_wait3A_237 = arith.constant 0 : i32
      %dma_wait3A_238 = tpu.memref_slice %arg17[%dma_wait3A_237] : memref<4096xf32, #tpu.memory_space<vmem>> -> memref<4096xf32, #tpu.memory_space<vmem>>
      tpu.wait_dma2 semaphore(%arg30 : memref<!tpu.dma_semaphore, #tpu.memory_space<semaphore_mem>>) src(%dma_wait3A_238 : memref<4096xf32, #tpu.memory_space<vmem>>) dst(%dma_wait3A_236 : memref<4096xf32, #tpu.memory_space<vmem_shared>>)
      %dma_start3A_239 = arith.constant 0 : i32
      %dma_start3A_240 = tpu.memref_slice %arg17[%dma_start3A_239] : memref<4096xf32, #tpu.memory_space<vmem>> -> memref<4096xf32, #tpu.memory_space<vmem>>
      %dma_start3A_241 = tpu.memref_slice %arg2[%add3A_18] : memref<1600000xf32, #tpu.memory_space<hbm>> -> memref<4096xf32, #tpu.memory_space<hbm>>
      %dma_start3A_242 = arith.constant 0 : i32
      %dma_start3A_243 = tpu.memref_slice %arg17[%dma_start3A_242] : memref<4096xf32, #tpu.memory_space<vmem>> -> memref<4096xf32, #tpu.memory_space<vmem>>
      %dma_start3A_244 = tpu.memref_slice %arg2[%add3A_18] : memref<1600000xf32, #tpu.memory_space<hbm>> -> memref<4096xf32, #tpu.memory_space<hbm>>
      tpu.enqueue_dma source(%dma_start3A_244 : memref<4096xf32, #tpu.memory_space<hbm>>) target(%dma_start3A_243 : memref<4096xf32, #tpu.memory_space<vmem>>) target_semaphore(%arg30 : memref<!tpu.dma_semaphore, #tpu.memory_space<semaphore_mem>>)
      %dma_wait3A_245 = arith.constant 0 : i32
      %dma_wait3A_246 = tpu.memref_slice %arg18[%dma_wait3A_245] : memref<4096xf32, #tpu.memory_space<vmem>> -> memref<4096xf32, #tpu.memory_space<vmem>>
      %dma_wait3A_247 = tpu.memref_slice %arg2[%add3A_14] : memref<1600000xf32, #tpu.memory_space<hbm>> -> memref<4096xf32, #tpu.memory_space<hbm>>
      %dma_wait3A_248 = arith.constant 0 : i32
      %dma_wait3A_249 = tpu.memref_slice %arg18[%dma_wait3A_248] : memref<4096xf32, #tpu.memory_space<vmem>> -> memref<4096xf32, #tpu.memory_space<vmem>>
      %dma_wait3A_250 = tpu.memref_slice %arg2[%add3A_14] : memref<1600000xf32, #tpu.memory_space<hbm>> -> memref<4096xf32, #tpu.memory_space<hbm>>
      tpu.wait_dma2 semaphore(%arg31 : memref<!tpu.dma_semaphore, #tpu.memory_space<semaphore_mem>>) src(%dma_wait3A_250 : memref<4096xf32, #tpu.memory_space<hbm>>) dst(%dma_wait3A_249 : memref<4096xf32, #tpu.memory_space<vmem>>)
      %dma_start3A_251 = arith.constant 0 : i32
      %dma_start3A_252 = tpu.memref_slice %arg18[%dma_start3A_251] : memref<4096xf32, #tpu.memory_space<vmem>> -> memref<4096xf32, #tpu.memory_space<vmem>>
      %dma_start3A_253 = tpu.memref_slice %arg6[%add3A_16] : memref<1600000xf32, #tpu.memory_space<hbm>> -> memref<4096xf32, #tpu.memory_space<hbm>>
      %dma_start3A_254 = tpu.memref_slice %arg6[%add3A_16] : memref<1600000xf32, #tpu.memory_space<hbm>> -> memref<4096xf32, #tpu.memory_space<hbm>>
      %dma_start3A_255 = arith.constant 0 : i32
      %dma_start3A_256 = tpu.memref_slice %arg18[%dma_start3A_255] : memref<4096xf32, #tpu.memory_space<vmem>> -> memref<4096xf32, #tpu.memory_space<vmem>>
      tpu.enqueue_dma source(%dma_start3A_256 : memref<4096xf32, #tpu.memory_space<vmem>>) target(%dma_start3A_254 : memref<4096xf32, #tpu.memory_space<hbm>>) target_semaphore(%arg31 : memref<!tpu.dma_semaphore, #tpu.memory_space<semaphore_mem>>)
      %dma_wait3A_257 = arith.constant 0 : i32
      %dma_wait3A_258 = tpu.memref_slice %arg18[%dma_wait3A_257] : memref<4096xf32, #tpu.memory_space<vmem>> -> memref<4096xf32, #tpu.memory_space<vmem>>
      %dma_wait3A_259 = tpu.memref_slice %arg6[%add3A_16] : memref<1600000xf32, #tpu.memory_space<hbm>> -> memref<4096xf32, #tpu.memory_space<hbm>>
      %dma_wait3A_260 = tpu.memref_slice %arg6[%add3A_16] : memref<1600000xf32, #tpu.memory_space<hbm>> -> memref<4096xf32, #tpu.memory_space<hbm>>
      %dma_wait3A_261 = arith.constant 0 : i32
      %dma_wait3A_262 = tpu.memref_slice %arg18[%dma_wait3A_261] : memref<4096xf32, #tpu.memory_space<vmem>> -> memref<4096xf32, #tpu.memory_space<vmem>>
      tpu.wait_dma2 semaphore(%arg31 : memref<!tpu.dma_semaphore, #tpu.memory_space<semaphore_mem>>) src(%dma_wait3A_262 : memref<4096xf32, #tpu.memory_space<vmem>>) dst(%dma_wait3A_260 : memref<4096xf32, #tpu.memory_space<hbm>>)
      %dma_start3A_263 = arith.constant 0 : i32
      %dma_start3A_264 = tpu.memref_slice %arg18[%dma_start3A_263] : memref<4096xf32, #tpu.memory_space<vmem>> -> memref<4096xf32, #tpu.memory_space<vmem>>
      %dma_start3A_265 = tpu.memref_slice %arg2[%add3A_100] : memref<1600000xf32, #tpu.memory_space<hbm>> -> memref<4096xf32, #tpu.memory_space<hbm>>
      %dma_start3A_266 = arith.constant 0 : i32
      %dma_start3A_267 = tpu.memref_slice %arg18[%dma_start3A_266] : memref<4096xf32, #tpu.memory_space<vmem>> -> memref<4096xf32, #tpu.memory_space<vmem>>
      %dma_start3A_268 = tpu.memref_slice %arg2[%add3A_100] : memref<1600000xf32, #tpu.memory_space<hbm>> -> memref<4096xf32, #tpu.memory_space<hbm>>
      tpu.enqueue_dma source(%dma_start3A_268 : memref<4096xf32, #tpu.memory_space<hbm>>) target(%dma_start3A_267 : memref<4096xf32, #tpu.memory_space<vmem>>) target_semaphore(%arg31 : memref<!tpu.dma_semaphore, #tpu.memory_space<semaphore_mem>>)
      %dma_wait3A_269 = arith.constant 0 : i32
      %dma_wait3A_270 = tpu.memref_slice %arg16[%dma_wait3A_269] : memref<4096xf32, #tpu.memory_space<vmem>> -> memref<4096xf32, #tpu.memory_space<vmem>>
      %dma_wait3A_271 = tpu.memref_slice %arg2[%add3A_96] : memref<1600000xf32, #tpu.memory_space<hbm>> -> memref<4096xf32, #tpu.memory_space<hbm>>
      %dma_wait3A_272 = arith.constant 0 : i32
      %dma_wait3A_273 = tpu.memref_slice %arg16[%dma_wait3A_272] : memref<4096xf32, #tpu.memory_space<vmem>> -> memref<4096xf32, #tpu.memory_space<vmem>>
      %dma_wait3A_274 = tpu.memref_slice %arg2[%add3A_96] : memref<1600000xf32, #tpu.memory_space<hbm>> -> memref<4096xf32, #tpu.memory_space<hbm>>
      tpu.wait_dma2 semaphore(%arg29 : memref<!tpu.dma_semaphore, #tpu.memory_space<semaphore_mem>>) src(%dma_wait3A_274 : memref<4096xf32, #tpu.memory_space<hbm>>) dst(%dma_wait3A_273 : memref<4096xf32, #tpu.memory_space<vmem>>)
      %dma_start3A_275 = arith.constant 0 : i32
      %dma_start3A_276 = tpu.memref_slice %arg16[%dma_start3A_275] : memref<4096xf32, #tpu.memory_space<vmem>> -> memref<4096xf32, #tpu.memory_space<vmem>>
      %dma_start3A_277 = tpu.memref_slice %arg7[%add3A_98] : memref<764304xf32, #tpu.memory_space<vmem_shared>> -> memref<4096xf32, #tpu.memory_space<vmem_shared>>
      %dma_start3A_278 = tpu.memref_slice %arg7[%add3A_98] : memref<764304xf32, #tpu.memory_space<vmem_shared>> -> memref<4096xf32, #tpu.memory_space<vmem_shared>>
      %dma_start3A_279 = arith.constant 0 : i32
      %dma_start3A_280 = tpu.memref_slice %arg16[%dma_start3A_279] : memref<4096xf32, #tpu.memory_space<vmem>> -> memref<4096xf32, #tpu.memory_space<vmem>>
      tpu.enqueue_dma source(%dma_start3A_280 : memref<4096xf32, #tpu.memory_space<vmem>>) target(%dma_start3A_278 : memref<4096xf32, #tpu.memory_space<vmem_shared>>) target_semaphore(%arg29 : memref<!tpu.dma_semaphore, #tpu.memory_space<semaphore_mem>>)
      %dma_wait3A_281 = arith.constant 0 : i32
      %dma_wait3A_282 = tpu.memref_slice %arg16[%dma_wait3A_281] : memref<4096xf32, #tpu.memory_space<vmem>> -> memref<4096xf32, #tpu.memory_space<vmem>>
      %dma_wait3A_283 = tpu.memref_slice %arg7[%add3A_98] : memref<764304xf32, #tpu.memory_space<vmem_shared>> -> memref<4096xf32, #tpu.memory_space<vmem_shared>>
      %dma_wait3A_284 = tpu.memref_slice %arg7[%add3A_98] : memref<764304xf32, #tpu.memory_space<vmem_shared>> -> memref<4096xf32, #tpu.memory_space<vmem_shared>>
      %dma_wait3A_285 = arith.constant 0 : i32
      %dma_wait3A_286 = tpu.memref_slice %arg16[%dma_wait3A_285] : memref<4096xf32, #tpu.memory_space<vmem>> -> memref<4096xf32, #tpu.memory_space<vmem>>
      tpu.wait_dma2 semaphore(%arg29 : memref<!tpu.dma_semaphore, #tpu.memory_space<semaphore_mem>>) src(%dma_wait3A_286 : memref<4096xf32, #tpu.memory_space<vmem>>) dst(%dma_wait3A_284 : memref<4096xf32, #tpu.memory_space<vmem_shared>>)
      %dma_start3A_287 = arith.constant 0 : i32
      %dma_start3A_288 = tpu.memref_slice %arg16[%dma_start3A_287] : memref<4096xf32, #tpu.memory_space<vmem>> -> memref<848xf32, #tpu.memory_space<vmem>>
      %dma_start3A_289 = tpu.memref_slice %arg2[%add3A_22] : memref<1600000xf32, #tpu.memory_space<hbm>> -> memref<848xf32, #tpu.memory_space<hbm>>
      %dma_start3A_290 = arith.constant 0 : i32
      %dma_start3A_291 = tpu.memref_slice %arg16[%dma_start3A_290] : memref<4096xf32, #tpu.memory_space<vmem>> -> memref<848xf32, #tpu.memory_space<vmem>>
      %dma_start3A_292 = tpu.memref_slice %arg2[%add3A_22] : memref<1600000xf32, #tpu.memory_space<hbm>> -> memref<848xf32, #tpu.memory_space<hbm>>
      tpu.enqueue_dma source(%dma_start3A_292 : memref<848xf32, #tpu.memory_space<hbm>>) target(%dma_start3A_291 : memref<848xf32, #tpu.memory_space<vmem>>) target_semaphore(%arg29 : memref<!tpu.dma_semaphore, #tpu.memory_space<semaphore_mem>>)
      %dma_wait3A_293 = arith.constant 0 : i32
      %dma_wait3A_294 = tpu.memref_slice %arg17[%dma_wait3A_293] : memref<4096xf32, #tpu.memory_space<vmem>> -> memref<4096xf32, #tpu.memory_space<vmem>>
      %dma_wait3A_295 = tpu.memref_slice %arg2[%add3A_18] : memref<1600000xf32, #tpu.memory_space<hbm>> -> memref<4096xf32, #tpu.memory_space<hbm>>
      %dma_wait3A_296 = arith.constant 0 : i32
      %dma_wait3A_297 = tpu.memref_slice %arg17[%dma_wait3A_296] : memref<4096xf32, #tpu.memory_space<vmem>> -> memref<4096xf32, #tpu.memory_space<vmem>>
      %dma_wait3A_298 = tpu.memref_slice %arg2[%add3A_18] : memref<1600000xf32, #tpu.memory_space<hbm>> -> memref<4096xf32, #tpu.memory_space<hbm>>
      tpu.wait_dma2 semaphore(%arg30 : memref<!tpu.dma_semaphore, #tpu.memory_space<semaphore_mem>>) src(%dma_wait3A_298 : memref<4096xf32, #tpu.memory_space<hbm>>) dst(%dma_wait3A_297 : memref<4096xf32, #tpu.memory_space<vmem>>)
      %dma_start3A_299 = arith.constant 0 : i32
      %dma_start3A_300 = tpu.memref_slice %arg17[%dma_start3A_299] : memref<4096xf32, #tpu.memory_space<vmem>> -> memref<4096xf32, #tpu.memory_space<vmem>>
      %dma_start3A_301 = tpu.memref_slice %arg6[%add3A_20] : memref<1600000xf32, #tpu.memory_space<hbm>> -> memref<4096xf32, #tpu.memory_space<hbm>>
      %dma_start3A_302 = tpu.memref_slice %arg6[%add3A_20] : memref<1600000xf32, #tpu.memory_space<hbm>> -> memref<4096xf32, #tpu.memory_space<hbm>>
      %dma_start3A_303 = arith.constant 0 : i32
      %dma_start3A_304 = tpu.memref_slice %arg17[%dma_start3A_303] : memref<4096xf32, #tpu.memory_space<vmem>> -> memref<4096xf32, #tpu.memory_space<vmem>>
      tpu.enqueue_dma source(%dma_start3A_304 : memref<4096xf32, #tpu.memory_space<vmem>>) target(%dma_start3A_302 : memref<4096xf32, #tpu.memory_space<hbm>>) target_semaphore(%arg30 : memref<!tpu.dma_semaphore, #tpu.memory_space<semaphore_mem>>)
      %dma_wait3A_305 = arith.constant 0 : i32
      %dma_wait3A_306 = tpu.memref_slice %arg17[%dma_wait3A_305] : memref<4096xf32, #tpu.memory_space<vmem>> -> memref<4096xf32, #tpu.memory_space<vmem>>
      %dma_wait3A_307 = tpu.memref_slice %arg6[%add3A_20] : memref<1600000xf32, #tpu.memory_space<hbm>> -> memref<4096xf32, #tpu.memory_space<hbm>>
      %dma_wait3A_308 = tpu.memref_slice %arg6[%add3A_20] : memref<1600000xf32, #tpu.memory_space<hbm>> -> memref<4096xf32, #tpu.memory_space<hbm>>
      %dma_wait3A_309 = arith.constant 0 : i32
      %dma_wait3A_310 = tpu.memref_slice %arg17[%dma_wait3A_309] : memref<4096xf32, #tpu.memory_space<vmem>> -> memref<4096xf32, #tpu.memory_space<vmem>>
      tpu.wait_dma2 semaphore(%arg30 : memref<!tpu.dma_semaphore, #tpu.memory_space<semaphore_mem>>) src(%dma_wait3A_310 : memref<4096xf32, #tpu.memory_space<vmem>>) dst(%dma_wait3A_308 : memref<4096xf32, #tpu.memory_space<hbm>>)
      %dma_start3A_311 = arith.constant 0 : i32
      %dma_start3A_312 = tpu.memref_slice %arg17[%dma_start3A_311] : memref<4096xf32, #tpu.memory_space<vmem>> -> memref<2712xf32, #tpu.memory_space<vmem>>
      %dma_start3A_313 = tpu.memref_slice %arg2[%add3A_104] : memref<1600000xf32, #tpu.memory_space<hbm>> -> memref<2712xf32, #tpu.memory_space<hbm>>
      %dma_start3A_314 = arith.constant 0 : i32
      %dma_start3A_315 = tpu.memref_slice %arg17[%dma_start3A_314] : memref<4096xf32, #tpu.memory_space<vmem>> -> memref<2712xf32, #tpu.memory_space<vmem>>
      %dma_start3A_316 = tpu.memref_slice %arg2[%add3A_104] : memref<1600000xf32, #tpu.memory_space<hbm>> -> memref<2712xf32, #tpu.memory_space<hbm>>
      tpu.enqueue_dma source(%dma_start3A_316 : memref<2712xf32, #tpu.memory_space<hbm>>) target(%dma_start3A_315 : memref<2712xf32, #tpu.memory_space<vmem>>) target_semaphore(%arg30 : memref<!tpu.dma_semaphore, #tpu.memory_space<semaphore_mem>>)
      %dma_wait3A_317 = arith.constant 0 : i32
      %dma_wait3A_318 = tpu.memref_slice %arg18[%dma_wait3A_317] : memref<4096xf32, #tpu.memory_space<vmem>> -> memref<4096xf32, #tpu.memory_space<vmem>>
      %dma_wait3A_319 = tpu.memref_slice %arg2[%add3A_100] : memref<1600000xf32, #tpu.memory_space<hbm>> -> memref<4096xf32, #tpu.memory_space<hbm>>
      %dma_wait3A_320 = arith.constant 0 : i32
      %dma_wait3A_321 = tpu.memref_slice %arg18[%dma_wait3A_320] : memref<4096xf32, #tpu.memory_space<vmem>> -> memref<4096xf32, #tpu.memory_space<vmem>>
      %dma_wait3A_322 = tpu.memref_slice %arg2[%add3A_100] : memref<1600000xf32, #tpu.memory_space<hbm>> -> memref<4096xf32, #tpu.memory_space<hbm>>
      tpu.wait_dma2 semaphore(%arg31 : memref<!tpu.dma_semaphore, #tpu.memory_space<semaphore_mem>>) src(%dma_wait3A_322 : memref<4096xf32, #tpu.memory_space<hbm>>) dst(%dma_wait3A_321 : memref<4096xf32, #tpu.memory_space<vmem>>)
      %dma_start3A_323 = arith.constant 0 : i32
      %dma_start3A_324 = tpu.memref_slice %arg18[%dma_start3A_323] : memref<4096xf32, #tpu.memory_space<vmem>> -> memref<4096xf32, #tpu.memory_space<vmem>>
      %dma_start3A_325 = tpu.memref_slice %arg7[%add3A_102] : memref<764304xf32, #tpu.memory_space<vmem_shared>> -> memref<4096xf32, #tpu.memory_space<vmem_shared>>
      %dma_start3A_326 = tpu.memref_slice %arg7[%add3A_102] : memref<764304xf32, #tpu.memory_space<vmem_shared>> -> memref<4096xf32, #tpu.memory_space<vmem_shared>>
      %dma_start3A_327 = arith.constant 0 : i32
      %dma_start3A_328 = tpu.memref_slice %arg18[%dma_start3A_327] : memref<4096xf32, #tpu.memory_space<vmem>> -> memref<4096xf32, #tpu.memory_space<vmem>>
      tpu.enqueue_dma source(%dma_start3A_328 : memref<4096xf32, #tpu.memory_space<vmem>>) target(%dma_start3A_326 : memref<4096xf32, #tpu.memory_space<vmem_shared>>) target_semaphore(%arg31 : memref<!tpu.dma_semaphore, #tpu.memory_space<semaphore_mem>>)
      %dma_wait3A_329 = arith.constant 0 : i32
      %dma_wait3A_330 = tpu.memref_slice %arg18[%dma_wait3A_329] : memref<4096xf32, #tpu.memory_space<vmem>> -> memref<4096xf32, #tpu.memory_space<vmem>>
      %dma_wait3A_331 = tpu.memref_slice %arg7[%add3A_102] : memref<764304xf32, #tpu.memory_space<vmem_shared>> -> memref<4096xf32, #tpu.memory_space<vmem_shared>>
      %dma_wait3A_332 = tpu.memref_slice %arg7[%add3A_102] : memref<764304xf32, #tpu.memory_space<vmem_shared>> -> memref<4096xf32, #tpu.memory_space<vmem_shared>>
      %dma_wait3A_333 = arith.constant 0 : i32
      %dma_wait3A_334 = tpu.memref_slice %arg18[%dma_wait3A_333] : memref<4096xf32, #tpu.memory_space<vmem>> -> memref<4096xf32, #tpu.memory_space<vmem>>
      tpu.wait_dma2 semaphore(%arg31 : memref<!tpu.dma_semaphore, #tpu.memory_space<semaphore_mem>>) src(%dma_wait3A_334 : memref<4096xf32, #tpu.memory_space<vmem>>) dst(%dma_wait3A_332 : memref<4096xf32, #tpu.memory_space<vmem_shared>>)
      %dma_wait3A_335 = arith.constant 0 : i32
      %dma_wait3A_336 = tpu.memref_slice %arg16[%dma_wait3A_335] : memref<4096xf32, #tpu.memory_space<vmem>> -> memref<848xf32, #tpu.memory_space<vmem>>
      %dma_wait3A_337 = tpu.memref_slice %arg2[%add3A_22] : memref<1600000xf32, #tpu.memory_space<hbm>> -> memref<848xf32, #tpu.memory_space<hbm>>
      %dma_wait3A_338 = arith.constant 0 : i32
      %dma_wait3A_339 = tpu.memref_slice %arg16[%dma_wait3A_338] : memref<4096xf32, #tpu.memory_space<vmem>> -> memref<848xf32, #tpu.memory_space<vmem>>
      %dma_wait3A_340 = tpu.memref_slice %arg2[%add3A_22] : memref<1600000xf32, #tpu.memory_space<hbm>> -> memref<848xf32, #tpu.memory_space<hbm>>
      tpu.wait_dma2 semaphore(%arg29 : memref<!tpu.dma_semaphore, #tpu.memory_space<semaphore_mem>>) src(%dma_wait3A_340 : memref<848xf32, #tpu.memory_space<hbm>>) dst(%dma_wait3A_339 : memref<848xf32, #tpu.memory_space<vmem>>)
      %dma_start3A_341 = arith.constant 0 : i32
      %dma_start3A_342 = tpu.memref_slice %arg16[%dma_start3A_341] : memref<4096xf32, #tpu.memory_space<vmem>> -> memref<848xf32, #tpu.memory_space<vmem>>
      %dma_start3A_343 = tpu.memref_slice %arg6[%add3A_24] : memref<1600000xf32, #tpu.memory_space<hbm>> -> memref<848xf32, #tpu.memory_space<hbm>>
      %dma_start3A_344 = tpu.memref_slice %arg6[%add3A_24] : memref<1600000xf32, #tpu.memory_space<hbm>> -> memref<848xf32, #tpu.memory_space<hbm>>
      %dma_start3A_345 = arith.constant 0 : i32
      %dma_start3A_346 = tpu.memref_slice %arg16[%dma_start3A_345] : memref<4096xf32, #tpu.memory_space<vmem>> -> memref<848xf32, #tpu.memory_space<vmem>>
      tpu.enqueue_dma source(%dma_start3A_346 : memref<848xf32, #tpu.memory_space<vmem>>) target(%dma_start3A_344 : memref<848xf32, #tpu.memory_space<hbm>>) target_semaphore(%arg29 : memref<!tpu.dma_semaphore, #tpu.memory_space<semaphore_mem>>)
      %dma_wait3A_347 = arith.constant 0 : i32
      %dma_wait3A_348 = tpu.memref_slice %arg16[%dma_wait3A_347] : memref<4096xf32, #tpu.memory_space<vmem>> -> memref<848xf32, #tpu.memory_space<vmem>>
      %dma_wait3A_349 = tpu.memref_slice %arg6[%add3A_24] : memref<1600000xf32, #tpu.memory_space<hbm>> -> memref<848xf32, #tpu.memory_space<hbm>>
      %dma_wait3A_350 = tpu.memref_slice %arg6[%add3A_24] : memref<1600000xf32, #tpu.memory_space<hbm>> -> memref<848xf32, #tpu.memory_space<hbm>>
      %dma_wait3A_351 = arith.constant 0 : i32
      %dma_wait3A_352 = tpu.memref_slice %arg16[%dma_wait3A_351] : memref<4096xf32, #tpu.memory_space<vmem>> -> memref<848xf32, #tpu.memory_space<vmem>>
      tpu.wait_dma2 semaphore(%arg29 : memref<!tpu.dma_semaphore, #tpu.memory_space<semaphore_mem>>) src(%dma_wait3A_352 : memref<848xf32, #tpu.memory_space<vmem>>) dst(%dma_wait3A_350 : memref<848xf32, #tpu.memory_space<hbm>>)
      %dma_wait3A_353 = arith.constant 0 : i32
      %dma_wait3A_354 = tpu.memref_slice %arg17[%dma_wait3A_353] : memref<4096xf32, #tpu.memory_space<vmem>> -> memref<2712xf32, #tpu.memory_space<vmem>>
      %dma_wait3A_355 = tpu.memref_slice %arg2[%add3A_104] : memref<1600000xf32, #tpu.memory_space<hbm>> -> memref<2712xf32, #tpu.memory_space<hbm>>
      %dma_wait3A_356 = arith.constant 0 : i32
      %dma_wait3A_357 = tpu.memref_slice %arg17[%dma_wait3A_356] : memref<4096xf32, #tpu.memory_space<vmem>> -> memref<2712xf32, #tpu.memory_space<vmem>>
      %dma_wait3A_358 = tpu.memref_slice %arg2[%add3A_104] : memref<1600000xf32, #tpu.memory_space<hbm>> -> memref<2712xf32, #tpu.memory_space<hbm>>
      tpu.wait_dma2 semaphore(%arg30 : memref<!tpu.dma_semaphore, #tpu.memory_space<semaphore_mem>>) src(%dma_wait3A_358 : memref<2712xf32, #tpu.memory_space<hbm>>) dst(%dma_wait3A_357 : memref<2712xf32, #tpu.memory_space<vmem>>)
      %dma_start3A_359 = arith.constant 0 : i32
      %dma_start3A_360 = tpu.memref_slice %arg17[%dma_start3A_359] : memref<4096xf32, #tpu.memory_space<vmem>> -> memref<2712xf32, #tpu.memory_space<vmem>>
      %dma_start3A_361 = tpu.memref_slice %arg7[%add3A_106] : memref<764304xf32, #tpu.memory_space<vmem_shared>> -> memref<2712xf32, #tpu.memory_space<vmem_shared>>
      %dma_start3A_362 = tpu.memref_slice %arg7[%add3A_106] : memref<764304xf32, #tpu.memory_space<vmem_shared>> -> memref<2712xf32, #tpu.memory_space<vmem_shared>>
      %dma_start3A_363 = arith.constant 0 : i32
      %dma_start3A_364 = tpu.memref_slice %arg17[%dma_start3A_363] : memref<4096xf32, #tpu.memory_space<vmem>> -> memref<2712xf32, #tpu.memory_space<vmem>>
      tpu.enqueue_dma source(%dma_start3A_364 : memref<2712xf32, #tpu.memory_space<vmem>>) target(%dma_start3A_362 : memref<2712xf32, #tpu.memory_space<vmem_shared>>) target_semaphore(%arg30 : memref<!tpu.dma_semaphore, #tpu.memory_space<semaphore_mem>>)
      %dma_wait3A_365 = arith.constant 0 : i32
      %dma_wait3A_366 = tpu.memref_slice %arg17[%dma_wait3A_365] : memref<4096xf32, #tpu.memory_space<vmem>> -> memref<2712xf32, #tpu.memory_space<vmem>>
      %dma_wait3A_367 = tpu.memref_slice %arg7[%add3A_106] : memref<764304xf32, #tpu.memory_space<vmem_shared>> -> memref<2712xf32, #tpu.memory_space<vmem_shared>>
      %dma_wait3A_368 = tpu.memref_slice %arg7[%add3A_106] : memref<764304xf32, #tpu.memory_space<vmem_shared>> -> memref<2712xf32, #tpu.memory_space<vmem_shared>>
      %dma_wait3A_369 = arith.constant 0 : i32
      %dma_wait3A_370 = tpu.memref_slice %arg17[%dma_wait3A_369] : memref<4096xf32, #tpu.memory_space<vmem>> -> memref<2712xf32, #tpu.memory_space<vmem>>
      tpu.wait_dma2 semaphore(%arg30 : memref<!tpu.dma_semaphore, #tpu.memory_space<semaphore_mem>>) src(%dma_wait3A_370 : memref<2712xf32, #tpu.memory_space<vmem>>) dst(%dma_wait3A_368 : memref<2712xf32, #tpu.memory_space<vmem_shared>>)
    } else {
    }
    %eq3A_32 = arith.constant 15 : i32
    %eq3A_33 = arith.cmpi eq, %arg1, %eq3A_32 : i32
    %convert_element_type3A_34 = arith.extui %eq3A_33 : i1 to i32
    %cond3A_35 = arith.constant 0 : i32
    %cond3A_36 = arith.cmpi ne, %convert_element_type3A_34, %cond3A_35 : i32
    scf.if %cond3A_36 {
      %eq3A_77 = arith.constant 0 : i32
      %eq3A_78 = arith.cmpi eq, %arg0, %eq3A_77 : i32
      %jit3A_79 = arith.constant 131072 : i32
      %jit3A_80 = arith.constant 655360 : i32
      %select_n3A_81 = arith.select %eq3A_78, %jit3A_79, %jit3A_80 : i32
      "tpu.region"() ({
        %run_scoped3A = tpu.sem_alloc : memref<!tpu.dma_semaphore, #tpu.memory_space<semaphore_mem>>
        %dma_start3A_82 = arith.constant 0 : i32
        %dma_start3A_83 = tpu.memref_slice %arg27[%dma_start3A_82] : memref<4096xf32, #tpu.memory_space<vmem>> -> memref<16xf32, #tpu.memory_space<vmem>>
        %dma_start3A_84 = tpu.memref_slice %arg2[%select_n3A_81] : memref<1600000xf32, #tpu.memory_space<hbm>> -> memref<16xf32, #tpu.memory_space<hbm>>
        %dma_start3A_85 = arith.constant 0 : i32
        %dma_start3A_86 = tpu.memref_slice %arg27[%dma_start3A_85] : memref<4096xf32, #tpu.memory_space<vmem>> -> memref<16xf32, #tpu.memory_space<vmem>>
        %dma_start3A_87 = tpu.memref_slice %arg2[%select_n3A_81] : memref<1600000xf32, #tpu.memory_space<hbm>> -> memref<16xf32, #tpu.memory_space<hbm>>
        tpu.enqueue_dma source(%dma_start3A_87 : memref<16xf32, #tpu.memory_space<hbm>>) target(%dma_start3A_86 : memref<16xf32, #tpu.memory_space<vmem>>) target_semaphore(%run_scoped3A : memref<!tpu.dma_semaphore, #tpu.memory_space<semaphore_mem>>)
        %dma_wait3A_88 = arith.constant 0 : i32
        %dma_wait3A_89 = tpu.memref_slice %arg27[%dma_wait3A_88] : memref<4096xf32, #tpu.memory_space<vmem>> -> memref<16xf32, #tpu.memory_space<vmem>>
        %dma_wait3A_90 = tpu.memref_slice %arg2[%select_n3A_81] : memref<1600000xf32, #tpu.memory_space<hbm>> -> memref<16xf32, #tpu.memory_space<hbm>>
        %dma_wait3A_91 = arith.constant 0 : i32
        %dma_wait3A_92 = tpu.memref_slice %arg27[%dma_wait3A_91] : memref<4096xf32, #tpu.memory_space<vmem>> -> memref<16xf32, #tpu.memory_space<vmem>>
        %dma_wait3A_93 = tpu.memref_slice %arg2[%select_n3A_81] : memref<1600000xf32, #tpu.memory_space<hbm>> -> memref<16xf32, #tpu.memory_space<hbm>>
        tpu.wait_dma2 semaphore(%run_scoped3A : memref<!tpu.dma_semaphore, #tpu.memory_space<semaphore_mem>>) src(%dma_wait3A_93 : memref<16xf32, #tpu.memory_space<hbm>>) dst(%dma_wait3A_92 : memref<16xf32, #tpu.memory_space<vmem>>)
        tpu.yield
      }) : () -> ()
      "tpu.region"() ({
        %run_scoped3A = tpu.sem_alloc : memref<!tpu.dma_semaphore, #tpu.memory_space<semaphore_mem>>
        %dma_start3A_82 = arith.constant 0 : i32
        %dma_start3A_83 = tpu.memref_slice %arg27[%dma_start3A_82] : memref<4096xf32, #tpu.memory_space<vmem>> -> memref<16xf32, #tpu.memory_space<vmem>>
        %dma_start3A_84 = arith.constant 371072 : i32
        %dma_start3A_85 = tpu.memref_slice %arg7[%dma_start3A_84] : memref<764304xf32, #tpu.memory_space<vmem_shared>> -> memref<16xf32, #tpu.memory_space<vmem_shared>>
        %dma_start3A_86 = arith.constant 371072 : i32
        %dma_start3A_87 = tpu.memref_slice %arg7[%dma_start3A_86] : memref<764304xf32, #tpu.memory_space<vmem_shared>> -> memref<16xf32, #tpu.memory_space<vmem_shared>>
        %dma_start3A_88 = arith.constant 0 : i32
        %dma_start3A_89 = tpu.memref_slice %arg27[%dma_start3A_88] : memref<4096xf32, #tpu.memory_space<vmem>> -> memref<16xf32, #tpu.memory_space<vmem>>
        tpu.enqueue_dma source(%dma_start3A_89 : memref<16xf32, #tpu.memory_space<vmem>>) target(%dma_start3A_87 : memref<16xf32, #tpu.memory_space<vmem_shared>>) target_semaphore(%run_scoped3A : memref<!tpu.dma_semaphore, #tpu.memory_space<semaphore_mem>>)
        %dma_wait3A_90 = arith.constant 0 : i32
        %dma_wait3A_91 = tpu.memref_slice %arg27[%dma_wait3A_90] : memref<4096xf32, #tpu.memory_space<vmem>> -> memref<16xf32, #tpu.memory_space<vmem>>
        %dma_wait3A_92 = arith.constant 371072 : i32
        %dma_wait3A_93 = tpu.memref_slice %arg7[%dma_wait3A_92] : memref<764304xf32, #tpu.memory_space<vmem_shared>> -> memref<16xf32, #tpu.memory_space<vmem_shared>>
        %dma_wait3A_94 = arith.constant 371072 : i32
        %dma_wait3A_95 = tpu.memref_slice %arg7[%dma_wait3A_94] : memref<764304xf32, #tpu.memory_space<vmem_shared>> -> memref<16xf32, #tpu.memory_space<vmem_shared>>
        %dma_wait3A_96 = arith.constant 0 : i32
        %dma_wait3A_97 = tpu.memref_slice %arg27[%dma_wait3A_96] : memref<4096xf32, #tpu.memory_space<vmem>> -> memref<16xf32, #tpu.memory_space<vmem>>
        tpu.wait_dma2 semaphore(%run_scoped3A : memref<!tpu.dma_semaphore, #tpu.memory_space<semaphore_mem>>) src(%dma_wait3A_97 : memref<16xf32, #tpu.memory_space<vmem>>) dst(%dma_wait3A_95 : memref<16xf32, #tpu.memory_space<vmem_shared>>)
        tpu.yield
      }) : () -> ()
    } else {
    }
    %barrier3A = arith.constant 0 : index
    tpu.barrier barrier_id(%barrier3A)
    %eq3A_37 = arith.constant 0 : i32
    %eq3A_38 = arith.cmpi eq, %arg0, %eq3A_37 : i32
    %jit3A = arith.constant 1360000 : i32
    %jit3A_39 = arith.constant 284288 : i32
    %select_n3A = arith.select %eq3A_38, %jit3A, %jit3A_39 : i32
    %eq3A_40 = arith.constant 0 : i32
    %eq3A_41 = arith.cmpi eq, %arg0, %eq3A_40 : i32
    %jit3A_42 = arith.constant 1360000 : i32
    %jit3A_43 = arith.constant 0 : i32
    %select_n3A_44 = arith.select %eq3A_41, %jit3A_42, %jit3A_43 : i32
    %iota3A = tpu.iota {dimensions = array<i32: 0>} : vector<16xi32>
    %mul3A_45 = arith.constant 524288 : i32
    %mul3A_46 = arith.muli %arg0, %mul3A_45 : i32
    %mul3A_47 = arith.constant 4096 : i32
    %mul3A_48 = arith.muli %arg1, %mul3A_47 : i32
    %add3A_49 = arith.addi %mul3A_46, %mul3A_48 : i32
    %add3A_50 = arith.constant 0 : i32
    %add3A_51 = arith.addi %add3A_49, %add3A_50 : i32
    %dma_start3A = tpu.memref_slice %arg4[%add3A_51] : memref<1048576xf32, #tpu.memory_space<hbm>> -> memref<4096xf32, #tpu.memory_space<hbm>>
    %dma_start3A_52 = tpu.memref_slice %arg4[%add3A_51] : memref<1048576xf32, #tpu.memory_space<hbm>> -> memref<4096xf32, #tpu.memory_space<hbm>>
    tpu.enqueue_dma source(%dma_start3A_52 : memref<4096xf32, #tpu.memory_space<hbm>>) target(%arg8 : memref<4096xf32, #tpu.memory_space<vmem>>) target_semaphore(%arg22 : memref<!tpu.dma_semaphore, #tpu.memory_space<semaphore_mem>>)
    %dma_start3A_53 = tpu.memref_slice %arg3[%add3A_51] : memref<1048576xf32, #tpu.memory_space<hbm>> -> memref<4096xf32, #tpu.memory_space<hbm>>
    %dma_start3A_54 = tpu.memref_slice %arg3[%add3A_51] : memref<1048576xf32, #tpu.memory_space<hbm>> -> memref<4096xf32, #tpu.memory_space<hbm>>
    tpu.enqueue_dma source(%dma_start3A_54 : memref<4096xf32, #tpu.memory_space<hbm>>) target(%arg10 : memref<4096xf32, #tpu.memory_space<vmem>>) target_semaphore(%arg22 : memref<!tpu.dma_semaphore, #tpu.memory_space<semaphore_mem>>)
    %add3A_55 = arith.constant 65536 : i32
    %add3A_56 = arith.addi %add3A_49, %add3A_55 : i32
    %dma_start3A_57 = tpu.memref_slice %arg4[%add3A_56] : memref<1048576xf32, #tpu.memory_space<hbm>> -> memref<4096xf32, #tpu.memory_space<hbm>>
    %dma_start3A_58 = tpu.memref_slice %arg4[%add3A_56] : memref<1048576xf32, #tpu.memory_space<hbm>> -> memref<4096xf32, #tpu.memory_space<hbm>>
    tpu.enqueue_dma source(%dma_start3A_58 : memref<4096xf32, #tpu.memory_space<hbm>>) target(%arg9 : memref<4096xf32, #tpu.memory_space<vmem>>) target_semaphore(%arg22 : memref<!tpu.dma_semaphore, #tpu.memory_space<semaphore_mem>>)
    %dma_start3A_59 = tpu.memref_slice %arg3[%add3A_56] : memref<1048576xf32, #tpu.memory_space<hbm>> -> memref<4096xf32, #tpu.memory_space<hbm>>
    %dma_start3A_60 = tpu.memref_slice %arg3[%add3A_56] : memref<1048576xf32, #tpu.memory_space<hbm>> -> memref<4096xf32, #tpu.memory_space<hbm>>
    tpu.enqueue_dma source(%dma_start3A_60 : memref<4096xf32, #tpu.memory_space<hbm>>) target(%arg11 : memref<4096xf32, #tpu.memory_space<vmem>>) target_semaphore(%arg22 : memref<!tpu.dma_semaphore, #tpu.memory_space<semaphore_mem>>)
    %scan3A = arith.constant 0 : i32
    %scan3A_61 = arith.constant 0 : i32
    %scan3A_62 = arith.constant 5 : i32
    %scan3A_63 = arith.addi %scan3A_61, %scan3A_62 : i32
    %scan3A_64 = arith.constant 1 : i32
    scf.for %scan3A_77 = %scan3A_61 to %scan3A_63 step %scan3A_64  : i32 {
      %mul3A_78 = arith.constant 2 : i32
      %mul3A_79 = arith.muli %mul3A_78, %scan3A_77 : i32
      %mul3A_80 = arith.constant 65536 : i32
      %mul3A_81 = arith.muli %mul3A_79, %mul3A_80 : i32
      %add3A_82 = arith.addi %add3A_49, %mul3A_81 : i32
      %ge3A = arith.constant 2 : i32
      %ge3A_83 = arith.cmpi sge, %mul3A_79, %ge3A : i32
      %lt3A = arith.constant 8 : i32
      %lt3A_84 = arith.cmpi slt, %mul3A_79, %lt3A : i32
      %and3A = arith.andi %ge3A_83, %lt3A_84 : i1
      %convert_element_type3A_85 = arith.extui %and3A : i1 to i32
      %cond3A_86 = arith.constant 0 : i32
      %cond3A_87 = arith.cmpi ne, %convert_element_type3A_85, %cond3A_86 : i32
      scf.if %cond3A_87 {
        %mul3A_192 = arith.constant 65536 : i32
        %mul3A_193 = arith.muli %mul3A_79, %mul3A_192 : i32
        %add3A_194 = arith.constant 240000 : i32
        %add3A_195 = arith.addi %add3A_194, %mul3A_193 : i32
        %add3A_196 = arith.constant 16 : i32
        %add3A_197 = arith.addi %add3A_195, %add3A_196 : i32
        %mul3A_198 = arith.constant 4096 : i32
        %mul3A_199 = arith.muli %arg1, %mul3A_198 : i32
        %add3A_200 = arith.addi %add3A_197, %mul3A_199 : i32
        %dma_wait3A_201 = tpu.memref_slice %arg7[%add3A_200] : memref<764304xf32, #tpu.memory_space<vmem_shared>> -> memref<4096xf32, #tpu.memory_space<vmem_shared>>
        %dma_wait3A_202 = tpu.memref_slice %arg7[%add3A_200] : memref<764304xf32, #tpu.memory_space<vmem_shared>> -> memref<4096xf32, #tpu.memory_space<vmem_shared>>
        tpu.wait_dma2 semaphore(%arg32 : memref<!tpu.dma_semaphore, #tpu.memory_space<semaphore_mem>>) src(%arg27 : memref<4096xf32, #tpu.memory_space<vmem>>) dst(%dma_wait3A_202 : memref<4096xf32, #tpu.memory_space<vmem_shared>>)
      } else {
      }
      %ge3A_88 = arith.constant 2 : i32
      %ge3A_89 = arith.cmpi sge, %mul3A_79, %ge3A_88 : i32
      %le3A = arith.constant 8 : i32
      %le3A_90 = arith.cmpi sle, %mul3A_79, %le3A : i32
      %and3A_91 = arith.andi %ge3A_89, %le3A_90 : i1
      %convert_element_type3A_92 = arith.extui %and3A_91 : i1 to i32
      %cond3A_93 = arith.constant 0 : i32
      %cond3A_94 = arith.cmpi ne, %convert_element_type3A_92, %cond3A_93 : i32
      scf.if %cond3A_94 {
        %barrier3A_192 = arith.constant 0 : index
        tpu.barrier barrier_id(%barrier3A_192)
      } else {
      }
      %lt3A_95 = arith.constant 8 : i32
      %lt3A_96 = arith.cmpi slt, %mul3A_79, %lt3A_95 : i32
      %convert_element_type3A_97 = arith.extui %lt3A_96 : i1 to i32
      %cond3A_98 = arith.constant 0 : i32
      %cond3A_99 = arith.cmpi ne, %convert_element_type3A_97, %cond3A_98 : i32
      scf.if %cond3A_99 {
        %mul3A_192 = arith.constant 65536 : i32
        %mul3A_193 = arith.muli %mul3A_79, %mul3A_192 : i32
        %add3A_194 = arith.addi %add3A_49, %mul3A_193 : i32
        %dma_wait3A_195 = tpu.memref_slice %arg4[%add3A_194] : memref<1048576xf32, #tpu.memory_space<hbm>> -> memref<4096xf32, #tpu.memory_space<hbm>>
        %dma_wait3A_196 = tpu.memref_slice %arg4[%add3A_194] : memref<1048576xf32, #tpu.memory_space<hbm>> -> memref<4096xf32, #tpu.memory_space<hbm>>
        tpu.wait_dma2 semaphore(%arg22 : memref<!tpu.dma_semaphore, #tpu.memory_space<semaphore_mem>>) src(%dma_wait3A_196 : memref<4096xf32, #tpu.memory_space<hbm>>) dst(%arg8 : memref<4096xf32, #tpu.memory_space<vmem>>)
        %dma_wait3A_197 = tpu.memref_slice %arg3[%add3A_194] : memref<1048576xf32, #tpu.memory_space<hbm>> -> memref<4096xf32, #tpu.memory_space<hbm>>
        %dma_wait3A_198 = tpu.memref_slice %arg3[%add3A_194] : memref<1048576xf32, #tpu.memory_space<hbm>> -> memref<4096xf32, #tpu.memory_space<hbm>>
        tpu.wait_dma2 semaphore(%arg22 : memref<!tpu.dma_semaphore, #tpu.memory_space<semaphore_mem>>) src(%dma_wait3A_198 : memref<4096xf32, #tpu.memory_space<hbm>>) dst(%arg10 : memref<4096xf32, #tpu.memory_space<vmem>>)
        %add3A_199 = vector.broadcast %add3A_82 : i32 to vector<16xi32>
        %add3A_200 = arith.addi %add3A_199, %iota3A : vector<16xi32>
        %convert_element_type3A_201 = arith.sitofp %add3A_200 : vector<16xi32> to vector<16xf32>
        %parallel_loop3A = arith.constant 0 : i32
        %parallel_loop3A_202 = arith.constant 256 : i32
        %parallel_loop3A_203 = arith.constant 1 : i32
        %parallel_loop3A_204 = scf.for %parallel_loop3A_258 = %parallel_loop3A to %parallel_loop3A_202 step %parallel_loop3A_203 iter_args(%parallel_loop3A_259 = %convert_element_type3A_201) -> (vector<16xf32>)  : i32 {
          %parallel_loop3A_260 = arith.constant 16 : i32
          %parallel_loop3A_261 = arith.muli %parallel_loop3A_258, %parallel_loop3A_260 : i32
          %parallel_loop3A_262 = arith.index_cast %parallel_loop3A_261 : i32 to index
          %parallel_loop3A_263 = tpu.vector_load %arg8[%parallel_loop3A_262] {strides = array<i32>} : memref<4096xf32, #tpu.memory_space<vmem>>, vector<16xf32>,
          %parallel_loop3A_264 = vector.shape_cast %parallel_loop3A_263 : vector<16xf32> to vector<16xf32>
          %parallel_loop3A_265 = arith.constant 4.800000e+04 : f32
          %parallel_loop3A_266 = vector.broadcast %parallel_loop3A_265 : f32 to vector<16xf32>
          %parallel_loop3A_267 = arith.mulf %parallel_loop3A_264, %parallel_loop3A_266 : vector<16xf32>
          %parallel_loop3A_268 = arith.subf %parallel_loop3A_259, %parallel_loop3A_267 : vector<16xf32>
          %parallel_loop3A_269 = arith.constant 0.000000e+00 : f32
          %parallel_loop3A_270 = vector.broadcast %parallel_loop3A_269 : f32 to vector<16xf32>
          %parallel_loop3A_271 = arith.cmpf olt, %parallel_loop3A_268, %parallel_loop3A_270 : vector<16xf32>
          %parallel_loop3A_272 = arith.constant 1.600000e+06 : f32
          %parallel_loop3A_273 = vector.broadcast %parallel_loop3A_272 : f32 to vector<16xf32>
          %parallel_loop3A_274 = arith.addf %parallel_loop3A_268, %parallel_loop3A_273 : vector<16xf32>
          %parallel_loop3A_275 = arith.select %parallel_loop3A_271, %parallel_loop3A_274, %parallel_loop3A_268 : vector<16xi1>, vector<16xf32>
          %parallel_loop3A_276 = arith.fptosi %parallel_loop3A_275 : vector<16xf32> to vector<16xi32>
          %parallel_loop3A_277 = arith.sitofp %parallel_loop3A_276 : vector<16xi32> to vector<16xf32>
          %parallel_loop3A_278 = arith.subf %parallel_loop3A_275, %parallel_loop3A_277 : vector<16xf32>
          %parallel_loop3A_279 = arith.constant 1599999 : i32
          %parallel_loop3A_280 = vector.broadcast %parallel_loop3A_279 : i32 to vector<16xi32>
          %parallel_loop3A_281 = arith.minsi %parallel_loop3A_276, %parallel_loop3A_280 : vector<16xi32>
          %parallel_loop3A_282 = vector.broadcast %select_n3A : i32 to vector<16xi32>
          %parallel_loop3A_283 = arith.subi %parallel_loop3A_281, %parallel_loop3A_282 : vector<16xi32>
          %parallel_loop3A_284 = vector.broadcast %select_n3A_44 : i32 to vector<16xi32>
          %parallel_loop3A_285 = arith.cmpi slt, %parallel_loop3A_281, %parallel_loop3A_284 : vector<16xi32>
          %parallel_loop3A_286 = arith.constant 1600000 : i32
          %parallel_loop3A_287 = arith.constant 0 : i32
          %parallel_loop3A_288 = vector.broadcast %parallel_loop3A_286 : i32 to vector<16xi32>
          %parallel_loop3A_289 = vector.broadcast %parallel_loop3A_287 : i32 to vector<16xi32>
          %parallel_loop3A_290 = arith.select %parallel_loop3A_285, %parallel_loop3A_288, %parallel_loop3A_289 : vector<16xi1>, vector<16xi32>
          %parallel_loop3A_291 = arith.addi %parallel_loop3A_283, %parallel_loop3A_290 : vector<16xi32>
          %parallel_loop3A_292 = arith.index_cast %parallel_loop3A_261 : i32 to index
          %parallel_loop3A_293 = tpu.vector_load %arg12[%parallel_loop3A_292] {strides = array<i32>} : memref<4096xi32, #tpu.memory_space<vmem>>, vector<16xi32>,
          %parallel_loop3A_294 = vector.shape_cast %parallel_loop3A_293 : vector<16xi32> to vector<16xi32>
          %parallel_loop3A_295 = vector.shape_cast %parallel_loop3A_291 : vector<16xi32> to vector<16xi32>
          tpu.vector_store %arg12[%parallel_loop3A_292], %parallel_loop3A_295 {strides = array<i32>} : memref<4096xi32, #tpu.memory_space<vmem>>, vector<16xi32>,
          %parallel_loop3A_296 = arith.constant 1 : i32
          %parallel_loop3A_297 = vector.broadcast %parallel_loop3A_296 : i32 to vector<16xi32>
          %parallel_loop3A_298 = arith.addi %parallel_loop3A_291, %parallel_loop3A_297 : vector<16xi32>
          %parallel_loop3A_299 = arith.index_cast %parallel_loop3A_261 : i32 to index
          %parallel_loop3A_300 = tpu.vector_load %arg14[%parallel_loop3A_299] {strides = array<i32>} : memref<4096xi32, #tpu.memory_space<vmem>>, vector<16xi32>,
          %parallel_loop3A_301 = vector.shape_cast %parallel_loop3A_300 : vector<16xi32> to vector<16xi32>
          %parallel_loop3A_302 = vector.shape_cast %parallel_loop3A_298 : vector<16xi32> to vector<16xi32>
          tpu.vector_store %arg14[%parallel_loop3A_299], %parallel_loop3A_302 {strides = array<i32>} : memref<4096xi32, #tpu.memory_space<vmem>>, vector<16xi32>,
          %parallel_loop3A_303 = arith.index_cast %parallel_loop3A_261 : i32 to index
          %parallel_loop3A_304 = tpu.vector_load %arg8[%parallel_loop3A_303] {strides = array<i32>} : memref<4096xf32, #tpu.memory_space<vmem>>, vector<16xf32>,
          %parallel_loop3A_305 = vector.shape_cast %parallel_loop3A_304 : vector<16xf32> to vector<16xf32>
          %parallel_loop3A_306 = vector.shape_cast %parallel_loop3A_278 : vector<16xf32> to vector<16xf32>
          tpu.vector_store %arg8[%parallel_loop3A_303], %parallel_loop3A_306 {strides = array<i32>} : memref<4096xf32, #tpu.memory_space<vmem>>, vector<16xf32>,
          %parallel_loop3A_307 = arith.constant 1.600000e+01 : f32
          %parallel_loop3A_308 = vector.broadcast %parallel_loop3A_307 : f32 to vector<16xf32>
          %parallel_loop3A_309 = arith.addf %parallel_loop3A_259, %parallel_loop3A_308 : vector<16xf32>
          scf.yield %parallel_loop3A_309 : vector<16xf32>
        } {sc.loop_unroll_factor = 4 : i64, sc.parallel_access}
        %ge3A_205 = arith.constant 2 : i32
        %ge3A_206 = arith.cmpi sge, %mul3A_79, %ge3A_205 : i32
        %convert_element_type3A_207 = arith.extui %ge3A_206 : i1 to i32
        %cond3A_208 = arith.constant 0 : i32
        %cond3A_209 = arith.cmpi ne, %convert_element_type3A_207, %cond3A_208 : i32
        scf.if %cond3A_209 {
          %sub3A = arith.constant 2 : i32
          %sub3A_258 = arith.subi %mul3A_79, %sub3A : i32
          %mul3A_259 = arith.constant 65536 : i32
          %mul3A_260 = arith.muli %sub3A_258, %mul3A_259 : i32
          %add3A_261 = arith.addi %add3A_49, %mul3A_260 : i32
          %dma_wait3A_262 = tpu.memref_slice %arg5[%add3A_261] : memref<1048576xf32, #tpu.memory_space<hbm>> -> memref<4096xf32, #tpu.memory_space<hbm>>
          %dma_wait3A_263 = tpu.memref_slice %arg5[%add3A_261] : memref<1048576xf32, #tpu.memory_space<hbm>> -> memref<4096xf32, #tpu.memory_space<hbm>>
          tpu.wait_dma2 semaphore(%arg25 : memref<!tpu.dma_semaphore, #tpu.memory_space<semaphore_mem>>) src(%arg16 : memref<4096xf32, #tpu.memory_space<vmem>>) dst(%dma_wait3A_263 : memref<4096xf32, #tpu.memory_space<hbm>>)
          %dma_wait3A_264 = tpu.memref_slice %arg6[%add3A_261] : memref<1600000xf32, #tpu.memory_space<hbm>> -> memref<4096xf32, #tpu.memory_space<hbm>>
          %dma_wait3A_265 = tpu.memref_slice %arg6[%add3A_261] : memref<1600000xf32, #tpu.memory_space<hbm>> -> memref<4096xf32, #tpu.memory_space<hbm>>
          tpu.wait_dma2 semaphore(%arg25 : memref<!tpu.dma_semaphore, #tpu.memory_space<semaphore_mem>>) src(%arg20 : memref<4096xf32, #tpu.memory_space<vmem>>) dst(%dma_wait3A_265 : memref<4096xf32, #tpu.memory_space<hbm>>)
        } else {
        }
        %dma_start3A_210 = arith.constant 0 : i32
        %dma_start3A_211 = tpu.memref_slice %arg16[%dma_start3A_210] : memref<4096xf32, #tpu.memory_space<vmem>> -> memref<1024xf32, #tpu.memory_space<vmem>>
        %dma_start3A_212 = arith.constant 0 : i32
        %dma_start3A_213 = tpu.memref_slice %arg12[%dma_start3A_212] : memref<4096xi32, #tpu.memory_space<vmem>> -> memref<1024xi32, #tpu.memory_space<vmem>>
        %dma_start3A_214 = arith.constant 0 : i32
        %dma_start3A_215 = tpu.memref_slice %arg7[%dma_start3A_214] : memref<764304xf32, #tpu.memory_space<vmem_shared>> -> memref<764304xf32, #tpu.memory_space<vmem_shared>>
        tpu.enqueue_indirect_dma source(%dma_start3A_215 : memref<764304xf32, #tpu.memory_space<vmem_shared>>) target(%dma_start3A_211 : memref<1024xf32, #tpu.memory_space<vmem>>) offsets(%dma_start3A_213 : memref<1024xi32, #tpu.memory_space<vmem>>) semaphore(%arg23 : memref<!tpu.dma_semaphore, #tpu.memory_space<semaphore_mem>>)
        %dma_start3A_216 = arith.constant 0 : i32
        %dma_start3A_217 = tpu.memref_slice %arg18[%dma_start3A_216] : memref<4096xf32, #tpu.memory_space<vmem>> -> memref<1024xf32, #tpu.memory_space<vmem>>
        %dma_start3A_218 = arith.constant 0 : i32
        %dma_start3A_219 = tpu.memref_slice %arg14[%dma_start3A_218] : memref<4096xi32, #tpu.memory_space<vmem>> -> memref<1024xi32, #tpu.memory_space<vmem>>
        %dma_start3A_220 = arith.constant 0 : i32
        %dma_start3A_221 = tpu.memref_slice %arg7[%dma_start3A_220] : memref<764304xf32, #tpu.memory_space<vmem_shared>> -> memref<764304xf32, #tpu.memory_space<vmem_shared>>
        tpu.enqueue_indirect_dma source(%dma_start3A_221 : memref<764304xf32, #tpu.memory_space<vmem_shared>>) target(%dma_start3A_217 : memref<1024xf32, #tpu.memory_space<vmem>>) offsets(%dma_start3A_219 : memref<1024xi32, #tpu.memory_space<vmem>>) semaphore(%arg23 : memref<!tpu.dma_semaphore, #tpu.memory_space<semaphore_mem>>)
        %dma_start3A_222 = arith.constant 1024 : i32
        %dma_start3A_223 = tpu.memref_slice %arg16[%dma_start3A_222] : memref<4096xf32, #tpu.memory_space<vmem>> -> memref<1024xf32, #tpu.memory_space<vmem>>
        %dma_start3A_224 = arith.constant 1024 : i32
        %dma_start3A_225 = tpu.memref_slice %arg12[%dma_start3A_224] : memref<4096xi32, #tpu.memory_space<vmem>> -> memref<1024xi32, #tpu.memory_space<vmem>>
        %dma_start3A_226 = arith.constant 0 : i32
        %dma_start3A_227 = tpu.memref_slice %arg7[%dma_start3A_226] : memref<764304xf32, #tpu.memory_space<vmem_shared>> -> memref<764304xf32, #tpu.memory_space<vmem_shared>>
        tpu.enqueue_indirect_dma source(%dma_start3A_227 : memref<764304xf32, #tpu.memory_space<vmem_shared>>) target(%dma_start3A_223 : memref<1024xf32, #tpu.memory_space<vmem>>) offsets(%dma_start3A_225 : memref<1024xi32, #tpu.memory_space<vmem>>) semaphore(%arg23 : memref<!tpu.dma_semaphore, #tpu.memory_space<semaphore_mem>>)
        %dma_start3A_228 = arith.constant 1024 : i32
        %dma_start3A_229 = tpu.memref_slice %arg18[%dma_start3A_228] : memref<4096xf32, #tpu.memory_space<vmem>> -> memref<1024xf32, #tpu.memory_space<vmem>>
        %dma_start3A_230 = arith.constant 1024 : i32
        %dma_start3A_231 = tpu.memref_slice %arg14[%dma_start3A_230] : memref<4096xi32, #tpu.memory_space<vmem>> -> memref<1024xi32, #tpu.memory_space<vmem>>
        %dma_start3A_232 = arith.constant 0 : i32
        %dma_start3A_233 = tpu.memref_slice %arg7[%dma_start3A_232] : memref<764304xf32, #tpu.memory_space<vmem_shared>> -> memref<764304xf32, #tpu.memory_space<vmem_shared>>
        tpu.enqueue_indirect_dma source(%dma_start3A_233 : memref<764304xf32, #tpu.memory_space<vmem_shared>>) target(%dma_start3A_229 : memref<1024xf32, #tpu.memory_space<vmem>>) offsets(%dma_start3A_231 : memref<1024xi32, #tpu.memory_space<vmem>>) semaphore(%arg23 : memref<!tpu.dma_semaphore, #tpu.memory_space<semaphore_mem>>)
        %dma_start3A_234 = arith.constant 2048 : i32
        %dma_start3A_235 = tpu.memref_slice %arg16[%dma_start3A_234] : memref<4096xf32, #tpu.memory_space<vmem>> -> memref<1024xf32, #tpu.memory_space<vmem>>
        %dma_start3A_236 = arith.constant 2048 : i32
        %dma_start3A_237 = tpu.memref_slice %arg12[%dma_start3A_236] : memref<4096xi32, #tpu.memory_space<vmem>> -> memref<1024xi32, #tpu.memory_space<vmem>>
        %dma_start3A_238 = arith.constant 0 : i32
        %dma_start3A_239 = tpu.memref_slice %arg7[%dma_start3A_238] : memref<764304xf32, #tpu.memory_space<vmem_shared>> -> memref<764304xf32, #tpu.memory_space<vmem_shared>>
        tpu.enqueue_indirect_dma source(%dma_start3A_239 : memref<764304xf32, #tpu.memory_space<vmem_shared>>) target(%dma_start3A_235 : memref<1024xf32, #tpu.memory_space<vmem>>) offsets(%dma_start3A_237 : memref<1024xi32, #tpu.memory_space<vmem>>) semaphore(%arg23 : memref<!tpu.dma_semaphore, #tpu.memory_space<semaphore_mem>>)
        %dma_start3A_240 = arith.constant 2048 : i32
        %dma_start3A_241 = tpu.memref_slice %arg18[%dma_start3A_240] : memref<4096xf32, #tpu.memory_space<vmem>> -> memref<1024xf32, #tpu.memory_space<vmem>>
        %dma_start3A_242 = arith.constant 2048 : i32
        %dma_start3A_243 = tpu.memref_slice %arg14[%dma_start3A_242] : memref<4096xi32, #tpu.memory_space<vmem>> -> memref<1024xi32, #tpu.memory_space<vmem>>
        %dma_start3A_244 = arith.constant 0 : i32
        %dma_start3A_245 = tpu.memref_slice %arg7[%dma_start3A_244] : memref<764304xf32, #tpu.memory_space<vmem_shared>> -> memref<764304xf32, #tpu.memory_space<vmem_shared>>
        tpu.enqueue_indirect_dma source(%dma_start3A_245 : memref<764304xf32, #tpu.memory_space<vmem_shared>>) target(%dma_start3A_241 : memref<1024xf32, #tpu.memory_space<vmem>>) offsets(%dma_start3A_243 : memref<1024xi32, #tpu.memory_space<vmem>>) semaphore(%arg23 : memref<!tpu.dma_semaphore, #tpu.memory_space<semaphore_mem>>)
        %dma_start3A_246 = arith.constant 3072 : i32
        %dma_start3A_247 = tpu.memref_slice %arg16[%dma_start3A_246] : memref<4096xf32, #tpu.memory_space<vmem>> -> memref<1024xf32, #tpu.memory_space<vmem>>
        %dma_start3A_248 = arith.constant 3072 : i32
        %dma_start3A_249 = tpu.memref_slice %arg12[%dma_start3A_248] : memref<4096xi32, #tpu.memory_space<vmem>> -> memref<1024xi32, #tpu.memory_space<vmem>>
        %dma_start3A_250 = arith.constant 0 : i32
        %dma_start3A_251 = tpu.memref_slice %arg7[%dma_start3A_250] : memref<764304xf32, #tpu.memory_space<vmem_shared>> -> memref<764304xf32, #tpu.memory_space<vmem_shared>>
        tpu.enqueue_indirect_dma source(%dma_start3A_251 : memref<764304xf32, #tpu.memory_space<vmem_shared>>) target(%dma_start3A_247 : memref<1024xf32, #tpu.memory_space<vmem>>) offsets(%dma_start3A_249 : memref<1024xi32, #tpu.memory_space<vmem>>) semaphore(%arg23 : memref<!tpu.dma_semaphore, #tpu.memory_space<semaphore_mem>>)
        %dma_start3A_252 = arith.constant 3072 : i32
        %dma_start3A_253 = tpu.memref_slice %arg18[%dma_start3A_252] : memref<4096xf32, #tpu.memory_space<vmem>> -> memref<1024xf32, #tpu.memory_space<vmem>>
        %dma_start3A_254 = arith.constant 3072 : i32
        %dma_start3A_255 = tpu.memref_slice %arg14[%dma_start3A_254] : memref<4096xi32, #tpu.memory_space<vmem>> -> memref<1024xi32, #tpu.memory_space<vmem>>
        %dma_start3A_256 = arith.constant 0 : i32
        %dma_start3A_257 = tpu.memref_slice %arg7[%dma_start3A_256] : memref<764304xf32, #tpu.memory_space<vmem_shared>> -> memref<764304xf32, #tpu.memory_space<vmem_shared>>
        tpu.enqueue_indirect_dma source(%dma_start3A_257 : memref<764304xf32, #tpu.memory_space<vmem_shared>>) target(%dma_start3A_253 : memref<1024xf32, #tpu.memory_space<vmem>>) offsets(%dma_start3A_255 : memref<1024xi32, #tpu.memory_space<vmem>>) semaphore(%arg23 : memref<!tpu.dma_semaphore, #tpu.memory_space<semaphore_mem>>)
      } else {
      }
      %ge3A_100 = arith.constant 1 : i32
      %ge3A_101 = arith.cmpi sge, %mul3A_79, %ge3A_100 : i32
      %le3A_102 = arith.constant 8 : i32
      %le3A_103 = arith.cmpi sle, %mul3A_79, %le3A_102 : i32
      %and3A_104 = arith.andi %ge3A_101, %le3A_103 : i1
      %convert_element_type3A_105 = arith.extui %and3A_104 : i1 to i32
      %cond3A_106 = arith.constant 0 : i32
      %cond3A_107 = arith.cmpi ne, %convert_element_type3A_105, %cond3A_106 : i32
      scf.if %cond3A_107 {
        %dma_wait3A_192 = arith.constant 0 : i32
        %dma_wait3A_193 = tpu.memref_slice %arg4[%dma_wait3A_192] : memref<1048576xf32, #tpu.memory_space<hbm>> -> memref<4096xf32, #tpu.memory_space<hbm>>
        %dma_wait3A_194 = arith.constant 0 : i32
        %dma_wait3A_195 = tpu.memref_slice %arg4[%dma_wait3A_194] : memref<1048576xf32, #tpu.memory_space<hbm>> -> memref<4096xf32, #tpu.memory_space<hbm>>
        tpu.wait_dma2 semaphore(%arg24 : memref<!tpu.dma_semaphore, #tpu.memory_space<semaphore_mem>>) src(%dma_wait3A_195 : memref<4096xf32, #tpu.memory_space<hbm>>) dst(%arg17 : memref<4096xf32, #tpu.memory_space<vmem>>)
        %dma_wait3A_196 = arith.constant 0 : i32
        %dma_wait3A_197 = tpu.memref_slice %arg4[%dma_wait3A_196] : memref<1048576xf32, #tpu.memory_space<hbm>> -> memref<4096xf32, #tpu.memory_space<hbm>>
        %dma_wait3A_198 = arith.constant 0 : i32
        %dma_wait3A_199 = tpu.memref_slice %arg4[%dma_wait3A_198] : memref<1048576xf32, #tpu.memory_space<hbm>> -> memref<4096xf32, #tpu.memory_space<hbm>>
        tpu.wait_dma2 semaphore(%arg24 : memref<!tpu.dma_semaphore, #tpu.memory_space<semaphore_mem>>) src(%dma_wait3A_199 : memref<4096xf32, #tpu.memory_space<hbm>>) dst(%arg19 : memref<4096xf32, #tpu.memory_space<vmem>>)
        %parallel_loop3A = arith.constant 0 : i32
        %parallel_loop3A_200 = arith.constant 256 : i32
        %parallel_loop3A_201 = arith.constant 1 : i32
        scf.for %parallel_loop3A_217 = %parallel_loop3A to %parallel_loop3A_200 step %parallel_loop3A_201  : i32 {
          %parallel_loop3A_218 = arith.constant 16 : i32
          %parallel_loop3A_219 = arith.muli %parallel_loop3A_217, %parallel_loop3A_218 : i32
          %parallel_loop3A_220 = arith.index_cast %parallel_loop3A_219 : i32 to index
          %parallel_loop3A_221 = tpu.vector_load %arg9[%parallel_loop3A_220] {strides = array<i32>} : memref<4096xf32, #tpu.memory_space<vmem>>, vector<16xf32>,
          %parallel_loop3A_222 = vector.shape_cast %parallel_loop3A_221 : vector<16xf32> to vector<16xf32>
          %parallel_loop3A_223 = arith.index_cast %parallel_loop3A_219 : i32 to index
          %parallel_loop3A_224 = tpu.vector_load %arg17[%parallel_loop3A_223] {strides = array<i32>} : memref<4096xf32, #tpu.memory_space<vmem>>, vector<16xf32>,
          %parallel_loop3A_225 = vector.shape_cast %parallel_loop3A_224 : vector<16xf32> to vector<16xf32>
          %parallel_loop3A_226 = arith.constant 1.000000e+00 : f32
          %parallel_loop3A_227 = vector.broadcast %parallel_loop3A_226 : f32 to vector<16xf32>
          %parallel_loop3A_228 = arith.subf %parallel_loop3A_227, %parallel_loop3A_222 : vector<16xf32>
          %parallel_loop3A_229 = arith.mulf %parallel_loop3A_225, %parallel_loop3A_228 : vector<16xf32>
          %parallel_loop3A_230 = arith.index_cast %parallel_loop3A_219 : i32 to index
          %parallel_loop3A_231 = tpu.vector_load %arg19[%parallel_loop3A_230] {strides = array<i32>} : memref<4096xf32, #tpu.memory_space<vmem>>, vector<16xf32>,
          %parallel_loop3A_232 = vector.shape_cast %parallel_loop3A_231 : vector<16xf32> to vector<16xf32>
          %parallel_loop3A_233 = arith.mulf %parallel_loop3A_232, %parallel_loop3A_222 : vector<16xf32>
          %parallel_loop3A_234 = arith.addf %parallel_loop3A_229, %parallel_loop3A_233 : vector<16xf32>
          %parallel_loop3A_235 = arith.index_cast %parallel_loop3A_219 : i32 to index
          %parallel_loop3A_236 = tpu.vector_load %arg17[%parallel_loop3A_235] {strides = array<i32>} : memref<4096xf32, #tpu.memory_space<vmem>>, vector<16xf32>,
          %parallel_loop3A_237 = vector.shape_cast %parallel_loop3A_236 : vector<16xf32> to vector<16xf32>
          %parallel_loop3A_238 = vector.shape_cast %parallel_loop3A_234 : vector<16xf32> to vector<16xf32>
          tpu.vector_store %arg17[%parallel_loop3A_235], %parallel_loop3A_238 {strides = array<i32>} : memref<4096xf32, #tpu.memory_space<vmem>>, vector<16xf32>,
          %parallel_loop3A_239 = arith.index_cast %parallel_loop3A_219 : i32 to index
          %parallel_loop3A_240 = tpu.vector_load %arg11[%parallel_loop3A_239] {strides = array<i32>} : memref<4096xf32, #tpu.memory_space<vmem>>, vector<16xf32>,
          %parallel_loop3A_241 = vector.shape_cast %parallel_loop3A_240 : vector<16xf32> to vector<16xf32>
          %parallel_loop3A_242 = arith.constant 1.000000e-01 : f32
          %parallel_loop3A_243 = vector.broadcast %parallel_loop3A_242 : f32 to vector<16xf32>
          %parallel_loop3A_244 = arith.mulf %parallel_loop3A_234, %parallel_loop3A_243 : vector<16xf32>
          %parallel_loop3A_245 = arith.addf %parallel_loop3A_241, %parallel_loop3A_244 : vector<16xf32>
          %parallel_loop3A_246 = arith.index_cast %parallel_loop3A_219 : i32 to index
          %parallel_loop3A_247 = tpu.vector_load %arg21[%parallel_loop3A_246] {strides = array<i32>} : memref<4096xf32, #tpu.memory_space<vmem>>, vector<16xf32>,
          %parallel_loop3A_248 = vector.shape_cast %parallel_loop3A_247 : vector<16xf32> to vector<16xf32>
          %parallel_loop3A_249 = vector.shape_cast %parallel_loop3A_245 : vector<16xf32> to vector<16xf32>
          tpu.vector_store %arg21[%parallel_loop3A_246], %parallel_loop3A_249 {strides = array<i32>} : memref<4096xf32, #tpu.memory_space<vmem>>, vector<16xf32>,
        } {sc.loop_unroll_factor = 4 : i64, sc.parallel_access}
        %sub3A = arith.constant 1 : i32
        %sub3A_202 = arith.subi %mul3A_79, %sub3A : i32
        %mul3A_203 = arith.constant 65536 : i32
        %mul3A_204 = arith.muli %sub3A_202, %mul3A_203 : i32
        %add3A_205 = arith.addi %add3A_49, %mul3A_204 : i32
        %dma_start3A_206 = tpu.memref_slice %arg5[%add3A_205] : memref<1048576xf32, #tpu.memory_space<hbm>> -> memref<4096xf32, #tpu.memory_space<hbm>>
        %dma_start3A_207 = tpu.memref_slice %arg5[%add3A_205] : memref<1048576xf32, #tpu.memory_space<hbm>> -> memref<4096xf32, #tpu.memory_space<hbm>>
        tpu.enqueue_dma source(%arg17 : memref<4096xf32, #tpu.memory_space<vmem>>) target(%dma_start3A_207 : memref<4096xf32, #tpu.memory_space<hbm>>) target_semaphore(%arg26 : memref<!tpu.dma_semaphore, #tpu.memory_space<semaphore_mem>>)
        %dma_start3A_208 = tpu.memref_slice %arg6[%add3A_205] : memref<1600000xf32, #tpu.memory_space<hbm>> -> memref<4096xf32, #tpu.memory_space<hbm>>
        %dma_start3A_209 = tpu.memref_slice %arg6[%add3A_205] : memref<1600000xf32, #tpu.memory_space<hbm>> -> memref<4096xf32, #tpu.memory_space<hbm>>
        tpu.enqueue_dma source(%arg21 : memref<4096xf32, #tpu.memory_space<vmem>>) target(%dma_start3A_209 : memref<4096xf32, #tpu.memory_space<hbm>>) target_semaphore(%arg26 : memref<!tpu.dma_semaphore, #tpu.memory_space<semaphore_mem>>)
        %add3A_210 = arith.constant 1 : i32
        %add3A_211 = arith.addi %mul3A_79, %add3A_210 : i32
        %lt3A_212 = arith.constant 8 : i32
        %lt3A_213 = arith.cmpi slt, %add3A_211, %lt3A_212 : i32
        %convert_element_type3A_214 = arith.extui %lt3A_213 : i1 to i32
        %cond3A_215 = arith.constant 0 : i32
        %cond3A_216 = arith.cmpi ne, %convert_element_type3A_214, %cond3A_215 : i32
        scf.if %cond3A_216 {
          %add3A_217 = arith.constant 1 : i32
          %add3A_218 = arith.addi %mul3A_79, %add3A_217 : i32
          %mul3A_219 = arith.constant 65536 : i32
          %mul3A_220 = arith.muli %add3A_218, %mul3A_219 : i32
          %add3A_221 = arith.addi %add3A_49, %mul3A_220 : i32
          %dma_start3A_222 = tpu.memref_slice %arg4[%add3A_221] : memref<1048576xf32, #tpu.memory_space<hbm>> -> memref<4096xf32, #tpu.memory_space<hbm>>
          %dma_start3A_223 = tpu.memref_slice %arg4[%add3A_221] : memref<1048576xf32, #tpu.memory_space<hbm>> -> memref<4096xf32, #tpu.memory_space<hbm>>
          tpu.enqueue_dma source(%dma_start3A_223 : memref<4096xf32, #tpu.memory_space<hbm>>) target(%arg9 : memref<4096xf32, #tpu.memory_space<vmem>>) target_semaphore(%arg22 : memref<!tpu.dma_semaphore, #tpu.memory_space<semaphore_mem>>)
          %dma_start3A_224 = tpu.memref_slice %arg3[%add3A_221] : memref<1048576xf32, #tpu.memory_space<hbm>> -> memref<4096xf32, #tpu.memory_space<hbm>>
          %dma_start3A_225 = tpu.memref_slice %arg3[%add3A_221] : memref<1048576xf32, #tpu.memory_space<hbm>> -> memref<4096xf32, #tpu.memory_space<hbm>>
          tpu.enqueue_dma source(%dma_start3A_225 : memref<4096xf32, #tpu.memory_space<hbm>>) target(%arg11 : memref<4096xf32, #tpu.memory_space<vmem>>) target_semaphore(%arg22 : memref<!tpu.dma_semaphore, #tpu.memory_space<semaphore_mem>>)
        } else {
        }
      } else {
      }
      %add3A_108 = arith.constant 2 : i32
      %add3A_109 = arith.addi %mul3A_79, %add3A_108 : i32
      %ge3A_110 = arith.constant 2 : i32
      %ge3A_111 = arith.cmpi sge, %add3A_109, %ge3A_110 : i32
      %add3A_112 = arith.constant 2 : i32
      %add3A_113 = arith.addi %mul3A_79, %add3A_112 : i32
      %lt3A_114 = arith.constant 8 : i32
      %lt3A_115 = arith.cmpi slt, %add3A_113, %lt3A_114 : i32
      %and3A_116 = arith.andi %ge3A_111, %lt3A_115 : i1
      %convert_element_type3A_117 = arith.extui %and3A_116 : i1 to i32
      %cond3A_118 = arith.constant 0 : i32
      %cond3A_119 = arith.cmpi ne, %convert_element_type3A_117, %cond3A_118 : i32
      scf.if %cond3A_119 {
        %add3A_192 = arith.constant 2 : i32
        %add3A_193 = arith.addi %mul3A_79, %add3A_192 : i32
        %mul3A_194 = arith.constant 65536 : i32
        %mul3A_195 = arith.muli %add3A_193, %mul3A_194 : i32
        %add3A_196 = arith.constant 240000 : i32
        %add3A_197 = arith.addi %add3A_196, %mul3A_195 : i32
        %add3A_198 = arith.constant 16 : i32
        %add3A_199 = arith.addi %add3A_197, %add3A_198 : i32
        %mul3A_200 = arith.constant 4096 : i32
        %mul3A_201 = arith.muli %arg1, %mul3A_200 : i32
        %add3A_202 = arith.addi %add3A_199, %mul3A_201 : i32
        %eq3A_203 = arith.constant 0 : i32
        %eq3A_204 = arith.cmpi eq, %arg0, %eq3A_203 : i32
        %sub3A = arith.constant 240000 : i32
        %sub3A_205 = arith.subi %add3A_202, %sub3A : i32
        %add3A_206 = arith.constant 284288 : i32
        %add3A_207 = arith.addi %add3A_206, %add3A_202 : i32
        %select_n3A_208 = arith.select %eq3A_204, %sub3A_205, %add3A_207 : i32
        %dma_start3A_209 = tpu.memref_slice %arg2[%select_n3A_208] : memref<1600000xf32, #tpu.memory_space<hbm>> -> memref<4096xf32, #tpu.memory_space<hbm>>
        %dma_start3A_210 = tpu.memref_slice %arg2[%select_n3A_208] : memref<1600000xf32, #tpu.memory_space<hbm>> -> memref<4096xf32, #tpu.memory_space<hbm>>
        tpu.enqueue_dma source(%dma_start3A_210 : memref<4096xf32, #tpu.memory_space<hbm>>) target(%arg27 : memref<4096xf32, #tpu.memory_space<vmem>>) target_semaphore(%arg32 : memref<!tpu.dma_semaphore, #tpu.memory_space<semaphore_mem>>)
      } else {
      }
      %add3A_120 = arith.constant 1 : i32
      %add3A_121 = arith.addi %mul3A_79, %add3A_120 : i32
      %ge3A_122 = arith.constant 2 : i32
      %ge3A_123 = arith.cmpi sge, %add3A_121, %ge3A_122 : i32
      %add3A_124 = arith.constant 1 : i32
      %add3A_125 = arith.addi %mul3A_79, %add3A_124 : i32
      %lt3A_126 = arith.constant 8 : i32
      %lt3A_127 = arith.cmpi slt, %add3A_125, %lt3A_126 : i32
      %and3A_128 = arith.andi %ge3A_123, %lt3A_127 : i1
      %convert_element_type3A_129 = arith.extui %and3A_128 : i1 to i32
      %cond3A_130 = arith.constant 0 : i32
      %cond3A_131 = arith.cmpi ne, %convert_element_type3A_129, %cond3A_130 : i32
      scf.if %cond3A_131 {
        %add3A_192 = arith.constant 1 : i32
        %add3A_193 = arith.addi %mul3A_79, %add3A_192 : i32
        %mul3A_194 = arith.constant 65536 : i32
        %mul3A_195 = arith.muli %add3A_193, %mul3A_194 : i32
        %add3A_196 = arith.constant 240000 : i32
        %add3A_197 = arith.addi %add3A_196, %mul3A_195 : i32
        %add3A_198 = arith.constant 16 : i32
        %add3A_199 = arith.addi %add3A_197, %add3A_198 : i32
        %mul3A_200 = arith.constant 4096 : i32
        %mul3A_201 = arith.muli %arg1, %mul3A_200 : i32
        %add3A_202 = arith.addi %add3A_199, %mul3A_201 : i32
        %eq3A_203 = arith.constant 0 : i32
        %eq3A_204 = arith.cmpi eq, %arg0, %eq3A_203 : i32
        %sub3A = arith.constant 240000 : i32
        %sub3A_205 = arith.subi %add3A_202, %sub3A : i32
        %add3A_206 = arith.constant 284288 : i32
        %add3A_207 = arith.addi %add3A_206, %add3A_202 : i32
        %select_n3A_208 = arith.select %eq3A_204, %sub3A_205, %add3A_207 : i32
        %dma_wait3A_209 = tpu.memref_slice %arg2[%select_n3A_208] : memref<1600000xf32, #tpu.memory_space<hbm>> -> memref<4096xf32, #tpu.memory_space<hbm>>
        %dma_wait3A_210 = tpu.memref_slice %arg2[%select_n3A_208] : memref<1600000xf32, #tpu.memory_space<hbm>> -> memref<4096xf32, #tpu.memory_space<hbm>>
        tpu.wait_dma2 semaphore(%arg33 : memref<!tpu.dma_semaphore, #tpu.memory_space<semaphore_mem>>) src(%dma_wait3A_210 : memref<4096xf32, #tpu.memory_space<hbm>>) dst(%arg28 : memref<4096xf32, #tpu.memory_space<vmem>>)
        %add3A_211 = arith.constant 1 : i32
        %add3A_212 = arith.addi %mul3A_79, %add3A_211 : i32
        %mul3A_213 = arith.constant 65536 : i32
        %mul3A_214 = arith.muli %add3A_212, %mul3A_213 : i32
        %add3A_215 = arith.constant 240000 : i32
        %add3A_216 = arith.addi %add3A_215, %mul3A_214 : i32
        %add3A_217 = arith.constant 16 : i32
        %add3A_218 = arith.addi %add3A_216, %add3A_217 : i32
        %mul3A_219 = arith.constant 4096 : i32
        %mul3A_220 = arith.muli %arg1, %mul3A_219 : i32
        %add3A_221 = arith.addi %add3A_218, %mul3A_220 : i32
        %dma_start3A_222 = tpu.memref_slice %arg7[%add3A_221] : memref<764304xf32, #tpu.memory_space<vmem_shared>> -> memref<4096xf32, #tpu.memory_space<vmem_shared>>
        %dma_start3A_223 = tpu.memref_slice %arg7[%add3A_221] : memref<764304xf32, #tpu.memory_space<vmem_shared>> -> memref<4096xf32, #tpu.memory_space<vmem_shared>>
        tpu.enqueue_dma source(%arg28 : memref<4096xf32, #tpu.memory_space<vmem>>) target(%dma_start3A_223 : memref<4096xf32, #tpu.memory_space<vmem_shared>>) target_semaphore(%arg33 : memref<!tpu.dma_semaphore, #tpu.memory_space<semaphore_mem>>)
      } else {
      }
      %mul3A_132 = arith.constant 2 : i32
      %mul3A_133 = arith.muli %mul3A_132, %scan3A_77 : i32
      %add3A_134 = arith.constant 1 : i32
      %add3A_135 = arith.addi %mul3A_133, %add3A_134 : i32
      %mul3A_136 = arith.constant 65536 : i32
      %mul3A_137 = arith.muli %add3A_135, %mul3A_136 : i32
      %add3A_138 = arith.addi %add3A_49, %mul3A_137 : i32
      %ge3A_139 = arith.constant 2 : i32
      %ge3A_140 = arith.cmpi sge, %add3A_135, %ge3A_139 : i32
      %lt3A_141 = arith.constant 8 : i32
      %lt3A_142 = arith.cmpi slt, %add3A_135, %lt3A_141 : i32
      %and3A_143 = arith.andi %ge3A_140, %lt3A_142 : i1
      %convert_element_type3A_144 = arith.extui %and3A_143 : i1 to i32
      %cond3A_145 = arith.constant 0 : i32
      %cond3A_146 = arith.cmpi ne, %convert_element_type3A_144, %cond3A_145 : i32
      scf.if %cond3A_146 {
        %mul3A_192 = arith.constant 65536 : i32
        %mul3A_193 = arith.muli %add3A_135, %mul3A_192 : i32
        %add3A_194 = arith.constant 240000 : i32
        %add3A_195 = arith.addi %add3A_194, %mul3A_193 : i32
        %add3A_196 = arith.constant 16 : i32
        %add3A_197 = arith.addi %add3A_195, %add3A_196 : i32
        %mul3A_198 = arith.constant 4096 : i32
        %mul3A_199 = arith.muli %arg1, %mul3A_198 : i32
        %add3A_200 = arith.addi %add3A_197, %mul3A_199 : i32
        %dma_wait3A_201 = tpu.memref_slice %arg7[%add3A_200] : memref<764304xf32, #tpu.memory_space<vmem_shared>> -> memref<4096xf32, #tpu.memory_space<vmem_shared>>
        %dma_wait3A_202 = tpu.memref_slice %arg7[%add3A_200] : memref<764304xf32, #tpu.memory_space<vmem_shared>> -> memref<4096xf32, #tpu.memory_space<vmem_shared>>
        tpu.wait_dma2 semaphore(%arg33 : memref<!tpu.dma_semaphore, #tpu.memory_space<semaphore_mem>>) src(%arg28 : memref<4096xf32, #tpu.memory_space<vmem>>) dst(%dma_wait3A_202 : memref<4096xf32, #tpu.memory_space<vmem_shared>>)
      } else {
      }
      %ge3A_147 = arith.constant 2 : i32
      %ge3A_148 = arith.cmpi sge, %add3A_135, %ge3A_147 : i32
      %le3A_149 = arith.constant 8 : i32
      %le3A_150 = arith.cmpi sle, %add3A_135, %le3A_149 : i32
      %and3A_151 = arith.andi %ge3A_148, %le3A_150 : i1
      %convert_element_type3A_152 = arith.extui %and3A_151 : i1 to i32
      %cond3A_153 = arith.constant 0 : i32
      %cond3A_154 = arith.cmpi ne, %convert_element_type3A_152, %cond3A_153 : i32
      scf.if %cond3A_154 {
        %barrier3A_192 = arith.constant 0 : index
        tpu.barrier barrier_id(%barrier3A_192)
      } else {
      }
      %lt3A_155 = arith.constant 8 : i32
      %lt3A_156 = arith.cmpi slt, %add3A_135, %lt3A_155 : i32
      %convert_element_type3A_157 = arith.extui %lt3A_156 : i1 to i32
      %cond3A_158 = arith.constant 0 : i32
      %cond3A_159 = arith.cmpi ne, %convert_element_type3A_157, %cond3A_158 : i32
      scf.if %cond3A_159 {
        %mul3A_192 = arith.constant 65536 : i32
        %mul3A_193 = arith.muli %add3A_135, %mul3A_192 : i32
        %add3A_194 = arith.addi %add3A_49, %mul3A_193 : i32
        %dma_wait3A_195 = tpu.memref_slice %arg4[%add3A_194] : memref<1048576xf32, #tpu.memory_space<hbm>> -> memref<4096xf32, #tpu.memory_space<hbm>>
        %dma_wait3A_196 = tpu.memref_slice %arg4[%add3A_194] : memref<1048576xf32, #tpu.memory_space<hbm>> -> memref<4096xf32, #tpu.memory_space<hbm>>
        tpu.wait_dma2 semaphore(%arg22 : memref<!tpu.dma_semaphore, #tpu.memory_space<semaphore_mem>>) src(%dma_wait3A_196 : memref<4096xf32, #tpu.memory_space<hbm>>) dst(%arg9 : memref<4096xf32, #tpu.memory_space<vmem>>)
        %dma_wait3A_197 = tpu.memref_slice %arg3[%add3A_194] : memref<1048576xf32, #tpu.memory_space<hbm>> -> memref<4096xf32, #tpu.memory_space<hbm>>
        %dma_wait3A_198 = tpu.memref_slice %arg3[%add3A_194] : memref<1048576xf32, #tpu.memory_space<hbm>> -> memref<4096xf32, #tpu.memory_space<hbm>>
        tpu.wait_dma2 semaphore(%arg22 : memref<!tpu.dma_semaphore, #tpu.memory_space<semaphore_mem>>) src(%dma_wait3A_198 : memref<4096xf32, #tpu.memory_space<hbm>>) dst(%arg11 : memref<4096xf32, #tpu.memory_space<vmem>>)
        %add3A_199 = vector.broadcast %add3A_138 : i32 to vector<16xi32>
        %add3A_200 = arith.addi %add3A_199, %iota3A : vector<16xi32>
        %convert_element_type3A_201 = arith.sitofp %add3A_200 : vector<16xi32> to vector<16xf32>
        %parallel_loop3A = arith.constant 0 : i32
        %parallel_loop3A_202 = arith.constant 256 : i32
        %parallel_loop3A_203 = arith.constant 1 : i32
        %parallel_loop3A_204 = scf.for %parallel_loop3A_258 = %parallel_loop3A to %parallel_loop3A_202 step %parallel_loop3A_203 iter_args(%parallel_loop3A_259 = %convert_element_type3A_201) -> (vector<16xf32>)  : i32 {
          %parallel_loop3A_260 = arith.constant 16 : i32
          %parallel_loop3A_261 = arith.muli %parallel_loop3A_258, %parallel_loop3A_260 : i32
          %parallel_loop3A_262 = arith.index_cast %parallel_loop3A_261 : i32 to index
          %parallel_loop3A_263 = tpu.vector_load %arg9[%parallel_loop3A_262] {strides = array<i32>} : memref<4096xf32, #tpu.memory_space<vmem>>, vector<16xf32>,
          %parallel_loop3A_264 = vector.shape_cast %parallel_loop3A_263 : vector<16xf32> to vector<16xf32>
          %parallel_loop3A_265 = arith.constant 4.800000e+04 : f32
          %parallel_loop3A_266 = vector.broadcast %parallel_loop3A_265 : f32 to vector<16xf32>
          %parallel_loop3A_267 = arith.mulf %parallel_loop3A_264, %parallel_loop3A_266 : vector<16xf32>
          %parallel_loop3A_268 = arith.subf %parallel_loop3A_259, %parallel_loop3A_267 : vector<16xf32>
          %parallel_loop3A_269 = arith.constant 0.000000e+00 : f32
          %parallel_loop3A_270 = vector.broadcast %parallel_loop3A_269 : f32 to vector<16xf32>
          %parallel_loop3A_271 = arith.cmpf olt, %parallel_loop3A_268, %parallel_loop3A_270 : vector<16xf32>
          %parallel_loop3A_272 = arith.constant 1.600000e+06 : f32
          %parallel_loop3A_273 = vector.broadcast %parallel_loop3A_272 : f32 to vector<16xf32>
          %parallel_loop3A_274 = arith.addf %parallel_loop3A_268, %parallel_loop3A_273 : vector<16xf32>
          %parallel_loop3A_275 = arith.select %parallel_loop3A_271, %parallel_loop3A_274, %parallel_loop3A_268 : vector<16xi1>, vector<16xf32>
          %parallel_loop3A_276 = arith.fptosi %parallel_loop3A_275 : vector<16xf32> to vector<16xi32>
          %parallel_loop3A_277 = arith.sitofp %parallel_loop3A_276 : vector<16xi32> to vector<16xf32>
          %parallel_loop3A_278 = arith.subf %parallel_loop3A_275, %parallel_loop3A_277 : vector<16xf32>
          %parallel_loop3A_279 = arith.constant 1599999 : i32
          %parallel_loop3A_280 = vector.broadcast %parallel_loop3A_279 : i32 to vector<16xi32>
          %parallel_loop3A_281 = arith.minsi %parallel_loop3A_276, %parallel_loop3A_280 : vector<16xi32>
          %parallel_loop3A_282 = vector.broadcast %select_n3A : i32 to vector<16xi32>
          %parallel_loop3A_283 = arith.subi %parallel_loop3A_281, %parallel_loop3A_282 : vector<16xi32>
          %parallel_loop3A_284 = vector.broadcast %select_n3A_44 : i32 to vector<16xi32>
          %parallel_loop3A_285 = arith.cmpi slt, %parallel_loop3A_281, %parallel_loop3A_284 : vector<16xi32>
          %parallel_loop3A_286 = arith.constant 1600000 : i32
          %parallel_loop3A_287 = arith.constant 0 : i32
          %parallel_loop3A_288 = vector.broadcast %parallel_loop3A_286 : i32 to vector<16xi32>
          %parallel_loop3A_289 = vector.broadcast %parallel_loop3A_287 : i32 to vector<16xi32>
          %parallel_loop3A_290 = arith.select %parallel_loop3A_285, %parallel_loop3A_288, %parallel_loop3A_289 : vector<16xi1>, vector<16xi32>
          %parallel_loop3A_291 = arith.addi %parallel_loop3A_283, %parallel_loop3A_290 : vector<16xi32>
          %parallel_loop3A_292 = arith.index_cast %parallel_loop3A_261 : i32 to index
          %parallel_loop3A_293 = tpu.vector_load %arg13[%parallel_loop3A_292] {strides = array<i32>} : memref<4096xi32, #tpu.memory_space<vmem>>, vector<16xi32>,
          %parallel_loop3A_294 = vector.shape_cast %parallel_loop3A_293 : vector<16xi32> to vector<16xi32>
          %parallel_loop3A_295 = vector.shape_cast %parallel_loop3A_291 : vector<16xi32> to vector<16xi32>
          tpu.vector_store %arg13[%parallel_loop3A_292], %parallel_loop3A_295 {strides = array<i32>} : memref<4096xi32, #tpu.memory_space<vmem>>, vector<16xi32>,
          %parallel_loop3A_296 = arith.constant 1 : i32
          %parallel_loop3A_297 = vector.broadcast %parallel_loop3A_296 : i32 to vector<16xi32>
          %parallel_loop3A_298 = arith.addi %parallel_loop3A_291, %parallel_loop3A_297 : vector<16xi32>
          %parallel_loop3A_299 = arith.index_cast %parallel_loop3A_261 : i32 to index
          %parallel_loop3A_300 = tpu.vector_load %arg15[%parallel_loop3A_299] {strides = array<i32>} : memref<4096xi32, #tpu.memory_space<vmem>>, vector<16xi32>,
          %parallel_loop3A_301 = vector.shape_cast %parallel_loop3A_300 : vector<16xi32> to vector<16xi32>
          %parallel_loop3A_302 = vector.shape_cast %parallel_loop3A_298 : vector<16xi32> to vector<16xi32>
          tpu.vector_store %arg15[%parallel_loop3A_299], %parallel_loop3A_302 {strides = array<i32>} : memref<4096xi32, #tpu.memory_space<vmem>>, vector<16xi32>,
          %parallel_loop3A_303 = arith.index_cast %parallel_loop3A_261 : i32 to index
          %parallel_loop3A_304 = tpu.vector_load %arg9[%parallel_loop3A_303] {strides = array<i32>} : memref<4096xf32, #tpu.memory_space<vmem>>, vector<16xf32>,
          %parallel_loop3A_305 = vector.shape_cast %parallel_loop3A_304 : vector<16xf32> to vector<16xf32>
          %parallel_loop3A_306 = vector.shape_cast %parallel_loop3A_278 : vector<16xf32> to vector<16xf32>
          tpu.vector_store %arg9[%parallel_loop3A_303], %parallel_loop3A_306 {strides = array<i32>} : memref<4096xf32, #tpu.memory_space<vmem>>, vector<16xf32>,
          %parallel_loop3A_307 = arith.constant 1.600000e+01 : f32
          %parallel_loop3A_308 = vector.broadcast %parallel_loop3A_307 : f32 to vector<16xf32>
          %parallel_loop3A_309 = arith.addf %parallel_loop3A_259, %parallel_loop3A_308 : vector<16xf32>
          scf.yield %parallel_loop3A_309 : vector<16xf32>
        } {sc.loop_unroll_factor = 4 : i64, sc.parallel_access}
        %ge3A_205 = arith.constant 2 : i32
        %ge3A_206 = arith.cmpi sge, %add3A_135, %ge3A_205 : i32
        %convert_element_type3A_207 = arith.extui %ge3A_206 : i1 to i32
        %cond3A_208 = arith.constant 0 : i32
        %cond3A_209 = arith.cmpi ne, %convert_element_type3A_207, %cond3A_208 : i32
        scf.if %cond3A_209 {
          %sub3A = arith.constant 2 : i32
          %sub3A_258 = arith.subi %add3A_135, %sub3A : i32
          %mul3A_259 = arith.constant 65536 : i32
          %mul3A_260 = arith.muli %sub3A_258, %mul3A_259 : i32
          %add3A_261 = arith.addi %add3A_49, %mul3A_260 : i32
          %dma_wait3A_262 = tpu.memref_slice %arg5[%add3A_261] : memref<1048576xf32, #tpu.memory_space<hbm>> -> memref<4096xf32, #tpu.memory_space<hbm>>
          %dma_wait3A_263 = tpu.memref_slice %arg5[%add3A_261] : memref<1048576xf32, #tpu.memory_space<hbm>> -> memref<4096xf32, #tpu.memory_space<hbm>>
          tpu.wait_dma2 semaphore(%arg26 : memref<!tpu.dma_semaphore, #tpu.memory_space<semaphore_mem>>) src(%arg17 : memref<4096xf32, #tpu.memory_space<vmem>>) dst(%dma_wait3A_263 : memref<4096xf32, #tpu.memory_space<hbm>>)
          %dma_wait3A_264 = tpu.memref_slice %arg6[%add3A_261] : memref<1600000xf32, #tpu.memory_space<hbm>> -> memref<4096xf32, #tpu.memory_space<hbm>>
          %dma_wait3A_265 = tpu.memref_slice %arg6[%add3A_261] : memref<1600000xf32, #tpu.memory_space<hbm>> -> memref<4096xf32, #tpu.memory_space<hbm>>
          tpu.wait_dma2 semaphore(%arg26 : memref<!tpu.dma_semaphore, #tpu.memory_space<semaphore_mem>>) src(%arg21 : memref<4096xf32, #tpu.memory_space<vmem>>) dst(%dma_wait3A_265 : memref<4096xf32, #tpu.memory_space<hbm>>)
        } else {
        }
        %dma_start3A_210 = arith.constant 0 : i32
        %dma_start3A_211 = tpu.memref_slice %arg17[%dma_start3A_210] : memref<4096xf32, #tpu.memory_space<vmem>> -> memref<1024xf32, #tpu.memory_space<vmem>>
        %dma_start3A_212 = arith.constant 0 : i32
        %dma_start3A_213 = tpu.memref_slice %arg13[%dma_start3A_212] : memref<4096xi32, #tpu.memory_space<vmem>> -> memref<1024xi32, #tpu.memory_space<vmem>>
        %dma_start3A_214 = arith.constant 0 : i32
        %dma_start3A_215 = tpu.memref_slice %arg7[%dma_start3A_214] : memref<764304xf32, #tpu.memory_space<vmem_shared>> -> memref<764304xf32, #tpu.memory_space<vmem_shared>>
        tpu.enqueue_indirect_dma source(%dma_start3A_215 : memref<764304xf32, #tpu.memory_space<vmem_shared>>) target(%dma_start3A_211 : memref<1024xf32, #tpu.memory_space<vmem>>) offsets(%dma_start3A_213 : memref<1024xi32, #tpu.memory_space<vmem>>) semaphore(%arg24 : memref<!tpu.dma_semaphore, #tpu.memory_space<semaphore_mem>>)
        %dma_start3A_216 = arith.constant 0 : i32
        %dma_start3A_217 = tpu.memref_slice %arg19[%dma_start3A_216] : memref<4096xf32, #tpu.memory_space<vmem>> -> memref<1024xf32, #tpu.memory_space<vmem>>
        %dma_start3A_218 = arith.constant 0 : i32
        %dma_start3A_219 = tpu.memref_slice %arg15[%dma_start3A_218] : memref<4096xi32, #tpu.memory_space<vmem>> -> memref<1024xi32, #tpu.memory_space<vmem>>
        %dma_start3A_220 = arith.constant 0 : i32
        %dma_start3A_221 = tpu.memref_slice %arg7[%dma_start3A_220] : memref<764304xf32, #tpu.memory_space<vmem_shared>> -> memref<764304xf32, #tpu.memory_space<vmem_shared>>
        tpu.enqueue_indirect_dma source(%dma_start3A_221 : memref<764304xf32, #tpu.memory_space<vmem_shared>>) target(%dma_start3A_217 : memref<1024xf32, #tpu.memory_space<vmem>>) offsets(%dma_start3A_219 : memref<1024xi32, #tpu.memory_space<vmem>>) semaphore(%arg24 : memref<!tpu.dma_semaphore, #tpu.memory_space<semaphore_mem>>)
        %dma_start3A_222 = arith.constant 1024 : i32
        %dma_start3A_223 = tpu.memref_slice %arg17[%dma_start3A_222] : memref<4096xf32, #tpu.memory_space<vmem>> -> memref<1024xf32, #tpu.memory_space<vmem>>
        %dma_start3A_224 = arith.constant 1024 : i32
        %dma_start3A_225 = tpu.memref_slice %arg13[%dma_start3A_224] : memref<4096xi32, #tpu.memory_space<vmem>> -> memref<1024xi32, #tpu.memory_space<vmem>>
        %dma_start3A_226 = arith.constant 0 : i32
        %dma_start3A_227 = tpu.memref_slice %arg7[%dma_start3A_226] : memref<764304xf32, #tpu.memory_space<vmem_shared>> -> memref<764304xf32, #tpu.memory_space<vmem_shared>>
        tpu.enqueue_indirect_dma source(%dma_start3A_227 : memref<764304xf32, #tpu.memory_space<vmem_shared>>) target(%dma_start3A_223 : memref<1024xf32, #tpu.memory_space<vmem>>) offsets(%dma_start3A_225 : memref<1024xi32, #tpu.memory_space<vmem>>) semaphore(%arg24 : memref<!tpu.dma_semaphore, #tpu.memory_space<semaphore_mem>>)
        %dma_start3A_228 = arith.constant 1024 : i32
        %dma_start3A_229 = tpu.memref_slice %arg19[%dma_start3A_228] : memref<4096xf32, #tpu.memory_space<vmem>> -> memref<1024xf32, #tpu.memory_space<vmem>>
        %dma_start3A_230 = arith.constant 1024 : i32
        %dma_start3A_231 = tpu.memref_slice %arg15[%dma_start3A_230] : memref<4096xi32, #tpu.memory_space<vmem>> -> memref<1024xi32, #tpu.memory_space<vmem>>
        %dma_start3A_232 = arith.constant 0 : i32
        %dma_start3A_233 = tpu.memref_slice %arg7[%dma_start3A_232] : memref<764304xf32, #tpu.memory_space<vmem_shared>> -> memref<764304xf32, #tpu.memory_space<vmem_shared>>
        tpu.enqueue_indirect_dma source(%dma_start3A_233 : memref<764304xf32, #tpu.memory_space<vmem_shared>>) target(%dma_start3A_229 : memref<1024xf32, #tpu.memory_space<vmem>>) offsets(%dma_start3A_231 : memref<1024xi32, #tpu.memory_space<vmem>>) semaphore(%arg24 : memref<!tpu.dma_semaphore, #tpu.memory_space<semaphore_mem>>)
        %dma_start3A_234 = arith.constant 2048 : i32
        %dma_start3A_235 = tpu.memref_slice %arg17[%dma_start3A_234] : memref<4096xf32, #tpu.memory_space<vmem>> -> memref<1024xf32, #tpu.memory_space<vmem>>
        %dma_start3A_236 = arith.constant 2048 : i32
        %dma_start3A_237 = tpu.memref_slice %arg13[%dma_start3A_236] : memref<4096xi32, #tpu.memory_space<vmem>> -> memref<1024xi32, #tpu.memory_space<vmem>>
        %dma_start3A_238 = arith.constant 0 : i32
        %dma_start3A_239 = tpu.memref_slice %arg7[%dma_start3A_238] : memref<764304xf32, #tpu.memory_space<vmem_shared>> -> memref<764304xf32, #tpu.memory_space<vmem_shared>>
        tpu.enqueue_indirect_dma source(%dma_start3A_239 : memref<764304xf32, #tpu.memory_space<vmem_shared>>) target(%dma_start3A_235 : memref<1024xf32, #tpu.memory_space<vmem>>) offsets(%dma_start3A_237 : memref<1024xi32, #tpu.memory_space<vmem>>) semaphore(%arg24 : memref<!tpu.dma_semaphore, #tpu.memory_space<semaphore_mem>>)
        %dma_start3A_240 = arith.constant 2048 : i32
        %dma_start3A_241 = tpu.memref_slice %arg19[%dma_start3A_240] : memref<4096xf32, #tpu.memory_space<vmem>> -> memref<1024xf32, #tpu.memory_space<vmem>>
        %dma_start3A_242 = arith.constant 2048 : i32
        %dma_start3A_243 = tpu.memref_slice %arg15[%dma_start3A_242] : memref<4096xi32, #tpu.memory_space<vmem>> -> memref<1024xi32, #tpu.memory_space<vmem>>
        %dma_start3A_244 = arith.constant 0 : i32
        %dma_start3A_245 = tpu.memref_slice %arg7[%dma_start3A_244] : memref<764304xf32, #tpu.memory_space<vmem_shared>> -> memref<764304xf32, #tpu.memory_space<vmem_shared>>
        tpu.enqueue_indirect_dma source(%dma_start3A_245 : memref<764304xf32, #tpu.memory_space<vmem_shared>>) target(%dma_start3A_241 : memref<1024xf32, #tpu.memory_space<vmem>>) offsets(%dma_start3A_243 : memref<1024xi32, #tpu.memory_space<vmem>>) semaphore(%arg24 : memref<!tpu.dma_semaphore, #tpu.memory_space<semaphore_mem>>)
        %dma_start3A_246 = arith.constant 3072 : i32
        %dma_start3A_247 = tpu.memref_slice %arg17[%dma_start3A_246] : memref<4096xf32, #tpu.memory_space<vmem>> -> memref<1024xf32, #tpu.memory_space<vmem>>
        %dma_start3A_248 = arith.constant 3072 : i32
        %dma_start3A_249 = tpu.memref_slice %arg13[%dma_start3A_248] : memref<4096xi32, #tpu.memory_space<vmem>> -> memref<1024xi32, #tpu.memory_space<vmem>>
        %dma_start3A_250 = arith.constant 0 : i32
        %dma_start3A_251 = tpu.memref_slice %arg7[%dma_start3A_250] : memref<764304xf32, #tpu.memory_space<vmem_shared>> -> memref<764304xf32, #tpu.memory_space<vmem_shared>>
        tpu.enqueue_indirect_dma source(%dma_start3A_251 : memref<764304xf32, #tpu.memory_space<vmem_shared>>) target(%dma_start3A_247 : memref<1024xf32, #tpu.memory_space<vmem>>) offsets(%dma_start3A_249 : memref<1024xi32, #tpu.memory_space<vmem>>) semaphore(%arg24 : memref<!tpu.dma_semaphore, #tpu.memory_space<semaphore_mem>>)
        %dma_start3A_252 = arith.constant 3072 : i32
        %dma_start3A_253 = tpu.memref_slice %arg19[%dma_start3A_252] : memref<4096xf32, #tpu.memory_space<vmem>> -> memref<1024xf32, #tpu.memory_space<vmem>>
        %dma_start3A_254 = arith.constant 3072 : i32
        %dma_start3A_255 = tpu.memref_slice %arg15[%dma_start3A_254] : memref<4096xi32, #tpu.memory_space<vmem>> -> memref<1024xi32, #tpu.memory_space<vmem>>
        %dma_start3A_256 = arith.constant 0 : i32
        %dma_start3A_257 = tpu.memref_slice %arg7[%dma_start3A_256] : memref<764304xf32, #tpu.memory_space<vmem_shared>> -> memref<764304xf32, #tpu.memory_space<vmem_shared>>
        tpu.enqueue_indirect_dma source(%dma_start3A_257 : memref<764304xf32, #tpu.memory_space<vmem_shared>>) target(%dma_start3A_253 : memref<1024xf32, #tpu.memory_space<vmem>>) offsets(%dma_start3A_255 : memref<1024xi32, #tpu.memory_space<vmem>>) semaphore(%arg24 : memref<!tpu.dma_semaphore, #tpu.memory_space<semaphore_mem>>)
      } else {
      }
      %ge3A_160 = arith.constant 1 : i32
      %ge3A_161 = arith.cmpi sge, %add3A_135, %ge3A_160 : i32
      %le3A_162 = arith.constant 8 : i32
      %le3A_163 = arith.cmpi sle, %add3A_135, %le3A_162 : i32
      %and3A_164 = arith.andi %ge3A_161, %le3A_163 : i1
      %convert_element_type3A_165 = arith.extui %and3A_164 : i1 to i32
      %cond3A_166 = arith.constant 0 : i32
      %cond3A_167 = arith.cmpi ne, %convert_element_type3A_165, %cond3A_166 : i32
      scf.if %cond3A_167 {
        %dma_wait3A_192 = arith.constant 0 : i32
        %dma_wait3A_193 = tpu.memref_slice %arg4[%dma_wait3A_192] : memref<1048576xf32, #tpu.memory_space<hbm>> -> memref<4096xf32, #tpu.memory_space<hbm>>
        %dma_wait3A_194 = arith.constant 0 : i32
        %dma_wait3A_195 = tpu.memref_slice %arg4[%dma_wait3A_194] : memref<1048576xf32, #tpu.memory_space<hbm>> -> memref<4096xf32, #tpu.memory_space<hbm>>
        tpu.wait_dma2 semaphore(%arg23 : memref<!tpu.dma_semaphore, #tpu.memory_space<semaphore_mem>>) src(%dma_wait3A_195 : memref<4096xf32, #tpu.memory_space<hbm>>) dst(%arg16 : memref<4096xf32, #tpu.memory_space<vmem>>)
        %dma_wait3A_196 = arith.constant 0 : i32
        %dma_wait3A_197 = tpu.memref_slice %arg4[%dma_wait3A_196] : memref<1048576xf32, #tpu.memory_space<hbm>> -> memref<4096xf32, #tpu.memory_space<hbm>>
        %dma_wait3A_198 = arith.constant 0 : i32
        %dma_wait3A_199 = tpu.memref_slice %arg4[%dma_wait3A_198] : memref<1048576xf32, #tpu.memory_space<hbm>> -> memref<4096xf32, #tpu.memory_space<hbm>>
        tpu.wait_dma2 semaphore(%arg23 : memref<!tpu.dma_semaphore, #tpu.memory_space<semaphore_mem>>) src(%dma_wait3A_199 : memref<4096xf32, #tpu.memory_space<hbm>>) dst(%arg18 : memref<4096xf32, #tpu.memory_space<vmem>>)
        %parallel_loop3A = arith.constant 0 : i32
        %parallel_loop3A_200 = arith.constant 256 : i32
        %parallel_loop3A_201 = arith.constant 1 : i32
        scf.for %parallel_loop3A_217 = %parallel_loop3A to %parallel_loop3A_200 step %parallel_loop3A_201  : i32 {
          %parallel_loop3A_218 = arith.constant 16 : i32
          %parallel_loop3A_219 = arith.muli %parallel_loop3A_217, %parallel_loop3A_218 : i32
          %parallel_loop3A_220 = arith.index_cast %parallel_loop3A_219 : i32 to index
          %parallel_loop3A_221 = tpu.vector_load %arg8[%parallel_loop3A_220] {strides = array<i32>} : memref<4096xf32, #tpu.memory_space<vmem>>, vector<16xf32>,
          %parallel_loop3A_222 = vector.shape_cast %parallel_loop3A_221 : vector<16xf32> to vector<16xf32>
          %parallel_loop3A_223 = arith.index_cast %parallel_loop3A_219 : i32 to index
          %parallel_loop3A_224 = tpu.vector_load %arg16[%parallel_loop3A_223] {strides = array<i32>} : memref<4096xf32, #tpu.memory_space<vmem>>, vector<16xf32>,
          %parallel_loop3A_225 = vector.shape_cast %parallel_loop3A_224 : vector<16xf32> to vector<16xf32>
          %parallel_loop3A_226 = arith.constant 1.000000e+00 : f32
          %parallel_loop3A_227 = vector.broadcast %parallel_loop3A_226 : f32 to vector<16xf32>
          %parallel_loop3A_228 = arith.subf %parallel_loop3A_227, %parallel_loop3A_222 : vector<16xf32>
          %parallel_loop3A_229 = arith.mulf %parallel_loop3A_225, %parallel_loop3A_228 : vector<16xf32>
          %parallel_loop3A_230 = arith.index_cast %parallel_loop3A_219 : i32 to index
          %parallel_loop3A_231 = tpu.vector_load %arg18[%parallel_loop3A_230] {strides = array<i32>} : memref<4096xf32, #tpu.memory_space<vmem>>, vector<16xf32>,
          %parallel_loop3A_232 = vector.shape_cast %parallel_loop3A_231 : vector<16xf32> to vector<16xf32>
          %parallel_loop3A_233 = arith.mulf %parallel_loop3A_232, %parallel_loop3A_222 : vector<16xf32>
          %parallel_loop3A_234 = arith.addf %parallel_loop3A_229, %parallel_loop3A_233 : vector<16xf32>
          %parallel_loop3A_235 = arith.index_cast %parallel_loop3A_219 : i32 to index
          %parallel_loop3A_236 = tpu.vector_load %arg16[%parallel_loop3A_235] {strides = array<i32>} : memref<4096xf32, #tpu.memory_space<vmem>>, vector<16xf32>,
          %parallel_loop3A_237 = vector.shape_cast %parallel_loop3A_236 : vector<16xf32> to vector<16xf32>
          %parallel_loop3A_238 = vector.shape_cast %parallel_loop3A_234 : vector<16xf32> to vector<16xf32>
          tpu.vector_store %arg16[%parallel_loop3A_235], %parallel_loop3A_238 {strides = array<i32>} : memref<4096xf32, #tpu.memory_space<vmem>>, vector<16xf32>,
          %parallel_loop3A_239 = arith.index_cast %parallel_loop3A_219 : i32 to index
          %parallel_loop3A_240 = tpu.vector_load %arg10[%parallel_loop3A_239] {strides = array<i32>} : memref<4096xf32, #tpu.memory_space<vmem>>, vector<16xf32>,
          %parallel_loop3A_241 = vector.shape_cast %parallel_loop3A_240 : vector<16xf32> to vector<16xf32>
          %parallel_loop3A_242 = arith.constant 1.000000e-01 : f32
          %parallel_loop3A_243 = vector.broadcast %parallel_loop3A_242 : f32 to vector<16xf32>
          %parallel_loop3A_244 = arith.mulf %parallel_loop3A_234, %parallel_loop3A_243 : vector<16xf32>
          %parallel_loop3A_245 = arith.addf %parallel_loop3A_241, %parallel_loop3A_244 : vector<16xf32>
          %parallel_loop3A_246 = arith.index_cast %parallel_loop3A_219 : i32 to index
          %parallel_loop3A_247 = tpu.vector_load %arg20[%parallel_loop3A_246] {strides = array<i32>} : memref<4096xf32, #tpu.memory_space<vmem>>, vector<16xf32>,
          %parallel_loop3A_248 = vector.shape_cast %parallel_loop3A_247 : vector<16xf32> to vector<16xf32>
          %parallel_loop3A_249 = vector.shape_cast %parallel_loop3A_245 : vector<16xf32> to vector<16xf32>
          tpu.vector_store %arg20[%parallel_loop3A_246], %parallel_loop3A_249 {strides = array<i32>} : memref<4096xf32, #tpu.memory_space<vmem>>, vector<16xf32>,
        } {sc.loop_unroll_factor = 4 : i64, sc.parallel_access}
        %sub3A = arith.constant 1 : i32
        %sub3A_202 = arith.subi %add3A_135, %sub3A : i32
        %mul3A_203 = arith.constant 65536 : i32
        %mul3A_204 = arith.muli %sub3A_202, %mul3A_203 : i32
        %add3A_205 = arith.addi %add3A_49, %mul3A_204 : i32
        %dma_start3A_206 = tpu.memref_slice %arg5[%add3A_205] : memref<1048576xf32, #tpu.memory_space<hbm>> -> memref<4096xf32, #tpu.memory_space<hbm>>
        %dma_start3A_207 = tpu.memref_slice %arg5[%add3A_205] : memref<1048576xf32, #tpu.memory_space<hbm>> -> memref<4096xf32, #tpu.memory_space<hbm>>
        tpu.enqueue_dma source(%arg16 : memref<4096xf32, #tpu.memory_space<vmem>>) target(%dma_start3A_207 : memref<4096xf32, #tpu.memory_space<hbm>>) target_semaphore(%arg25 : memref<!tpu.dma_semaphore, #tpu.memory_space<semaphore_mem>>)
        %dma_start3A_208 = tpu.memref_slice %arg6[%add3A_205] : memref<1600000xf32, #tpu.memory_space<hbm>> -> memref<4096xf32, #tpu.memory_space<hbm>>
        %dma_start3A_209 = tpu.memref_slice %arg6[%add3A_205] : memref<1600000xf32, #tpu.memory_space<hbm>> -> memref<4096xf32, #tpu.memory_space<hbm>>
        tpu.enqueue_dma source(%arg20 : memref<4096xf32, #tpu.memory_space<vmem>>) target(%dma_start3A_209 : memref<4096xf32, #tpu.memory_space<hbm>>) target_semaphore(%arg25 : memref<!tpu.dma_semaphore, #tpu.memory_space<semaphore_mem>>)
        %add3A_210 = arith.constant 1 : i32
        %add3A_211 = arith.addi %add3A_135, %add3A_210 : i32
        %lt3A_212 = arith.constant 8 : i32
        %lt3A_213 = arith.cmpi slt, %add3A_211, %lt3A_212 : i32
        %convert_element_type3A_214 = arith.extui %lt3A_213 : i1 to i32
        %cond3A_215 = arith.constant 0 : i32
        %cond3A_216 = arith.cmpi ne, %convert_element_type3A_214, %cond3A_215 : i32
        scf.if %cond3A_216 {
          %add3A_217 = arith.constant 1 : i32
          %add3A_218 = arith.addi %add3A_135, %add3A_217 : i32
          %mul3A_219 = arith.constant 65536 : i32
          %mul3A_220 = arith.muli %add3A_218, %mul3A_219 : i32
          %add3A_221 = arith.addi %add3A_49, %mul3A_220 : i32
          %dma_start3A_222 = tpu.memref_slice %arg4[%add3A_221] : memref<1048576xf32, #tpu.memory_space<hbm>> -> memref<4096xf32, #tpu.memory_space<hbm>>
          %dma_start3A_223 = tpu.memref_slice %arg4[%add3A_221] : memref<1048576xf32, #tpu.memory_space<hbm>> -> memref<4096xf32, #tpu.memory_space<hbm>>
          tpu.enqueue_dma source(%dma_start3A_223 : memref<4096xf32, #tpu.memory_space<hbm>>) target(%arg8 : memref<4096xf32, #tpu.memory_space<vmem>>) target_semaphore(%arg22 : memref<!tpu.dma_semaphore, #tpu.memory_space<semaphore_mem>>)
          %dma_start3A_224 = tpu.memref_slice %arg3[%add3A_221] : memref<1048576xf32, #tpu.memory_space<hbm>> -> memref<4096xf32, #tpu.memory_space<hbm>>
          %dma_start3A_225 = tpu.memref_slice %arg3[%add3A_221] : memref<1048576xf32, #tpu.memory_space<hbm>> -> memref<4096xf32, #tpu.memory_space<hbm>>
          tpu.enqueue_dma source(%dma_start3A_225 : memref<4096xf32, #tpu.memory_space<hbm>>) target(%arg10 : memref<4096xf32, #tpu.memory_space<vmem>>) target_semaphore(%arg22 : memref<!tpu.dma_semaphore, #tpu.memory_space<semaphore_mem>>)
        } else {
        }
      } else {
      }
      %add3A_168 = arith.constant 2 : i32
      %add3A_169 = arith.addi %add3A_135, %add3A_168 : i32
      %ge3A_170 = arith.constant 2 : i32
      %ge3A_171 = arith.cmpi sge, %add3A_169, %ge3A_170 : i32
      %add3A_172 = arith.constant 2 : i32
      %add3A_173 = arith.addi %add3A_135, %add3A_172 : i32
      %lt3A_174 = arith.constant 8 : i32
      %lt3A_175 = arith.cmpi slt, %add3A_173, %lt3A_174 : i32
      %and3A_176 = arith.andi %ge3A_171, %lt3A_175 : i1
      %convert_element_type3A_177 = arith.extui %and3A_176 : i1 to i32
      %cond3A_178 = arith.constant 0 : i32
      %cond3A_179 = arith.cmpi ne, %convert_element_type3A_177, %cond3A_178 : i32
      scf.if %cond3A_179 {
        %add3A_192 = arith.constant 2 : i32
        %add3A_193 = arith.addi %add3A_135, %add3A_192 : i32
        %mul3A_194 = arith.constant 65536 : i32
        %mul3A_195 = arith.muli %add3A_193, %mul3A_194 : i32
        %add3A_196 = arith.constant 240000 : i32
        %add3A_197 = arith.addi %add3A_196, %mul3A_195 : i32
        %add3A_198 = arith.constant 16 : i32
        %add3A_199 = arith.addi %add3A_197, %add3A_198 : i32
        %mul3A_200 = arith.constant 4096 : i32
        %mul3A_201 = arith.muli %arg1, %mul3A_200 : i32
        %add3A_202 = arith.addi %add3A_199, %mul3A_201 : i32
        %eq3A_203 = arith.constant 0 : i32
        %eq3A_204 = arith.cmpi eq, %arg0, %eq3A_203 : i32
        %sub3A = arith.constant 240000 : i32
        %sub3A_205 = arith.subi %add3A_202, %sub3A : i32
        %add3A_206 = arith.constant 284288 : i32
        %add3A_207 = arith.addi %add3A_206, %add3A_202 : i32
        %select_n3A_208 = arith.select %eq3A_204, %sub3A_205, %add3A_207 : i32
        %dma_start3A_209 = tpu.memref_slice %arg2[%select_n3A_208] : memref<1600000xf32, #tpu.memory_space<hbm>> -> memref<4096xf32, #tpu.memory_space<hbm>>
        %dma_start3A_210 = tpu.memref_slice %arg2[%select_n3A_208] : memref<1600000xf32, #tpu.memory_space<hbm>> -> memref<4096xf32, #tpu.memory_space<hbm>>
        tpu.enqueue_dma source(%dma_start3A_210 : memref<4096xf32, #tpu.memory_space<hbm>>) target(%arg28 : memref<4096xf32, #tpu.memory_space<vmem>>) target_semaphore(%arg33 : memref<!tpu.dma_semaphore, #tpu.memory_space<semaphore_mem>>)
      } else {
      }
      %add3A_180 = arith.constant 1 : i32
      %add3A_181 = arith.addi %add3A_135, %add3A_180 : i32
      %ge3A_182 = arith.constant 2 : i32
      %ge3A_183 = arith.cmpi sge, %add3A_181, %ge3A_182 : i32
      %add3A_184 = arith.constant 1 : i32
      %add3A_185 = arith.addi %add3A_135, %add3A_184 : i32
      %lt3A_186 = arith.constant 8 : i32
      %lt3A_187 = arith.cmpi slt, %add3A_185, %lt3A_186 : i32
      %and3A_188 = arith.andi %ge3A_183, %lt3A_187 : i1
      %convert_element_type3A_189 = arith.extui %and3A_188 : i1 to i32
      %cond3A_190 = arith.constant 0 : i32
      %cond3A_191 = arith.cmpi ne, %convert_element_type3A_189, %cond3A_190 : i32
      scf.if %cond3A_191 {
        %add3A_192 = arith.constant 1 : i32
        %add3A_193 = arith.addi %add3A_135, %add3A_192 : i32
        %mul3A_194 = arith.constant 65536 : i32
        %mul3A_195 = arith.muli %add3A_193, %mul3A_194 : i32
        %add3A_196 = arith.constant 240000 : i32
        %add3A_197 = arith.addi %add3A_196, %mul3A_195 : i32
        %add3A_198 = arith.constant 16 : i32
        %add3A_199 = arith.addi %add3A_197, %add3A_198 : i32
        %mul3A_200 = arith.constant 4096 : i32
        %mul3A_201 = arith.muli %arg1, %mul3A_200 : i32
        %add3A_202 = arith.addi %add3A_199, %mul3A_201 : i32
        %eq3A_203 = arith.constant 0 : i32
        %eq3A_204 = arith.cmpi eq, %arg0, %eq3A_203 : i32
        %sub3A = arith.constant 240000 : i32
        %sub3A_205 = arith.subi %add3A_202, %sub3A : i32
        %add3A_206 = arith.constant 284288 : i32
        %add3A_207 = arith.addi %add3A_206, %add3A_202 : i32
        %select_n3A_208 = arith.select %eq3A_204, %sub3A_205, %add3A_207 : i32
        %dma_wait3A_209 = tpu.memref_slice %arg2[%select_n3A_208] : memref<1600000xf32, #tpu.memory_space<hbm>> -> memref<4096xf32, #tpu.memory_space<hbm>>
        %dma_wait3A_210 = tpu.memref_slice %arg2[%select_n3A_208] : memref<1600000xf32, #tpu.memory_space<hbm>> -> memref<4096xf32, #tpu.memory_space<hbm>>
        tpu.wait_dma2 semaphore(%arg32 : memref<!tpu.dma_semaphore, #tpu.memory_space<semaphore_mem>>) src(%dma_wait3A_210 : memref<4096xf32, #tpu.memory_space<hbm>>) dst(%arg27 : memref<4096xf32, #tpu.memory_space<vmem>>)
        %add3A_211 = arith.constant 1 : i32
        %add3A_212 = arith.addi %add3A_135, %add3A_211 : i32
        %mul3A_213 = arith.constant 65536 : i32
        %mul3A_214 = arith.muli %add3A_212, %mul3A_213 : i32
        %add3A_215 = arith.constant 240000 : i32
        %add3A_216 = arith.addi %add3A_215, %mul3A_214 : i32
        %add3A_217 = arith.constant 16 : i32
        %add3A_218 = arith.addi %add3A_216, %add3A_217 : i32
        %mul3A_219 = arith.constant 4096 : i32
        %mul3A_220 = arith.muli %arg1, %mul3A_219 : i32
        %add3A_221 = arith.addi %add3A_218, %mul3A_220 : i32
        %dma_start3A_222 = tpu.memref_slice %arg7[%add3A_221] : memref<764304xf32, #tpu.memory_space<vmem_shared>> -> memref<4096xf32, #tpu.memory_space<vmem_shared>>
        %dma_start3A_223 = tpu.memref_slice %arg7[%add3A_221] : memref<764304xf32, #tpu.memory_space<vmem_shared>> -> memref<4096xf32, #tpu.memory_space<vmem_shared>>
        tpu.enqueue_dma source(%arg27 : memref<4096xf32, #tpu.memory_space<vmem>>) target(%dma_start3A_223 : memref<4096xf32, #tpu.memory_space<vmem_shared>>) target_semaphore(%arg32 : memref<!tpu.dma_semaphore, #tpu.memory_space<semaphore_mem>>)
      } else {
      }
    }
    %scan3A_65 = arith.constant 5 : i32
    %add3A_66 = arith.constant 393216 : i32
    %add3A_67 = arith.addi %add3A_49, %add3A_66 : i32
    %dma_wait3A = tpu.memref_slice %arg5[%add3A_67] : memref<1048576xf32, #tpu.memory_space<hbm>> -> memref<4096xf32, #tpu.memory_space<hbm>>
    %dma_wait3A_68 = tpu.memref_slice %arg5[%add3A_67] : memref<1048576xf32, #tpu.memory_space<hbm>> -> memref<4096xf32, #tpu.memory_space<hbm>>
    tpu.wait_dma2 semaphore(%arg25 : memref<!tpu.dma_semaphore, #tpu.memory_space<semaphore_mem>>) src(%arg16 : memref<4096xf32, #tpu.memory_space<vmem>>) dst(%dma_wait3A_68 : memref<4096xf32, #tpu.memory_space<hbm>>)
    %dma_wait3A_69 = tpu.memref_slice %arg6[%add3A_67] : memref<1600000xf32, #tpu.memory_space<hbm>> -> memref<4096xf32, #tpu.memory_space<hbm>>
    %dma_wait3A_70 = tpu.memref_slice %arg6[%add3A_67] : memref<1600000xf32, #tpu.memory_space<hbm>> -> memref<4096xf32, #tpu.memory_space<hbm>>
    tpu.wait_dma2 semaphore(%arg25 : memref<!tpu.dma_semaphore, #tpu.memory_space<semaphore_mem>>) src(%arg20 : memref<4096xf32, #tpu.memory_space<vmem>>) dst(%dma_wait3A_70 : memref<4096xf32, #tpu.memory_space<hbm>>)
    %add3A_71 = arith.constant 458752 : i32
    %add3A_72 = arith.addi %add3A_49, %add3A_71 : i32
    %dma_wait3A_73 = tpu.memref_slice %arg5[%add3A_72] : memref<1048576xf32, #tpu.memory_space<hbm>> -> memref<4096xf32, #tpu.memory_space<hbm>>
    %dma_wait3A_74 = tpu.memref_slice %arg5[%add3A_72] : memref<1048576xf32, #tpu.memory_space<hbm>> -> memref<4096xf32, #tpu.memory_space<hbm>>
    tpu.wait_dma2 semaphore(%arg26 : memref<!tpu.dma_semaphore, #tpu.memory_space<semaphore_mem>>) src(%arg17 : memref<4096xf32, #tpu.memory_space<vmem>>) dst(%dma_wait3A_74 : memref<4096xf32, #tpu.memory_space<hbm>>)
    %dma_wait3A_75 = tpu.memref_slice %arg6[%add3A_72] : memref<1600000xf32, #tpu.memory_space<hbm>> -> memref<4096xf32, #tpu.memory_space<hbm>>
    %dma_wait3A_76 = tpu.memref_slice %arg6[%add3A_72] : memref<1600000xf32, #tpu.memory_space<hbm>> -> memref<4096xf32, #tpu.memory_space<hbm>>
    tpu.wait_dma2 semaphore(%arg26 : memref<!tpu.dma_semaphore, #tpu.memory_space<semaphore_mem>>) src(%arg21 : memref<4096xf32, #tpu.memory_space<vmem>>) dst(%dma_wait3A_76 : memref<4096xf32, #tpu.memory_space<hbm>>)
    return
  }
}

</mosaic_0001>

<sc_bundles>
// kernel: kernel.3.cloned.1.call-start
scs
__scs_entry_jumppad:
0x0: {  	(pc) =	sbr.rel $0x88, $3  }
0x1: {  	(tag) =	ssettag $0x0;
	lr =	simm.s32 $0x1  }
0x2: {  	[smem:$0x3F9D] =	sst lr;
	_ =	strace $0xD0000000  }
0x3: {  	_ = 	snop  }
0x4: {  	_ = 	snop  }
0x5: {  	_ = 	snop  }
0x6: {  	_ = 	snop  }
0x7: {  	_ = 	snop  }
__scs_overlays_trampoline_lowered:
0x8: {  	[smem:$0x3FAC] =	sst s0  }
0x9: {  	[smem:$0x3FAD] =	sst s1  }
0xa: {  	[smem:$0x3FAE] =	sst s2  }
0xb: {  	[smem:$0x3FAF] =	sst s3  }
0xc: {  	[smem:$0x3FB0] =	sst s4  }
0xd: {  	[smem:$0x3FB1] =	sst s5  }
0xe: {  	[smem:$0x3FB2] =	sst s6  }
0xf: {  	[smem:$0x3FB3] =	sst s7  }
0x10: {  	[smem:$0x3FB4] =	sst s8  }
0x11: {  	[smem:$0x3FB5] =	sst s9;
	s0 =	simm.s32 @!p0 $0x0  }
0x12: {  	s1 =	sld [smem:$0x3F9B];
	s0 =	simm.s32 @p0 $0x1  }
0x13: {  	[smem:$0x3FB6] =	sst s0;
	s0 =	simm.s32 @!p1 $0x0  }
0x14: {  	s2 =	sld [smem:$0x3F9A];
	s0 =	simm.s32 @p1 $0x1  }
0x15: {  	[smem:$0x3FB7] =	sst s0;
	s0 =	simm.s32 @!p2 $0x0  }
0x16: {  	s3 =	sld [smem:$0x3FDB];
	s0 =	simm.s32 @p2 $0x1  }
0x17: {  	s4 =	simm.s32 $0x1BF5;
	[smem:$0x3FB9] =	sst s0  }
0x18: {  	s0 =	sld [smem:$0x3F9C];
	_ =	swait.ge [sflag:s4], $0x0  }
0x19: {  	s7 =	sld [smem:$0x3F9D]  }
0x1a: {  	s8 =	sadd.s32 $0xFFFFE003, lr  }
0x1b: {  	s9 =	sadd.s32 $0xFFFFFEF7, lr;
	s5 =	simm.s32 $0xFFFFFFFF;
	p2 =	slt.u32 s8, $0xFFFFF086  }
0x1c: {  	p1 =	slt.u32 s9, $0xF7A;
	s5 =	simm.s32 @!p2 $0x0  }
0x1d: {  	s5 =	simm.s32 @p1 $0x1;
	p0 =	seq.s32 s7, s2  }
0x1e: {  	s7 =	smul.u32 @!p0 $0xF7A, s2;
	p2 =	seq.s32 @!p0 s5, $0x0  }
0x1f: {  	s9 =	smul.u32 $0xF7A, s1;
	s8 =	simm.s32 @!p0 $0x1BF5;
	p2 =	por !p2, p0  }
0x20: {  	[sflag:s8] =	ssyncset.s32 @!p0 $0xFFFFF086;
	s6 =	sadd.s32 @!p0 s3, s7;
	s7 =	simm.s32 @!p0 $0x108  }
0x21: {  	s3 =	sadd.s32 s3, s9;
	s6 =	sadd.s32 @!p0 $0x88, s6;
	s7 =	simm.s32 @p2 $0x1082  }
0x22: {  	[simem:s7], [sflag:s8] =	dma.local @!p0 [hbm:s6], $0xF7A  }
0x23: {  	s9 =	sor.u32 $0xD0000000, s2;
	s6 =	simm.s32 $0x108;
	_ =	swait.ge @!p0 [sflag:s8], $0x0  }
0x24: {  	s3 =	sadd.s32 $0x88, s3;
	s6 =	simm.s32 @!p1 $0x1082;
	[sflag:s4] =	ssyncset.s32 $0xFFFFF086  }
0x25: {  	[simem:s6], [sflag:s4] =	dma.local [hbm:s3], $0xF7A  }
0x26: {  	[smem:$0x3F9D] =	sst s1;
	(tag) =	ssettag s2;
	_ =	strace s9  }
0x27: {  	s1 =	sld [smem:$0x3FAD]  }
0x28: {  	s2 =	sld [smem:$0x3FAE]  }
0x29: {  	s4 =	sld [smem:$0x3FB0]  }
0x2a: {  	p0 =	seq.s32 s5, $0x0;
	s5 =	sld [smem:$0x3FB1]  }
0x2b: {  	s6 =	sld [smem:$0x3FB2]  }
0x2c: {  	s7 =	sld [smem:$0x3FB3]  }
0x2d: {  	s3 =	simm.s32 $0x108;
	s8 =	sld [smem:$0x3FB4]  }
0x2e: {  	s3 =	simm.s32 @!p0 $0x1082;
	s9 =	sld [smem:$0x3FB5]  }
0x2f: {  	lr =	sadd.s32 s0, s3;
	s0 =	sld [smem:$0x3FAC]  }
0x30: {  	s3 =	sld [smem:$0x3FAF]  }
0x31: {  	[smem:$0x3FB8] =	sst s10  }
0x32: {  	s10 =	sld [smem:$0x3FB6];
	_ =	sdelay $0x3  }
0x33: {  	p0 =	seq.s32 s10, $0x1;
	s10 =	sld [smem:$0x3FB8];
	_ =	sdelay $0x3  }
0x34: {  	[smem:$0x3FB8] =	sst s10  }
0x35: {  	s10 =	sld [smem:$0x3FB7];
	_ =	sdelay $0x3  }
0x36: {  	p1 =	seq.s32 s10, $0x1;
	s10 =	sld [smem:$0x3FB8];
	_ =	sdelay $0x3  }
0x37: {  	[smem:$0x3FB8] =	sst s10  }
0x38: {  	s10 =	sld [smem:$0x3FB9]  }
0x39: {  	_ = 	snop;
	(pc) =	sbr.ind lr, $3  }
0x3a: {  	_ = 	snop  }
0x3b: {  	_ = 	snop  }
0x3c: {  	p2 =	seq.s32 s10, $0x1;
	s10 =	sld [smem:$0x3FB8]  }
0x3d: {  	_ =	shalt  }
0x3e: {  	_ =	shalt  }
0x3f: {  	_ =	shalt  }
0x40: {  	_ =	shalt  }
0x41: {  	_ =	shalt  }
0x42: {  	_ =	shalt  }
0x43: {  	_ =	shalt  }
0x44: {  	_ =	shalt  }
0x45: {  	_ =	shalt  }
0x46: {  	_ =	shalt  }
0x47: {  	_ =	shalt  }
0x48: {  	_ =	shalt  }
0x49: {  	_ =	shalt  }
0x4a: {  	_ =	shalt  }
0x4b: {  	_ =	shalt  }
0x4c: {  	_ =	shalt  }
0x4d: {  	_ =	shalt  }
0x4e: {  	_ =	shalt  }
0x4f: {  	_ =	shalt  }
0x50: {  	_ =	shalt  }
0x51: {  	_ =	shalt  }
0x52: {  	_ =	shalt  }
0x53: {  	_ =	shalt  }
0x54: {  	_ =	shalt  }
0x55: {  	_ =	shalt  }
0x56: {  	_ =	shalt  }
0x57: {  	_ =	shalt  }
0x58: {  	_ =	shalt  }
0x59: {  	_ =	shalt  }
0x5a: {  	_ =	shalt  }
0x5b: {  	_ =	shalt  }
0x5c: {  	_ =	shalt  }
0x5d: {  	_ =	shalt  }
0x5e: {  	_ =	shalt  }
0x5f: {  	_ =	shalt  }
0x60: {  	_ =	shalt  }
0x61: {  	_ =	shalt  }
0x62: {  	_ =	shalt  }
0x63: {  	_ =	shalt  }
0x64: {  	_ =	shalt  }
0x65: {  	_ =	shalt  }
0x66: {  	_ =	shalt  }
0x67: {  	_ =	shalt  }
0x68: {  	_ =	shalt  }
0x69: {  	_ =	shalt  }
0x6a: {  	_ =	shalt  }
0x6b: {  	_ =	shalt  }
0x6c: {  	_ =	shalt  }
0x6d: {  	_ =	shalt  }
0x6e: {  	_ =	shalt  }
0x6f: {  	_ =	shalt  }
0x70: {  	_ =	shalt  }
0x71: {  	_ =	shalt  }
0x72: {  	_ =	shalt  }
0x73: {  	_ =	shalt  }
0x74: {  	_ =	shalt  }
0x75: {  	_ =	shalt  }
0x76: {  	_ =	shalt  }
0x77: {  	_ =	shalt  }
0x78: {  	_ =	shalt  }
0x79: {  	_ =	shalt  }
0x7a: {  	_ =	shalt  }
0x7b: {  	_ =	shalt  }
0x7c: {  	_ =	shalt  }
0x7d: {  	_ =	shalt  }
0x7e: {  	_ =	shalt  }
0x7f: {  	_ =	shalt  }
0x80: {  	_ =	shalt  }
0x81: {  	_ =	shalt  }
0x82: {  	_ =	shalt  }
0x83: {  	_ =	shalt  }
0x84: {  	_ =	shalt  }
0x85: {  	_ =	shalt  }
0x86: {  	_ =	shalt  }
0x87: {  	_ =	shalt  }
.Lfunc_end0:
.L_simem_size_0:
called_computation_lowered:
.L_overlay_start_0:
0x88: {  	s2 =	sld [smem:$0x3FD9]  }
0x89: {  	s3 =	sld [smem:$0x3FFE];
	_ =	sdelay $0x1  }
0x8a: {  	s1 =	srdreg.scid  }
0x8b: {  	s0 =	sand.u32 $0x1, s1  }
0x8c: {  	s15 =	sshll.u32 s0, $0xA;
	s2 =	sadd.s32 s3, s2  }
0x8d: {  	s2 =	sadd.s32 s2, s15  }
0x8e: {  	[smem:$0x3FC4] =	sst s2  }
0x8f: {  	_ = 	snop  }
0x90: {  	s2 =	sld [smem:$0x3FD0]  }
0x91: {  	s16 =	sld [smem:$0x3FC9]  }
0x92: {  	s4 =	sld [smem:$0x3FC8]  }
0x93: {  	s6 =	simm.s32 $0xA;
	s7 =	simm.s32 $0x10;
	s5 =	sld [smem:$0x3FC7]  }
0x94: {  	[smem:s7], [sflag:s6] =	dma.local [hbm:s2], $0x1  }
0x95: {  	_ =	swait.eq [sflag:s6], $0x1  }
0x96: {  	[sflag:s6] =	ssyncset.done $0x0  }
0x97: {  	s17 =	sld [smem:$0x10];
	[sflag:s6] =	ssyncadd.s32 $0xFFFFFFFF  }
0x98: {  	s18 =	sld [smem:$0x11];
	(tm) =	ssettm $0x1  }
0x99: {  	s19 =	sld [smem:$0x3FFB];
	_ =	sdelay $0x3  }
0x9a: {  	_ =	strace s19  }
0x9b: {  	s7 =	sld [smem:$0x3FFC];
	_ =	sdelay $0x3  }
0x9c: {  	_ =	strace s7  }
0x9d: {  	s7 =	sld [smem:$0x3FFD];
	_ =	sdelay $0x3  }
0x9e: {  	_ =	strace s7  }
0x9f: {  	_ =	strace $0x8FFFFFFF  }
0xa0: {  	s20 =	sld [smem:$0x3FDB];
	_ =	sdelay $0x1  }
0xa1: {  	s8 =	simm.s32 $_scs_section_size  }
0xa2: {  	s9 =	simm.s32 $_size__tile_overlayer_lowered;
	s10 =	simm.s32 $_tile_overlayer_lowered  }
0xa3: {  	s23 =	simm.s32 $0x1BFF;
	s22 =	sshll.u32 s10, $0x1;
	s7 =	sadd.s32 s8, s20  }
0xa4: {  	s11 =	simm.s32 $0x0;
	s21 =	sshll.u32 s9, $0x1;
	s9 =	sadd.s32 s22, s7  }
0xa5: {  	[timem:s11], [sflag:s23] =	dma.local [hbm:s9], s21  }
0xa6: {  	_ =	swait.ge [sflag:s23], s21  }
0xa7: {  	s8 =	ssub.s32 $0x0, s21;
	[sflag:s23] =	ssyncset.done $0x0  }
0xa8: {  	[sflag:s23] =	ssyncadd.s32 s8;
	_ =	sdelay $0x1  }
0xa9: {  	s24 =	simm.s32 $0x1B8B  }
0xaa: {  	_ =	swait.ge [sflag:s24], $0x1  }
0xab: {  	[sflag:s24] =	ssyncset.done $0x0  }
0xac: {  	s25 =	simm.s32 $0x1B8E;
	[sflag:s24] =	ssyncadd.s32 $0xFFFFFFFF  }
0xad: {  	s26 =	simm.s32 $execute0_lowered;
	[smem:$0x3FD2] =	sst s25  }
0xae: {  	s8 =	sshll.u32 s26, $0x1;
	_ =	strace $0x80000046;
	[dreg:$0x1] =	wrdreg $0xFFFFFFFF  }
0xaf: {  	s28 =	simm.s32 $_size_execute0_lowered;
	s7 =	sadd.s32 s7, s8;
	[dreg:$0x0] =	wrdreg $0x0  }
0xb0: {  	s8 =	sshll.u32 s28, $0x1;
	[dreg:$0x2] =	wrdreg s7  }
0xb1: {  	[dreg:$0x3] =	wrdreg s8  }
0xb2: {  	[dreg:$0x4] =	wrdreg $0xC0  }
0xb3: {  	_ =	task [dreg:s11], $0x5FFFF  }
0xb4: {  	[dreg:$0x1] =	wrdreg $0xFFFFFFFF  }
0xb5: {  	[dreg:$0x0] =	wrdreg $0x60  }
0xb6: {  	[dreg:$0x2] =	wrdreg s16  }
0xb7: {  	[dreg:$0x3] =	wrdreg s4  }
0xb8: {  	[dreg:$0x4] =	wrdreg s5  }
0xb9: {  	[dreg:$0x5] =	wrdreg s17  }
0xba: {  	[dreg:$0x6] =	wrdreg s18  }
0xbb: {  	[dreg:$0x7] =	wrdreg $0x0  }
0xbc: {  	[dreg:$0x8] =	wrdreg $0x9  }
0xbd: {  	_ =	task.clear_ibuf [dreg:s11], $0x9FFFF;
	_ =	strace $0x90000046  }
0xbe: {  	s29 =	simm.s32 $0x9;
	_ =	strace $0x80000048  }
0xbf: {  	_ =	swait.ge [sflag:s29], $0x1  }
0xc0: {  	[sflag:s29] =	ssyncadd.s32 $0xFFFFFFFF  }
0xc1: {  	_ =	strace $0x90000048  }
0xc2: {  	_ =	sfence  }
0xc3: {  	s30 =	sld [smem:$0x0];
	_ =	sdelay $0x2  }
0xc4: {  	s31 =	sshll.u32 s1, $0xD;
	s1 =	sshrl.u32 s1, $0x2  }
0xc5: {  	s3 =	sand.u32 $0x4000, s31;
	s1 =	sadd.s32 s1, s30  }
0xc6: {  	s0 =	sor.u32 s3, s0;
	s1 =	sshll.u32 s1, $0x11  }
0xc7: {  	s0 =	sor.u32 s1, s0  }
0xc8: {  	s0 =	sadd.s32 $0x8F2B, s0  }
0xc9: {  	[sflag:s0] =	ssyncadd.remote.s32 $0x1  }
0xca: {  	_ =	sfence.sel $0xFFFF  }
0xcb: {  	[dreg:$0x0] =	wrdreg $0xFFFFFFFF;
	(pc) =	sbr.abs _section_cstart, $3  }
0xcc: {  	[dreg:$0x1] =	wrdreg $0xFFFFFFFF  }
0xcd: {  	_ =	task.clear_ibuf [dreg:s11], $0x2FFFF;
	_ =	strace $0x9FFFFFFF  }
0xce: {  	(tm) =	ssettm $0x7FFFFFFF  }
0xcf: {  	_ =	shalt  }
tec
execute0_lowered:
.L_overlay_start_1:
0x0: {  	(tag) =	ssettag $0x1  }
0x1: {  	s0 =	rddreg [dreg:$0x0]  }
0x2: {  	s12 =	rddreg [dreg:$0x1]  }
0x3: {  	s13 =	rddreg [dreg:$0x2]  }
0x4: {  	s1 =	srdreg.scid;
	s6 =	rddreg [dreg:$0x4]  }
0x5: {  	s14 =	stileid.u32;
	s7 =	rddreg [dreg:$0x5]  }
0x6: {  	s8 =	simm.s32 $0x0;
	s1 =	sand.u32 $0x1, s1;
	s3 =	smul.u32 $0x5A98, s14  }
0x7: {  	s29 =	simm.s32 $0x1;
	[smem:$0x7FF] =	sst s8;
	s5 =	ssub.s32 $0x2, s1  }
0x8: {  	s2 =	sshll.u32 s1, $0x4;
	s9 =	sshrl.u32 s5, $0x1;
	s10 =	sshrl.u32 s3, $0x3  }
0x9: {  	s15 =	sadd.s32 s3, s7;
	s5 =	ssub.s32 s5, s9;
	s9 =	sadd.s32 s0, s10  }
0xa: {  	_ =	strace $0x80000047;
	[dreg:$0xa] =	wrdreg s15;
	s11 =	sadd.s32 $0x8AD0, s9  }
0xb: {  	s2 =	sor.u32 s14, s2;
	s20 =	sadd.s32 $0x8CD0, s9;
	[dreg:$0x7] =	wrdreg s11  }
0xc: {  	s2 =	smul.u32 $0x4350, s2;
	s24 =	sadd.s32 $0x8ED0, s9;
	[dreg:$0x9] =	wrdreg s20  }
0xd: {  	s31 =	smul.u32 $0x3A98, s14;
	s16 =	sadd.s32 $0x92D0, s9;
	[dreg:$0xd] =	wrdreg s24  }
0xe: {  	s2 =	sshrl.u32 s2, $0x3;
	s11 =	sadd.s32 $0x90D0, s9;
	[dreg:$0x14] =	wrdreg s16  }
0xf: {  	s9 =	sadd.s32 $0x94D0, s9;
	s18 =	sor.u32 $0x20000, s2;
	[dreg:$0x13] =	wrdreg s11  }
0x10: {  	s21 =	sadd.s32 $0x20200, s2;
	[dreg:$0x15] =	wrdreg s9;
	s19 =	sadd.s32 s0, s18  }
0x11: {  	p1 =	seq.s32 s1, $0x0;
	s22 =	sadd.s32 s0, s21;
	[dreg:$0x8] =	wrdreg s19  }
0x12: {  	s23 =	sadd.s32 $0x20400, s2;
	s10 =	sadd.s32 s6, s18;
	[dreg:$0xb] =	wrdreg s22  }
0x13: {  	p0 =	sne.s32 s1, $0x0;
	s25 =	sadd.s32 s0, s23;
	[dreg:$0xc] =	wrdreg s10  }
0x14: {  	s26 =	sadd.s32 $0x20600, s2;
	s3 =	sadd.s32 s6, s21;
	[dreg:$0xe] =	wrdreg s25  }
0x15: {  	s17 =	sshrl.u32 s31, $0x3;
	s28 =	sadd.s32 s0, s26;
	[dreg:$0xf] =	wrdreg s3  }
0x16: {  	s2 =	sadd.s32 $0x20800, s2;
	s4 =	sadd.s32 s6, s26;
	[dreg:$0x10] =	wrdreg s28  }
0x17: {  	s11 =	sshll.u32 s14, $0xC;
	s10 =	sadd.s32 s6, s23;
	[dreg:$0x12] =	wrdreg s4  }
0x18: {  	s9 =	simm.s32 $0xFFFC5680;
	s19 =	sadd.s32 s0, s2;
	[dreg:$0x11] =	wrdreg s10  }
0x19: {  	s18 =	sadd.s32 s0, s17;
	s2 =	sadd.s32 s6, s2;
	[dreg:$0x16] =	wrdreg s19  }
0x1a: {  	s9 =	simm.s32 @!p1 $0x45680;
	s20 =	sadd.s32 $0x29810, s18;
	[dreg:$0x17] =	wrdreg s2  }
0x1b: {  	s21 =	sadd.s32 $0x29A10, s18;
	s22 =	sadd.s32 $0x29C10, s18;
	[dreg:$0x19] =	wrdreg s20  }
0x1c: {  	s23 =	sshll.u32 s14, $0xD;
	s24 =	sadd.s32 $0x29E10, s18;
	[dreg:$0x1a] =	wrdreg s21  }
0x1d: {  	s25 =	sshll.u32 s14, $0xA;
	s3 =	simm.s32 $0x4000;
	[dreg:$0x1b] =	wrdreg s22  }
0x1e: {  	s28 =	sshll.u32 s1, $0x13;
	s18 =	sadd.s32 $0x2000, s15;
	[dreg:$0x1c] =	wrdreg s24  }
0x1f: {  	s1 =	simm.s32 $0x14C080;
	[smem:$0x7F4] =	sst s18;
	s19 =	sadd.s32 $0x3000, s15  }
0x20: {  	s9 =	sadd.s32 s9, s11;
	s20 =	sadd.s32 $0x4000, s15;
	[smem:$0x7F5] =	sst s19  }
0x21: {  	s10 =	sadd.s32 s31, s7;
	s22 =	sadd.s32 $0x5000, s15;
	[smem:$0x7F6] =	sst s20  }
0x22: {  	s2 =	sadd.s32 s23, s7;
	s16 =	sadd.s32 s0, s25;
	[smem:$0x7F7] =	sst s22  }
0x23: {  	s3 =	simm.s32 @!p1 $0x14000;
	s1 =	simm.s32 @!p1 $0x45680;
	[dreg:$0x18] =	wrdreg s10  }
0x24: {  	s21 =	sor.u32 s11, s28;
	s28 =	sadd.s32 $0x5A980, s7;
	[dreg:$0x1d] =	wrdreg s16  }
0x25: {  	s30 =	sadd.s32 $0x3A990, s9;
	s26 =	sadd.s32 $0x3A980, s2;
	[smem:$0x7FC] =	sst s28  }
0x26: {  	s2 =	sadd.s32 $0x3B980, s2;
	s3 =	sadd.s32 s0, s3;
	[dreg:$0x1e] =	wrdreg s26  }
0x27: {  	s31 =	sshrl.u32 s21, $0x3;
	s23 =	sadd.s32 $0x1000, s10;
	[dreg:$0x1f] =	wrdreg s2  }
0x28: {  	s24 =	sadd.s32 $0x2000, s10;
	s25 =	sadd.s32 $0x3000, s10;
	[smem:$0x7EC] =	sst s3  }
0x29: {  	s10 =	simm.s32 $0x14AA0;
	s19 =	simm.s32 $0x2;
	[smem:$0x7F8] =	sst s23  }
0x2a: {  	s2 =	simm.s32 $0x14C080;
	s17 =	sadd.s32 s13, s31;
	[smem:$0x7F9] =	sst s24  }
0x2b: {  	s4 =	sadd.s32 s12, s31;
	s3 =	sor.u32 $0x2000, s31;
	[smem:$0x7FA] =	sst s25  }
0x2c: {  	s26 =	sadd.s32 $0x200, s16;
	s31 =	sor.u32 $0x10000, s21;
	[smem:$0x7ED] =	sst s17  }
0x2d: {  	s16 =	simm.s32 $0x7;
	s25 =	simm.s32 $0x9;
	[smem:$0x7EE] =	sst s4  }
0x2e: {  	s2 =	simm.s32 @!p1 $0x0;
	s13 =	sadd.s32 s13, s3;
	[smem:$0x7FB] =	sst s26  }
0x2f: {  	s3 =	sadd.s32 s12, s3;
	s12 =	sadd.s32 $0x6A990, s9;
	[smem:$0x7FD] =	sst s31  }
.Ltmp0:
0x30: {  	p1 =	sne.s32 s14, $0xF;
	[smem:$0x7EF] =	sst s13;
	(pc) =	sbr.rel .LBB2_1-.Ltmp0, $4  }
0x31: {  	s17 =	sadd.s32 $0x1000, s15;
	s14 =	simm.s32 $0x6;
	[smem:$0x7F0] =	sst s3  }
0x32: {  	s15 =	simm.s32 $0x3;
	s4 =	simm.s32 $0x0;
	[smem:$0x7F1] =	sst s12  }
0x33: {  	v2 =	vlaneseq.u32;
	s13 =	smax.u32 s5, $0x1;
	[smem:$0x7F3] =	sst s17;
	s5 =	sadd.s32 $0xFFFF0000, s21  }
0x34: {  	v3 =	vimm.s32 $0x0;
	v0 =	vmov s1;
	s12 =	simm.s32 $0x13AA0;
	s3 =	simm.s32 $0x400;
	v1 =	vmov s2;
	[smem:$0x7F2] =	sst s13  }
.LBB2_32:
0x35: {  	s1 =	simm.s32 $0x4  }
0x36: {  	_ =	swait.ge [sflag:s1], $0x1000  }
0x37: {  	[sflag:s1] =	ssyncset.done $0x0  }
0x38: {  	[sflag:s1] =	ssyncadd.s32 $0xFFFFF000  }
0x39: {  	_ =	swait.ge [sflag:s1], $0x1000  }
0x3a: {  	[sflag:s1] =	ssyncset.done $0x0  }
0x3b: {  	s2 =	simm.s32 $0x5;
	[sflag:s1] =	ssyncadd.s32 $0xFFFFF000  }
0x3c: {  	_ =	swait.ge [sflag:s2], $0x1000  }
0x3d: {  	[sflag:s2] =	ssyncset.done $0x0  }
0x3e: {  	[sflag:s2] =	ssyncadd.s32 $0xFFFFF000  }
0x3f: {  	_ =	swait.ge [sflag:s2], $0x1000  }
0x40: {  	s4 =	sld [smem:$0x7EB]  }
0x41: {  	s31 =	sld [smem:$0x7F2];
	_ =	sdelay $0x1  }
0x42: {  	s4 =	sadd.s32 $0x1, s4  }
0x43: {  	p2 =	sne.s32 s4, s31  }
.Ltmp1:
0x44: {  	_ = 	snop;
	(pc) =	sbr.rel @!p2 .LBB2_33-.Ltmp1, $3  }
0x45: {  	_ =	sdelay $0x1  }
0x46: {  	[sflag:s2] =	ssyncset.done $0x0  }
0x47: {  	[sflag:s2] =	ssyncadd.s32 $0xFFFFF000  }
.LBB2_1:
.Ltmp2:
0x48: {  	(pc) =	sbr.rel @p0 .LBB2_3-.Ltmp2, $2  }
0x49: {  	_ =	sdelay $0x2  }
0x4a: {  	[smem:$0x7EB] =	sst s4  }
0x4b: {  	s1 =	rddreg [dreg:$0x19]  }
0x4c: {  	[tilespmem:s12], [sflag:$0x6] =	stream.linear.gather [hbm4b:s1+s8], $0x1000, $0x38;
	[tilespmem:$0x1BAA0] =	vst v63  }
0x4d: {  	s13 =	rddreg [dreg:$0x8]  }
0x4e: {  	[tilespmem:s10], [sflag:$0x7] =	stream.linear.gather [hbm4b:s13+s8], $0x1000, $0x38;
	[tilespmem:$0x1BAA0] =	vst v63  }
0x4f: {  	s17 =	rddreg [dreg:$0x1a];
	s2 =	simm.s32 $0x15AA0  }
0x50: {  	[tilespmem:s2], [sflag:$0x8] =	stream.linear.gather [hbm4b:s17+s8], $0x1000, $0x38;
	[tilespmem:$0x1BAA0] =	vst v63  }
0x51: {  	_ =	swait.ge [sflag:s14], $0x1000  }
0x52: {  	[sflag:s14] =	ssyncset.done $0x0  }
0x53: {  	s18 =	rddreg [dreg:$0x18];
	[sflag:s14] =	ssyncadd.s32 $0xFFFFF000  }
0x54: {  	[spmem:s18] =	stream.linear.scatter [tilespmem:s12], [sflag:$0x6], $0x1000, $0x38;
	[tilespmem:$0x1BAA0] =	vst v63  }
0x55: {  	_ =	swait.ge [sflag:s14], $0x1000  }
0x56: {  	[sflag:s14] =	ssyncset.done $0x0  }
0x57: {  	s20 =	rddreg [dreg:$0xb];
	[sflag:s14] =	ssyncadd.s32 $0xFFFFF000  }
0x58: {  	[tilespmem:s12], [sflag:$0x6] =	stream.linear.gather [hbm4b:s20+s8], $0x1000, $0x38;
	[tilespmem:$0x1BAA0] =	vst v63  }
0x59: {  	_ =	swait.ge [sflag:s16], $0x1000  }
0x5a: {  	[sflag:s16] =	ssyncset.done $0x0  }
0x5b: {  	s22 =	rddreg [dreg:$0xc];
	[sflag:s16] =	ssyncadd.s32 $0xFFFFF000  }
0x5c: {  	[hbm4b:s22+s8] =	stream.linear.scatter [tilespmem:s10], [sflag:$0x7], $0x1000, $0x38;
	[tilespmem:$0x1BAA0] =	vst v63  }
0x5d: {  	_ =	swait.ge [sflag:s16], $0x1000  }
0x5e: {  	[sflag:s16] =	ssyncset.done $0x0  }
0x5f: {  	s9 =	simm.s32 $0x8;
	s23 =	rddreg [dreg:$0x1b];
	[sflag:s16] =	ssyncadd.s32 $0xFFFFF000  }
0x60: {  	[tilespmem:s10], [sflag:$0x7] =	stream.linear.gather [hbm4b:s23+s8], $0x1000, $0x38;
	[tilespmem:$0x1BAA0] =	vst v63  }
0x61: {  	_ =	swait.ge [sflag:s9], $0x1000  }
0x62: {  	s24 =	sld [smem:$0x7F8]  }
0x63: {  	[sflag:s9] =	ssyncset.done $0x0  }
0x64: {  	[sflag:s9] =	ssyncadd.s32 $0xFFFFF000  }
0x65: {  	[spmem:s24] =	stream.linear.scatter [tilespmem:s2], [sflag:$0x8], $0x1000, $0x38;
	[tilespmem:$0x1BAA0] =	vst v63  }
0x66: {  	_ =	swait.ge [sflag:s9], $0x1000  }
0x67: {  	[sflag:s9] =	ssyncset.done $0x0  }
0x68: {  	s26 =	rddreg [dreg:$0xe];
	[sflag:s9] =	ssyncadd.s32 $0xFFFFF000  }
0x69: {  	[tilespmem:s2], [sflag:$0x8] =	stream.linear.gather [hbm4b:s26+s8], $0x1000, $0x38;
	[tilespmem:$0x1BAA0] =	vst v63  }
0x6a: {  	_ =	swait.ge [sflag:s14], $0x1000  }
0x6b: {  	[sflag:s14] =	ssyncset.done $0x0  }
0x6c: {  	s28 =	rddreg [dreg:$0xf];
	[sflag:s14] =	ssyncadd.s32 $0xFFFFF000  }
0x6d: {  	[hbm4b:s28+s8] =	stream.linear.scatter [tilespmem:s12], [sflag:$0x6], $0x1000, $0x38;
	[tilespmem:$0x1BAA0] =	vst v63  }
0x6e: {  	_ =	swait.ge [sflag:s14], $0x1000  }
0x6f: {  	[sflag:s14] =	ssyncset.done $0x0  }
0x70: {  	s31 =	rddreg [dreg:$0x1c];
	[sflag:s14] =	ssyncadd.s32 $0xFFFFF000  }
0x71: {  	[tilespmem:s12], [sflag:$0x6] =	stream.linear.gather [hbm4b:s31+s8], $0xA98, $0x38;
	[tilespmem:$0x1BAA0] =	vst v63  }
0x72: {  	_ =	swait.ge [sflag:s16], $0x1000  }
0x73: {  	s4 =	sld [smem:$0x7F9]  }
0x74: {  	[sflag:s16] =	ssyncset.done $0x0  }
0x75: {  	[sflag:s16] =	ssyncadd.s32 $0xFFFFF000  }
0x76: {  	[spmem:s4] =	stream.linear.scatter [tilespmem:s10], [sflag:$0x7], $0x1000, $0x38;
	[tilespmem:$0x1BAA0] =	vst v63  }
0x77: {  	_ =	swait.ge [sflag:s16], $0x1000  }
0x78: {  	[sflag:s16] =	ssyncset.done $0x0  }
0x79: {  	s13 =	rddreg [dreg:$0x10];
	[sflag:s16] =	ssyncadd.s32 $0xFFFFF000  }
0x7a: {  	[tilespmem:s10], [sflag:$0x7] =	stream.linear.gather [hbm4b:s13+s8], $0x1000, $0x38;
	[tilespmem:$0x1BAA0] =	vst v63  }
0x7b: {  	_ =	swait.ge [sflag:s9], $0x1000  }
0x7c: {  	[sflag:s9] =	ssyncset.done $0x0  }
0x7d: {  	s17 =	rddreg [dreg:$0x11];
	[sflag:s9] =	ssyncadd.s32 $0xFFFFF000  }
0x7e: {  	[hbm4b:s17+s8] =	stream.linear.scatter [tilespmem:s2], [sflag:$0x8], $0x1000, $0x38;
	[tilespmem:$0x1BAA0] =	vst v63  }
0x7f: {  	_ =	swait.ge [sflag:s9], $0x1000  }
0x80: {  	[sflag:s9] =	ssyncset.done $0x0  }
0x81: {  	s18 =	rddreg [dreg:$0x1d];
	[sflag:s9] =	ssyncadd.s32 $0xFFFFF000  }
0x82: {  	[tilespmem:s2], [sflag:$0x8] =	stream.linear.gather [hbm4b:s18+s8], $0x1000, $0x38;
	[tilespmem:$0x1BAA0] =	vst v63  }
0x83: {  	_ =	swait.ge [sflag:s14], $0xA98  }
0x84: {  	s20 =	sld [smem:$0x7FA]  }
0x85: {  	[sflag:s14] =	ssyncset.done $0x0  }
0x86: {  	[sflag:s14] =	ssyncadd.s32 $0xFFFFF568  }
0x87: {  	[spmem:s20] =	stream.linear.scatter [tilespmem:s12], [sflag:$0x6], $0xA98, $0x38;
	[tilespmem:$0x1BAA0] =	vst v63  }
0x88: {  	_ =	swait.ge [sflag:s14], $0xA98  }
0x89: {  	[sflag:s14] =	ssyncset.done $0x0  }
0x8a: {  	s22 =	rddreg [dreg:$0x16];
	[sflag:s14] =	ssyncadd.s32 $0xFFFFF568  }
0x8b: {  	[tilespmem:s12], [sflag:$0x6] =	stream.linear.gather [hbm4b:s22+s8], $0x350, $0x38;
	[tilespmem:$0x1BAA0] =	vst v63  }
0x8c: {  	_ =	swait.ge [sflag:s16], $0x1000  }
0x8d: {  	[sflag:s16] =	ssyncset.done $0x0  }
0x8e: {  	s23 =	rddreg [dreg:$0x12];
	[sflag:s16] =	ssyncadd.s32 $0xFFFFF000  }
0x8f: {  	[hbm4b:s23+s8] =	stream.linear.scatter [tilespmem:s10], [sflag:$0x7], $0x1000, $0x38;
	[tilespmem:$0x1BAA0] =	vst v63  }
0x90: {  	_ =	swait.ge [sflag:s16], $0x1000  }
0x91: {  	s24 =	sld [smem:$0x7FB]  }
0x92: {  	[sflag:s16] =	ssyncset.done $0x0  }
0x93: {  	[sflag:s16] =	ssyncadd.s32 $0xFFFFF000  }
0x94: {  	[tilespmem:s10], [sflag:$0x7] =	stream.linear.gather [hbm4b:s24+s8], $0x1000, $0x38;
	[tilespmem:$0x1BAA0] =	vst v63  }
0x95: {  	_ =	swait.ge [sflag:s9], $0x1000  }
0x96: {  	[sflag:s9] =	ssyncset.done $0x0  }
0x97: {  	s26 =	rddreg [dreg:$0x1e];
	[sflag:s9] =	ssyncadd.s32 $0xFFFFF000  }
0x98: {  	[spmem:s26] =	stream.linear.scatter [tilespmem:s2], [sflag:$0x8], $0x1000, $0x38;
	[tilespmem:$0x1BAA0] =	vst v63  }
0x99: {  	_ =	swait.ge [sflag:s9], $0x1000  }
0x9a: {  	[sflag:s9] =	ssyncset.done $0x0  }
0x9b: {  	[sflag:s9] =	ssyncadd.s32 $0xFFFFF000  }
0x9c: {  	_ =	swait.ge [sflag:s14], $0x350  }
0x9d: {  	[sflag:s14] =	ssyncset.done $0x0  }
0x9e: {  	s28 =	rddreg [dreg:$0x17];
	[sflag:s14] =	ssyncadd.s32 $0xFFFFFCB0  }
0x9f: {  	[hbm4b:s28+s8] =	stream.linear.scatter [tilespmem:s12], [sflag:$0x6], $0x350, $0x38;
	[tilespmem:$0x1BAA0] =	vst v63  }
0xa0: {  	_ =	swait.ge [sflag:s14], $0x350  }
0xa1: {  	[sflag:s14] =	ssyncset.done $0x0  }
0xa2: {  	[sflag:s14] =	ssyncadd.s32 $0xFFFFFCB0  }
0xa3: {  	_ =	swait.ge [sflag:s16], $0x1000  }
0xa4: {  	[sflag:s16] =	ssyncset.done $0x0  }
.Ltmp3:
0xa5: {  	s31 =	rddreg [dreg:$0x1f];
	[sflag:s16] =	ssyncadd.s32 $0xFFFFF000;
	(pc) =	sbr.rel .LBB2_4-.Ltmp3, $4  }
0xa6: {  	[spmem:s31] =	stream.linear.scatter [tilespmem:s10], [sflag:$0x7], $0x1000, $0x38;
	[tilespmem:$0x1BAA0] =	vst v63  }
0xa7: {  	_ =	swait.ge [sflag:s16], $0x1000  }
0xa8: {  	[sflag:s16] =	ssyncset.done $0x0  }
0xa9: {  	s4 =	simm.s32 $0x15AA0;
	[sflag:s16] =	ssyncadd.s32 $0xFFFFF000  }
.LBB2_3:
0xaa: {  	s1 =	rddreg [dreg:$0x7]  }
0xab: {  	[tilespmem:s12], [sflag:$0x6] =	stream.linear.gather [hbm4b:s1+s8], $0x1000, $0x38;
	[tilespmem:$0x1BAA0] =	vst v63  }
0xac: {  	s13 =	rddreg [dreg:$0x8]  }
0xad: {  	[tilespmem:s10], [sflag:$0x7] =	stream.linear.gather [hbm4b:s13+s8], $0x1000, $0x38;
	[tilespmem:$0x1BAA0] =	vst v63  }
0xae: {  	s17 =	rddreg [dreg:$0x9];
	s2 =	simm.s32 $0x15AA0  }
0xaf: {  	[tilespmem:s2], [sflag:$0x8] =	stream.linear.gather [hbm4b:s17+s8], $0x1000, $0x38;
	[tilespmem:$0x1BAA0] =	vst v63  }
0xb0: {  	_ =	swait.ge [sflag:s14], $0x1000  }
0xb1: {  	[sflag:s14] =	ssyncset.done $0x0  }
0xb2: {  	s18 =	rddreg [dreg:$0xa];
	[sflag:s14] =	ssyncadd.s32 $0xFFFFF000  }
0xb3: {  	[spmem:s18] =	stream.linear.scatter [tilespmem:s12], [sflag:$0x6], $0x1000, $0x38;
	[tilespmem:$0x1BAA0] =	vst v63  }
0xb4: {  	_ =	swait.ge [sflag:s14], $0x1000  }
0xb5: {  	[sflag:s14] =	ssyncset.done $0x0  }
0xb6: {  	s20 =	rddreg [dreg:$0xb];
	[sflag:s14] =	ssyncadd.s32 $0xFFFFF000  }
0xb7: {  	[tilespmem:s12], [sflag:$0x6] =	stream.linear.gather [hbm4b:s20+s8], $0x1000, $0x38;
	[tilespmem:$0x1BAA0] =	vst v63  }
0xb8: {  	_ =	swait.ge [sflag:s16], $0x1000  }
0xb9: {  	[sflag:s16] =	ssyncset.done $0x0  }
0xba: {  	s22 =	rddreg [dreg:$0xc];
	[sflag:s16] =	ssyncadd.s32 $0xFFFFF000  }
0xbb: {  	[hbm4b:s22+s8] =	stream.linear.scatter [tilespmem:s10], [sflag:$0x7], $0x1000, $0x38;
	[tilespmem:$0x1BAA0] =	vst v63  }
0xbc: {  	_ =	swait.ge [sflag:s16], $0x1000  }
0xbd: {  	[sflag:s16] =	ssyncset.done $0x0  }
0xbe: {  	s9 =	simm.s32 $0x8;
	s23 =	rddreg [dreg:$0xd];
	[sflag:s16] =	ssyncadd.s32 $0xFFFFF000  }
0xbf: {  	[tilespmem:s10], [sflag:$0x7] =	stream.linear.gather [hbm4b:s23+s8], $0x1000, $0x38;
	[tilespmem:$0x1BAA0] =	vst v63  }
0xc0: {  	_ =	swait.ge [sflag:s9], $0x1000  }
0xc1: {  	s24 =	sld [smem:$0x7F3]  }
0xc2: {  	[sflag:s9] =	ssyncset.done $0x0  }
0xc3: {  	[sflag:s9] =	ssyncadd.s32 $0xFFFFF000  }
0xc4: {  	[spmem:s24] =	stream.linear.scatter [tilespmem:s2], [sflag:$0x8], $0x1000, $0x38;
	[tilespmem:$0x1BAA0] =	vst v63  }
0xc5: {  	_ =	swait.ge [sflag:s9], $0x1000  }
0xc6: {  	[sflag:s9] =	ssyncset.done $0x0  }
0xc7: {  	s26 =	rddreg [dreg:$0xe];
	[sflag:s9] =	ssyncadd.s32 $0xFFFFF000  }
0xc8: {  	[tilespmem:s2], [sflag:$0x8] =	stream.linear.gather [hbm4b:s26+s8], $0x1000, $0x38;
	[tilespmem:$0x1BAA0] =	vst v63  }
0xc9: {  	_ =	swait.ge [sflag:s14], $0x1000  }
0xca: {  	[sflag:s14] =	ssyncset.done $0x0  }
0xcb: {  	s28 =	rddreg [dreg:$0xf];
	[sflag:s14] =	ssyncadd.s32 $0xFFFFF000  }
0xcc: {  	[hbm4b:s28+s8] =	stream.linear.scatter [tilespmem:s12], [sflag:$0x6], $0x1000, $0x38;
	[tilespmem:$0x1BAA0] =	vst v63  }
0xcd: {  	_ =	swait.ge [sflag:s14], $0x1000  }
0xce: {  	[sflag:s14] =	ssyncset.done $0x0  }
0xcf: {  	s31 =	rddreg [dreg:$0x13];
	[sflag:s14] =	ssyncadd.s32 $0xFFFFF000  }
0xd0: {  	[tilespmem:s12], [sflag:$0x6] =	stream.linear.gather [hbm4b:s31+s8], $0x1000, $0x38;
	[tilespmem:$0x1BAA0] =	vst v63  }
0xd1: {  	_ =	swait.ge [sflag:s16], $0x1000  }
0xd2: {  	s4 =	sld [smem:$0x7F4]  }
0xd3: {  	[sflag:s16] =	ssyncset.done $0x0  }
0xd4: {  	[sflag:s16] =	ssyncadd.s32 $0xFFFFF000  }
0xd5: {  	[spmem:s4] =	stream.linear.scatter [tilespmem:s10], [sflag:$0x7], $0x1000, $0x38;
	[tilespmem:$0x1BAA0] =	vst v63  }
0xd6: {  	_ =	swait.ge [sflag:s16], $0x1000  }
0xd7: {  	[sflag:s16] =	ssyncset.done $0x0  }
0xd8: {  	s13 =	rddreg [dreg:$0x10];
	[sflag:s16] =	ssyncadd.s32 $0xFFFFF000  }
0xd9: {  	[tilespmem:s10], [sflag:$0x7] =	stream.linear.gather [hbm4b:s13+s8], $0x1000, $0x38;
	[tilespmem:$0x1BAA0] =	vst v63  }
0xda: {  	_ =	swait.ge [sflag:s9], $0x1000  }
0xdb: {  	[sflag:s9] =	ssyncset.done $0x0  }
0xdc: {  	s17 =	rddreg [dreg:$0x11];
	[sflag:s9] =	ssyncadd.s32 $0xFFFFF000  }
0xdd: {  	[hbm4b:s17+s8] =	stream.linear.scatter [tilespmem:s2], [sflag:$0x8], $0x1000, $0x38;
	[tilespmem:$0x1BAA0] =	vst v63  }
0xde: {  	_ =	swait.ge [sflag:s9], $0x1000  }
0xdf: {  	[sflag:s9] =	ssyncset.done $0x0  }
0xe0: {  	s18 =	rddreg [dreg:$0x14];
	[sflag:s9] =	ssyncadd.s32 $0xFFFFF000  }
0xe1: {  	[tilespmem:s2], [sflag:$0x8] =	stream.linear.gather [hbm4b:s18+s8], $0x1000, $0x38;
	[tilespmem:$0x1BAA0] =	vst v63  }
0xe2: {  	_ =	swait.ge [sflag:s14], $0x1000  }
0xe3: {  	s20 =	sld [smem:$0x7F5]  }
0xe4: {  	[sflag:s14] =	ssyncset.done $0x0  }
0xe5: {  	[sflag:s14] =	ssyncadd.s32 $0xFFFFF000  }
0xe6: {  	[spmem:s20] =	stream.linear.scatter [tilespmem:s12], [sflag:$0x6], $0x1000, $0x38;
	[tilespmem:$0x1BAA0] =	vst v63  }
0xe7: {  	_ =	swait.ge [sflag:s14], $0x1000  }
0xe8: {  	[sflag:s14] =	ssyncset.done $0x0  }
0xe9: {  	s22 =	rddreg [dreg:$0x16];
	[sflag:s14] =	ssyncadd.s32 $0xFFFFF000  }
0xea: {  	[tilespmem:s12], [sflag:$0x6] =	stream.linear.gather [hbm4b:s22+s8], $0x350, $0x38;
	[tilespmem:$0x1BAA0] =	vst v63  }
0xeb: {  	_ =	swait.ge [sflag:s16], $0x1000  }
0xec: {  	[sflag:s16] =	ssyncset.done $0x0  }
0xed: {  	s23 =	rddreg [dreg:$0x12];
	[sflag:s16] =	ssyncadd.s32 $0xFFFFF000  }
0xee: {  	[hbm4b:s23+s8] =	stream.linear.scatter [tilespmem:s10], [sflag:$0x7], $0x1000, $0x38;
	[tilespmem:$0x1BAA0] =	vst v63  }
0xef: {  	_ =	swait.ge [sflag:s16], $0x1000  }
0xf0: {  	[sflag:s16] =	ssyncset.done $0x0  }
0xf1: {  	s24 =	rddreg [dreg:$0x15];
	[sflag:s16] =	ssyncadd.s32 $0xFFFFF000  }
0xf2: {  	[tilespmem:s10], [sflag:$0x7] =	stream.linear.gather [hbm4b:s24+s8], $0xA98, $0x38;
	[tilespmem:$0x1BAA0] =	vst v63  }
0xf3: {  	_ =	swait.ge [sflag:s9], $0x1000  }
0xf4: {  	s26 =	sld [smem:$0x7F6]  }
0xf5: {  	[sflag:s9] =	ssyncset.done $0x0  }
0xf6: {  	[sflag:s9] =	ssyncadd.s32 $0xFFFFF000  }
0xf7: {  	[spmem:s26] =	stream.linear.scatter [tilespmem:s2], [sflag:$0x8], $0x1000, $0x38;
	[tilespmem:$0x1BAA0] =	vst v63  }
0xf8: {  	_ =	swait.ge [sflag:s9], $0x1000  }
0xf9: {  	[sflag:s9] =	ssyncset.done $0x0  }
0xfa: {  	[sflag:s9] =	ssyncadd.s32 $0xFFFFF000  }
0xfb: {  	_ =	swait.ge [sflag:s14], $0x350  }
0xfc: {  	[sflag:s14] =	ssyncset.done $0x0  }
0xfd: {  	s28 =	rddreg [dreg:$0x17];
	[sflag:s14] =	ssyncadd.s32 $0xFFFFFCB0  }
0xfe: {  	[hbm4b:s28+s8] =	stream.linear.scatter [tilespmem:s12], [sflag:$0x6], $0x350, $0x38;
	[tilespmem:$0x1BAA0] =	vst v63  }
0xff: {  	_ =	swait.ge [sflag:s14], $0x350  }
0x100: {  	[sflag:s14] =	ssyncset.done $0x0  }
0x101: {  	[sflag:s14] =	ssyncadd.s32 $0xFFFFFCB0  }
0x102: {  	_ =	swait.ge [sflag:s16], $0xA98  }
0x103: {  	s31 =	sld [smem:$0x7F7]  }
0x104: {  	[sflag:s16] =	ssyncset.done $0x0  }
0x105: {  	[sflag:s16] =	ssyncadd.s32 $0xFFFFF568  }
0x106: {  	[spmem:s31] =	stream.linear.scatter [tilespmem:s10], [sflag:$0x7], $0xA98, $0x38;
	[tilespmem:$0x1BAA0] =	vst v63  }
0x107: {  	_ =	swait.ge [sflag:s16], $0xA98  }
0x108: {  	[sflag:s16] =	ssyncset.done $0x0  }
0x109: {  	s4 =	simm.s32 $0x15AA0;
	[sflag:s16] =	ssyncadd.s32 $0xFFFFF568  }
.LBB2_4:
0x10a: {  	s9 =	sld [smem:$0x7EC];
	_ =	sdelay $0x1  }
0x10b: {  	s1 =	simm.s32 @!p1 $0x0;
	s2 =	simm.s32 @!p1 $0x19AA0  }
0x10c: {  	[tilespmem:s2], [sflag:$0xB] =	stream.linear.gather @!p1 [hbm4b:s9+s1], $0x10, $0x38;
	[tilespmem:$0x1BAA0] =	vst v63  }
0x10d: {  	s1 =	simm.s32 @!p1 $0xB  }
0x10e: {  	_ =	swait.ge @!p1 [sflag:s1], $0x10  }
0x10f: {  	s9 =	sld [smem:$0x7FC]  }
0x110: {  	[sflag:s1] =	ssyncset.done @!p1 $0x0  }
0x111: {  	[sflag:s1] =	ssyncadd.s32 @!p1 $0xFFFFFFF0  }
0x112: {  	[spmem:s9] =	stream.linear.scatter @!p1 [tilespmem:s2], [sflag:$0xB], $0x10, $0x38;
	[tilespmem:$0x1BAA0] =	vst v63  }
0x113: {  	_ =	swait.ge @!p1 [sflag:s1], $0x10  }
0x114: {  	[sflag:s1] =	ssyncset.done @!p1 $0x0  }
0x115: {  	[sflag:s1] =	ssyncadd.s32 @!p1 $0xFFFFFFF0  }
0x116: {  	[bflag:$0x0] =	sbarrier.arrive $0xFFFF  }
0x117: {  	s17 =	sld [smem:$0x7ED];
	_ =	sdelay $0x1  }
0x118: {  	s22 =	simm.s32 $0x0;
	s18 =	simm.s32 $0xBAA0;
	s20 =	sld [smem:$0x7EE]  }
0x119: {  	[tilespmem:s18], [sflag:$0x1] =	stream.linear.gather [hbm4b:s17+s22], $0x1000, $0x38;
	[tilespmem:$0x1BAA0] =	vst v63  }
0x11a: {  	s23 =	simm.s32 $0xDAA0;
	s24 =	sld [smem:$0x7EF]  }
0x11b: {  	[tilespmem:s23], [sflag:$0x1] =	stream.linear.gather [hbm4b:s20+s22], $0x1000, $0x38;
	[tilespmem:$0x1BAA0] =	vst v63  }
.Ltmp4:
0x11c: {  	_ = 	snop;
	(pc) =	sbr.rel .LBB2_5-.Ltmp4, $4  }
0x11d: {  	s26 =	simm.s32 $0xCAA0;
	s28 =	sld [smem:$0x7F0]  }
0x11e: {  	[tilespmem:s26], [sflag:$0x1] =	stream.linear.gather [hbm4b:s24+s22], $0x1000, $0x38;
	[tilespmem:$0x1BAA0] =	vst v63  }
0x11f: {  	s31 =	simm.s32 $0xEAA0  }
0x120: {  	[tilespmem:s31], [sflag:$0x1] =	stream.linear.gather [hbm4b:s28+s22], $0x1000, $0x38;
	[tilespmem:$0x1BAA0] =	vst v63  }
.LBB2_30:
0x121: {  	s2 =	sld [smem:$0x7F1];
	_ =	sdelay $0x2  }
0x122: {  	s2 =	sadd.s32 s20, s2  }
0x123: {  	s1 =	sshll.u32 s1, $0x10;
	s2 =	sshrl.u32 s2, $0x3  }
0x124: {  	s9 =	simm.s32 $0x1AAA0;
	s1 =	sand.u32 $0x3FFF0000, s1;
	s2 =	sadd.s32 s0, s2  }
0x125: {  	[tilespmem:s9], [sflag:$0xA] =	stream.linear.gather [hbm4b:s2+s8], $0x1000, $0x38;
	[tilespmem:$0x1BAA0] =	vst v63  }
0x126: {  	s1 =	sadd.s32 s1, s7;
	_ =	swait.ge [sflag:s25], $0x1000  }
0x127: {  	s1 =	sadd.s32 s11, s1;
	[sflag:s25] =	ssyncset.done $0x0  }
0x128: {  	s31 =	simm.s32 $0x19AA0;
	s1 =	sadd.s32 $0x3A990, s1;
	[sflag:s25] =	ssyncadd.s32 $0xFFFFF000  }
0x129: {  	[spmem:s1] =	stream.linear.scatter [tilespmem:s31], [sflag:$0x9], $0x1000, $0x38;
	[tilespmem:$0x1BAA0] =	vst v63  }
.LBB2_31:
0x12a: {  	s22 =	sadd.s32 $0x1, s22  }
0x12b: {  	p2 =	sne.s32 s22, $0x5  }
.Ltmp5:
0x12c: {  	_ = 	snop;
	(pc) =	sbr.rel @!p2 .LBB2_32-.Ltmp5, $1  }
0x12d: {  	_ =	sdelay $0x3  }
.LBB2_5:
0x12e: {  	s2 =	sshll.u32 s22, $0x1  }
0x12f: {  	s1 =	sadd.s32 $0xFFFFFFFE, s2  }
0x130: {  	p2 =	sgt.u32 s1, $0x5  }
.Ltmp6:
0x131: {  	_ = 	snop;
	(pc) =	sbr.rel @p2 .LBB2_7-.Ltmp6, $1  }
0x132: {  	_ =	sdelay $0x3  }
.Ltmp7:
0x133: {  	(pc) =	sbr.rel .LBB2_8-.Ltmp7, $4  }
0x134: {  	_ = 	snop  }
0x135: {  	_ =	swait.ge [sflag:s25], $0x1000  }
0x136: {  	[sflag:s25] =	ssyncset.done $0x0  }
0x137: {  	[sflag:s25] =	ssyncadd.s32 $0xFFFFF000  }
.LBB2_7:
0x138: {  	p2 =	sne.s32 s1, $0x6  }
.Ltmp8:
0x139: {  	_ = 	snop;
	(pc) =	sbr.rel @p2 .LBB2_9-.Ltmp8, $1  }
0x13a: {  	_ =	sdelay $0x3  }
.LBB2_8:
0x13b: {  	[bflag:$0x0] =	sbarrier.arrive $0xFFFF  }
.LBB2_9:
0x13c: {  	p2 =	seq.s32 s22, $0x4  }
.Ltmp9:
0x13d: {  	_ = 	snop;
	(pc) =	sbr.rel @p2 .LBB2_13-.Ltmp9, $3  }
0x13e: {  	_ =	sdelay $0x1  }
0x13f: {  	s20 =	sshll.u32 s22, $0x11  }
0x140: {  	s24 =	sadd.s32 s21, s20  }
0x141: {  	_ =	swait.ge [sflag:s29], $0x1000  }
0x142: {  	[sflag:s29] =	ssyncset.done $0x0  }
0x143: {  	[sflag:s29] =	ssyncadd.s32 $0xFFFFF000  }
0x144: {  	_ =	swait.ge [sflag:s29], $0x1000  }
0x145: {  	[sflag:s29] =	ssyncset.done $0x0  }
0x146: {  	s9 =	simm.s32 $0x0;
	[sflag:s29] =	ssyncadd.s32 $0xFFFFF000  }
0x147: {  	v5 =	vld [tilespmem:s9+$0xBAA0];
	_ =	sdelay $0x3  }
0x148: {  	v4 =	vor.u32 s24, v2  }
0x149: {  	v4 =	vcvt.s32.f32 v4;
	v5 =	vmul.f32 $-4.800000000e+04, v5;
	_ =	sdelay $0x1  }
0x14a: {  	v5 =	vadd.f32 v5, v4;
	_ =	sdelay $0x1  }
0x14b: {  	v6 =	vadd.f32 $1.600000000e+06, v5  }
0x14c: {  	vm0 =	vlt.f32 v5, $0.0e+00  }
0x14d: {  	v5 =	vsel vm0, v6, v5  }
0x14e: {  	v6 =	vtrunc.f32 v5  }
0x14f: {  	v6 =	vcvt.f32.s32 v6;
	_ =	sdelay $0x1  }
0x150: {  	v7 =	vcvt.s32.f32 v6;
	vm0 =	vlt.s32 v6, $0x1869FF  }
0x151: {  	v8 =	vnsel vm0, $0x1869FF, v6  }
0x152: {  	s17 =	simm.s32 $0x40;
	s13 =	simm.s32 $0x80;
	v6 =	vsub.f32 v5, v7;
	v5 =	vsub.s32 v8, v0;
	vm0 =	vlt.s32 v8, v1  }
.LBB2_11:
0x153: {  	p3 =	sne.s32 s13, $0x3FC0;
	v7 =	vsel vm0, $0x186A00, v3  }
0x154: {  	s18 =	sshra.s32 s17, $0x2;
	s17 =	smov.u32 s13;
	v5 =	vadd.s32 v5, v7;
	[tilespmem:s9+$0xBAA0] =	vst v6  }
0x155: {  	v6 =	vld [tilespmem:s18+$0xBAA0];
	[tilespmem:s9+$0xFAA0] =	vst v5;
	v5 =	vadd.s32 $0x1, v5  }
0x156: {  	[tilespmem:s9+$0x11AA0] =	vst v5;
	s9 =	smov.u32 s18;
	_ =	sdelay $0x3  }
0x157: {  	v4 =	vadd.f32 $1.600000000e+01, v4;
	v5 =	vmul.f32 $-4.800000000e+04, v6;
	_ =	sdelay $0x1  }
0x158: {  	v5 =	vadd.f32 v5, v4;
	_ =	sdelay $0x1  }
0x159: {  	v6 =	vadd.f32 $1.600000000e+06, v5  }
0x15a: {  	vm0 =	vlt.f32 v5, $0.0e+00  }
0x15b: {  	v5 =	vsel vm0, v6, v5  }
0x15c: {  	v6 =	vtrunc.f32 v5  }
.Ltmp10:
0x15d: {  	v6 =	vcvt.f32.s32 v6;
	(pc) =	sbr.rel @p3 .LBB2_11-.Ltmp10, $4  }
0x15e: {  	_ = 	snop  }
0x15f: {  	v7 =	vcvt.s32.f32 v6;
	vm0 =	vlt.s32 v6, $0x1869FF  }
0x160: {  	v8 =	vnsel vm0, $0x1869FF, v6  }
0x161: {  	s13 =	sadd.s32 $0x40, s13;
	v6 =	vsub.f32 v5, v7;
	v5 =	vsub.s32 v8, v0;
	vm0 =	vlt.s32 v8, v1  }
0x162: {  	_ = 	snop  }
0x163: {  	s13 =	sshra.s32 s17, $0x2;
	[tilespmem:s9+$0xBAA0] =	vst v6  }
0x164: {  	v6 =	vld [tilespmem:s13+$0xBAA0];
	_ =	sdelay $0x4  }
0x165: {  	v4 =	vadd.f32 $1.600000000e+01, v4;
	v6 =	vmul.f32 $-4.800000000e+04, v6;
	_ =	sdelay $0x1  }
0x166: {  	v4 =	vadd.f32 v6, v4;
	_ =	sdelay $0x1  }
0x167: {  	v6 =	vadd.f32 $1.600000000e+06, v4  }
0x168: {  	vm1 =	vlt.f32 v4, $0.0e+00  }
0x169: {  	v4 =	vsel vm1, v6, v4  }
0x16a: {  	v6 =	vtrunc.f32 v4  }
0x16b: {  	v6 =	vcvt.f32.s32 v6;
	_ =	sdelay $0x1  }
0x16c: {  	v7 =	vsel vm0, $0x186A00, v3;
	v8 =	vcvt.s32.f32 v6;
	vm15 =	vlt.s32 v6, $0x1869FF  }
0x16d: {  	v5 =	vadd.s32 v5, v7;
	v6 =	vnsel vm15, $0x1869FF, v6  }
0x16e: {  	[tilespmem:s9+$0xFAA0] =	vst v5;
	v5 =	vadd.s32 $0x1, v5;
	v4 =	vsub.f32 v4, v8;
	vm0 =	vlt.s32 v6, v1  }
0x16f: {  	[tilespmem:s9+$0x11AA0] =	vst v5;
	v5 =	vsub.s32 v6, v0;
	v63 =	vsel vm0, $0x186A00, v3  }
0x170: {  	v5 =	vadd.s32 v5, v63;
	[tilespmem:s13+$0xBAA0] =	vst v4  }
0x171: {  	p3 =	seq.s32 s22, $0x0;
	[tilespmem:s13+$0xFAA0] =	vst v5;
	v4 =	vadd.s32 $0x1, v5  }
0x172: {  	s9 =	simm.s32 @!p3 $0x4;
	[tilespmem:s13+$0x11AA0] =	vst v4  }
0x173: {  	_ =	swait.ge @!p3 [sflag:s9], $0x1000  }
0x174: {  	[sflag:s9] =	ssyncset.done @!p3 $0x0  }
0x175: {  	[sflag:s9] =	ssyncadd.s32 @!p3 $0xFFFFF000  }
0x176: {  	_ =	swait.ge @!p3 [sflag:s9], $0x1000  }
0x177: {  	[sflag:s9] =	ssyncset.done @!p3 $0x0  }
0x178: {  	s31 =	simm.s32 $0xFAA0;
	[sflag:s9] =	ssyncadd.s32 @!p3 $0xFFFFF000  }
0x179: {  	[tilespmem:s12], [sflag:$0x2] =	stream.indirect.gather [spmem:s7], $0x1, s31, s3, $0xb8;
	[tilespmem:$0x1BAA0] =	vst v63  }
0x17a: {  	s13 =	simm.s32 $0x11AA0  }
0x17b: {  	[tilespmem:s4], [sflag:$0x2] =	stream.indirect.gather [spmem:s7], $0x1, s13, s3, $0xb8;
	[tilespmem:$0x1BAA0] =	vst v63  }
0x17c: {  	s17 =	simm.s32 $0xFEA0;
	s18 =	simm.s32 $0x13EA0  }
0x17d: {  	[tilespmem:s18], [sflag:$0x2] =	stream.indirect.gather [spmem:s7], $0x1, s17, s3, $0xb8;
	[tilespmem:$0x1BAA0] =	vst v63  }
0x17e: {  	s23 =	simm.s32 $0x11EA0;
	s26 =	simm.s32 $0x15EA0  }
0x17f: {  	[tilespmem:s26], [sflag:$0x2] =	stream.indirect.gather [spmem:s7], $0x1, s23, s3, $0xb8;
	[tilespmem:$0x1BAA0] =	vst v63  }
0x180: {  	s28 =	simm.s32 $0x102A0;
	s31 =	simm.s32 $0x142A0  }
0x181: {  	[tilespmem:s31], [sflag:$0x2] =	stream.indirect.gather [spmem:s7], $0x1, s28, s3, $0xb8;
	[tilespmem:$0x1BAA0] =	vst v63  }
0x182: {  	s17 =	simm.s32 $0x122A0;
	s18 =	simm.s32 $0x162A0  }
0x183: {  	[tilespmem:s18], [sflag:$0x2] =	stream.indirect.gather [spmem:s7], $0x1, s17, s3, $0xb8;
	[tilespmem:$0x1BAA0] =	vst v63  }
0x184: {  	s23 =	simm.s32 $0x106A0;
	s26 =	simm.s32 $0x146A0  }
0x185: {  	[tilespmem:s26], [sflag:$0x2] =	stream.indirect.gather [spmem:s7], $0x1, s23, s3, $0xb8;
	[tilespmem:$0x1BAA0] =	vst v63  }
0x186: {  	s28 =	simm.s32 $0x126A0;
	s31 =	simm.s32 $0x166A0  }
0x187: {  	[tilespmem:s31], [sflag:$0x2] =	stream.indirect.gather [spmem:s7], $0x1, s28, s3, $0xb8;
	[tilespmem:$0x1BAA0] =	vst v63  }
.LBB2_13:
0x188: {  	p3 =	sgt.u32 s1, $0x7  }
.Ltmp11:
0x189: {  	_ = 	snop;
	(pc) =	sbr.rel @p3 .LBB2_18-.Ltmp11, $1  }
0x18a: {  	_ =	sdelay $0x3  }
0x18b: {  	_ =	swait.ge [sflag:s15], $0x1000  }
0x18c: {  	[sflag:s15] =	ssyncset.done $0x0  }
0x18d: {  	[sflag:s15] =	ssyncadd.s32 $0xFFFFF000  }
0x18e: {  	_ =	swait.ge [sflag:s15], $0x1000  }
0x18f: {  	[sflag:s15] =	ssyncset.done $0x0  }
0x190: {  	s1 =	simm.s32 $0xCAC0;
	[sflag:s15] =	ssyncadd.s32 $0xFFFFF000  }
0x191: {  	s17 =	simm.s32 $0x14AC0;
	v4 =	vld [tilespmem:s1+$0x10]  }
0x192: {  	s9 =	simm.s32 $0x16AC0;
	v5 =	vld [tilespmem:s17+$0x10]  }
0x193: {  	v6 =	vld [tilespmem:s9+$0x10]  }
0x194: {  	v7 =	vld [tilespmem:s1+$0xFFFFFFF0]  }
0x195: {  	v8 =	vld [tilespmem:s1+$0x0]  }
0x196: {  	v9 =	vld [tilespmem:s1+$0xFFFFFFE0]  }
0x197: {  	v11 =	vld [tilespmem:s17+$0xFFFFFFE0]  }
0x198: {  	v12 =	vld [tilespmem:s9+$0xFFFFFFE0]  }
0x199: {  	v13 =	vld [tilespmem:s17+$0x0]  }
0x19a: {  	s23 =	simm.s32 $0xCB00;
	v14 =	vld [tilespmem:s9+$0x0]  }
0x19b: {  	s13 =	simm.s32 $0x16B00;
	v16 =	vld [tilespmem:s23+$0x10]  }
0x19c: {  	s1 =	simm.s32 $0x14B00;
	v18 =	vld [tilespmem:s13+$0x10]  }
0x19d: {  	v17 =	vld [tilespmem:s1+$0x10];
	v10 =	vsub.f32 $1.000000000e+00, v4  }
0x19e: {  	v4 =	vmul.f32 v6, v4;
	v6 =	vld [tilespmem:s17+$0xFFFFFFF0]  }
0x19f: {  	v5 =	vmul.f32 v10, v5;
	v10 =	vld [tilespmem:s9+$0xFFFFFFF0]  }
0x1a0: {  	v19 =	vld [tilespmem:s23+$0xFFFFFFF0]  }
0x1a1: {  	v21 =	vld [tilespmem:s23+$0xFFFFFFE0];
	v22 =	vsub.f32 $1.000000000e+00, v16;
	v4 =	vadd.f32 v4, v5  }
0x1a2: {  	v20 =	vsub.f32 $1.000000000e+00, v9;
	v59 =	vsub.f32 $1.000000000e+00, v7;
	v9 =	vmul.f32 v12, v9;
	v12 =	vld [tilespmem:s1+$0xFFFFFFE0]  }
0x1a3: {  	s26 =	simm.s32 $0xEAC0;
	v60 =	vsub.f32 $1.000000000e+00, v8;
	v16 =	vmul.f32 v18, v16;
	v18 =	vld [tilespmem:s13+$0xFFFFFFE0];
	v17 =	vmul.f32 v22, v17;
	[tilespmem:s17+$0x10] =	vst v4  }
0x1a4: {  	v6 =	vmul.f32 v59, v6;
	v15 =	vld [tilespmem:s26+$0x10];
	v7 =	vmul.f32 v10, v7  }
0x1a5: {  	v11 =	vmul.f32 v20, v11;
	v13 =	vmul.f32 v60, v13;
	v5 =	vld [tilespmem:s23+$0x0]  }
0x1a6: {  	v16 =	vadd.f32 v16, v17;
	v10 =	vld [tilespmem:s1+$0xFFFFFFF0];
	v7 =	vadd.f32 v7, v6;
	v6 =	vmul.f32 v14, v8  }
0x1a7: {  	v61 =	vld [tilespmem:s13+$0xFFFFFFF0];
	v11 =	vadd.f32 v9, v11;
	v9 =	vmul.f32 $1.000000010e-01, v4  }
0x1a8: {  	v62 =	vld [tilespmem:s1+$0x0];
	[tilespmem:s1+$0x10] =	vst v16;
	v8 =	vsub.f32 $1.000000000e+00, v21;
	v17 =	vadd.f32 v6, v13  }
0x1a9: {  	s23 =	simm.s32 $0xEB00;
	v18 =	vmul.f32 v18, v21;
	[tilespmem:s17+$0xFFFFFFE0] =	vst v11;
	v14 =	vadd.f32 v9, v15;
	v15 =	vsub.f32 $1.000000000e+00, v19;
	v9 =	vld [tilespmem:s13+$0x0]  }
0x1aa: {  	v4 =	vmul.f32 $1.000000010e-01, v11;
	v11 =	vld [tilespmem:s23+$0x10];
	v12 =	vmul.f32 v8, v12;
	[tilespmem:s17+$0xFFFFFFF0] =	vst v7  }
0x1ab: {  	s9 =	simm.s32 $0x18AC0;
	v63 =	vsub.f32 $1.000000000e+00, v5;
	v6 =	vmul.f32 $1.000000010e-01, v7;
	[tilespmem:s17+$0x0] =	vst v17;
	v13 =	vmul.f32 v15, v10;
	v10 =	vld [tilespmem:s26+$0xFFFFFFE0]  }
0x1ac: {  	s18 =	simm.s32 $0x4;
	s31 =	simm.s32 $0xCB40;
	v8 =	vld [tilespmem:s26+$0xFFFFFFF0];
	v7 =	vmul.f32 $1.000000010e-01, v17;
	v17 =	vmul.f32 v61, v19;
	[tilespmem:s9+$0x10] =	vst v14;
	v14 =	vadd.f32 v18, v12  }
0x1ad: {  	s28 =	simm.s32 $0x18AC0;
	v16 =	vmul.f32 $1.000000010e-01, v16;
	s17 =	simm.s32 $0xEB00;
	v15 =	vmul.f32 v63, v62;
	v12 =	vld [tilespmem:s26+$0x0];
	s26 =	simm.s32 $0x14B00  }
.LBB2_15:
0x1ae: {  	v18 =	vld [tilespmem:s31+$0x10];
	s18 =	sadd.s32 $0x4, s18;
	[tilespmem:s1+$0xFFFFFFE0] =	vst v14;
	v14 =	vmul.f32 $1.000000010e-01, v14;
	v13 =	vadd.f32 v17, v13;
	v5 =	vmul.f32 v9, v5;
	s26 =	sadd.s32 $0x40, s26  }
0x1af: {  	s13 =	sadd.s32 $0x40, s13;
	v9 =	vld [tilespmem:s26+$0x10];
	p3 =	slt.u32 s18, $0xFC;
	v11 =	vadd.f32 v16, v11  }
0x1b0: {  	s9 =	sadd.s32 $0x40, s9;
	v16 =	vld [tilespmem:s13+$0x10];
	[tilespmem:s1+$0xFFFFFFF0] =	vst v13;
	v13 =	vmul.f32 $1.000000010e-01, v13;
	v15 =	vadd.f32 v5, v15;
	v10 =	vadd.f32 v4, v10;
	v4 =	vmovc v14  }
0x1b1: {  	v17 =	vld [tilespmem:s31+$0xFFFFFFF0];
	[tilespmem:s9+$0x10] =	vst v11;
	v8 =	vadd.f32 v6, v8  }
0x1b2: {  	v5 =	vld [tilespmem:s31+$0x0];
	[tilespmem:s1+$0x0] =	vst v15;
	v11 =	vadd.f32 v7, v12;
	v7 =	vmul.f32 $1.000000010e-01, v15;
	v6 =	vmov v13;
	s1 =	smov.u32 s26  }
0x1b3: {  	v12 =	vld [tilespmem:s31+$0xFFFFFFE0];
	v13 =	vsub.f32 $1.000000000e+00, v18;
	[tilespmem:s28+$0xFFFFFFE0] =	vst v10  }
0x1b4: {  	v10 =	vld [tilespmem:s26+$0xFFFFFFE0];
	[tilespmem:s28+$0xFFFFFFF0] =	vst v8  }
0x1b5: {  	v8 =	vld [tilespmem:s13+$0xFFFFFFE0];
	v9 =	vmul.f32 v13, v9;
	v13 =	vmul.f32 v16, v18;
	[tilespmem:s28+$0x0] =	vst v11;
	s28 =	smov.u32 s9  }
0x1b6: {  	v14 =	vld [tilespmem:s26+$0xFFFFFFF0];
	v15 =	vsub.f32 $1.000000000e+00, v17  }
0x1b7: {  	v16 =	vld [tilespmem:s13+$0xFFFFFFF0];
	v18 =	vsub.f32 $1.000000000e+00, v5;
	v19 =	vadd.f32 v13, v9  }
0x1b8: {  	v11 =	vsub.f32 $1.000000000e+00, v12;
	v20 =	vld [tilespmem:s26+$0x0]  }
.Ltmp12:
0x1b9: {  	s23 =	sadd.s32 $0x40, s23;
	v9 =	vld [tilespmem:s13+$0x0];
	[tilespmem:s26+$0x10] =	vst v19;
	(pc) =	sbr.rel @p3 .LBB2_15-.Ltmp12, $4  }
0x1ba: {  	v21 =	vmul.f32 v11, v10;
	v8 =	vmul.f32 v8, v12;
	v11 =	vld [tilespmem:s23+$0x10]  }
0x1bb: {  	v13 =	vmul.f32 v15, v14;
	v10 =	vld [tilespmem:s17+$0xFFFFFFE0]  }
0x1bc: {  	v14 =	vadd.f32 v8, v21;
	v17 =	vmul.f32 v16, v17;
	v8 =	vld [tilespmem:s17+$0xFFFFFFF0]  }
0x1bd: {  	s31 =	sadd.s32 $0x40, s31;
	v16 =	vmul.f32 $1.000000010e-01, v19;
	v15 =	vmul.f32 v18, v20;
	v12 =	vld [tilespmem:s17+$0x0];
	s17 =	smov.u32 s23  }
0x1be: {  	v5 =	vmul.f32 v9, v5  }
0x1bf: {  	v57 =	vadd.f32 v17, v13  }
0x1c0: {  	[tilespmem:s1+$0xFFFFFFE0] =	vst v14;
	v5 =	vadd.f32 v5, v15  }
0x1c1: {  	v58 =	vld [tilespmem:s17+$0xFFFFFFE0];
	[tilespmem:s1+$0xFFFFFFF0] =	vst v57  }
0x1c2: {  	v11 =	vadd.f32 v16, v11;
	v59 =	vld [tilespmem:s17+$0xFFFFFFF0];
	[tilespmem:s1+$0x0] =	vst v5  }
0x1c3: {  	s18 =	sadd.s32 $0x40, s9;
	v4 =	vadd.f32 v4, v10;
	v60 =	vld [tilespmem:s17+$0x0]  }
0x1c4: {  	v61 =	vmul.f32 $1.000000010e-01, v14;
	[tilespmem:s18+$0x10] =	vst v11;
	v6 =	vadd.f32 v6, v8  }
0x1c5: {  	v62 =	vmul.f32 $1.000000010e-01, v57;
	v7 =	vadd.f32 v7, v12;
	[tilespmem:s28+$0xFFFFFFE0] =	vst v4  }
0x1c6: {  	v4 =	vmul.f32 $1.000000010e-01, v5;
	[tilespmem:s28+$0xFFFFFFF0] =	vst v6;
	v5 =	vadd.f32 v61, v58  }
0x1c7: {  	[tilespmem:s28+$0x0] =	vst v7;
	v63 =	vadd.f32 v62, v59  }
0x1c8: {  	s23 =	sadd.s32 s20, s5;
	[tilespmem:s18+$0xFFFFFFE0] =	vst v5;
	v4 =	vadd.f32 v4, v60  }
.Ltmp13:
0x1c9: {  	s26 =	rddreg [dreg:$0x3];
	s9 =	sshrl.u32 s23, $0x3;
	[tilespmem:s18+$0xFFFFFFF0] =	vst v63;
	(pc) =	sbr.rel @p2 .LBB2_32-.Ltmp13, $4  }
0x1ca: {  	s1 =	sadd.s32 s26, s9;
	[tilespmem:s18+$0x0] =	vst v4  }
0x1cb: {  	[hbm4b:s1+s8] =	stream.linear.scatter [tilespmem:s10], [sflag:$0x5], $0x1000, $0x38;
	[tilespmem:$0x1BAA0] =	vst v63  }
0x1cc: {  	s31 =	simm.s32 $0x18AA0;
	s28 =	sadd.s32 s6, s9  }
0x1cd: {  	[hbm4b:s28+s8] =	stream.linear.scatter [tilespmem:s31], [sflag:$0x5], $0x1000, $0x38;
	[tilespmem:$0x1BAA0] =	vst v63  }
0x1ce: {  	s1 =	sld [smem:$0x7FD];
	_ =	sdelay $0x2  }
0x1cf: {  	s1 =	sadd.s32 s20, s1  }
0x1d0: {  	s9 =	rddreg [dreg:$0x2];
	s1 =	sshrl.u32 s1, $0x3  }
0x1d1: {  	s13 =	simm.s32 $0xCAA0;
	s28 =	rddreg [dreg:$0x1];
	s9 =	sadd.s32 s9, s1  }
0x1d2: {  	[tilespmem:s13], [sflag:$0x1] =	stream.linear.gather [hbm4b:s9+s8], $0x1000, $0x38;
	[tilespmem:$0x1BAA0] =	vst v63  }
0x1d3: {  	s31 =	simm.s32 $0xEAA0;
	s1 =	sadd.s32 s28, s1  }
0x1d4: {  	[tilespmem:s31], [sflag:$0x1] =	stream.linear.gather [hbm4b:s1+s8], $0x1000, $0x38;
	[tilespmem:$0x1BAA0] =	vst v63  }
.LBB2_18:
0x1d5: {  	s1 =	sadd.s32 $0x2, s2;
	p3 =	sgt.u32 s22, $0x2  }
0x1d6: {  	s9 =	sshll.u32 @!p3 s1, $0x10  }
0x1d7: {  	s31 =	sor.u32 $0x4, s22;
	s9 =	sadd.s32 @!p3 s9, s30  }
0x1d8: {  	s2 =	sor.u32 $0x1, s2;
	s13 =	simm.s32 @!p3 $0x0;
	s9 =	sshrl.u32 @!p3 s9, $0x3  }
0x1d9: {  	s17 =	simm.s32 @!p3 $0x19AA0;
	p5 =	seq.s32 s31, $0x4;
	s9 =	sadd.s32 @!p3 s0, s9  }
0x1da: {  	[tilespmem:s17], [sflag:$0x9] =	stream.linear.gather @!p3 [hbm4b:s9+s13], $0x1000, $0x38;
	[tilespmem:$0x1BAA0] =	vst v63  }
0x1db: {  	p4 =	seq.s32 s22, $0x0;
	s9 =	sshll.u32 @!p5 s2, $0x10  }
0x1dc: {  	p6 =	sgt.u32 @!p4 s2, $0x8;
	s13 =	simm.s32 @!p5 $0xA;
	s9 =	sand.u32 @!p5 $0x3FFF0000, s9  }
0x1dd: {  	p6 =	por p4, p6;
	_ =	swait.ge @!p5 [sflag:s13], $0x1000;
	s9 =	sadd.s32 @!p5 s9, s7  }
0x1de: {  	s17 =	simm.s32 @!p5 $0x1AAA0;
	[sflag:s13] =	ssyncset.done @!p5 $0x0;
	s9 =	sadd.s32 @!p5 s11, s9  }
.Ltmp14:
0x1df: {  	[sflag:s13] =	ssyncadd.s32 @!p5 $0xFFFFF000;
	s9 =	sadd.s32 @!p5 $0x3A990, s9;
	(pc) =	sbr.rel @p6 .LBB2_20-.Ltmp14, $4  }
0x1e0: {  	[spmem:s9] =	stream.linear.scatter @!p5 [tilespmem:s17], [sflag:$0xA], $0x1000, $0x38;
	[tilespmem:$0x1BAA0] =	vst v63  }
0x1e1: {  	_ =	swait.ge @!p5 [sflag:s13], $0x1000  }
0x1e2: {  	[sflag:s13] =	ssyncset.done @!p5 $0x0  }
0x1e3: {  	[sflag:s13] =	ssyncadd.s32 @!p5 $0xFFFFF000  }
0x1e4: {  	[bflag:$0x0] =	sbarrier.arrive $0xFFFF  }
.LBB2_21:
0x1e5: {  	_ =	swait.ge [sflag:s29], $0x1000  }
0x1e6: {  	[sflag:s29] =	ssyncset.done $0x0  }
0x1e7: {  	[sflag:s29] =	ssyncadd.s32 $0xFFFFF000  }
0x1e8: {  	_ =	swait.ge [sflag:s29], $0x1000  }
0x1e9: {  	[sflag:s29] =	ssyncset.done $0x0  }
0x1ea: {  	s9 =	simm.s32 $0x0;
	[sflag:s29] =	ssyncadd.s32 $0xFFFFF000  }
0x1eb: {  	v5 =	vld [tilespmem:s9+$0xCAA0];
	_ =	sdelay $0x1  }
0x1ec: {  	s13 =	sshll.u32 s2, $0x10  }
0x1ed: {  	s13 =	sadd.s32 s21, s13  }
0x1ee: {  	v4 =	vor.u32 s13, v2  }
0x1ef: {  	v4 =	vcvt.s32.f32 v4;
	v5 =	vmul.f32 $-4.800000000e+04, v5;
	_ =	sdelay $0x1  }
0x1f0: {  	v5 =	vadd.f32 v5, v4;
	_ =	sdelay $0x1  }
0x1f1: {  	v6 =	vadd.f32 $1.600000000e+06, v5  }
0x1f2: {  	vm0 =	vlt.f32 v5, $0.0e+00  }
0x1f3: {  	v5 =	vsel vm0, v6, v5  }
0x1f4: {  	v6 =	vtrunc.f32 v5  }
0x1f5: {  	v6 =	vcvt.f32.s32 v6;
	_ =	sdelay $0x1  }
0x1f6: {  	v7 =	vcvt.s32.f32 v6;
	vm0 =	vlt.s32 v6, $0x1869FF  }
0x1f7: {  	v8 =	vnsel vm0, $0x1869FF, v6  }
0x1f8: {  	s17 =	simm.s32 $0x40;
	s13 =	simm.s32 $0x80;
	v6 =	vsub.f32 v5, v7;
	v5 =	vsub.s32 v8, v0;
	vm0 =	vlt.s32 v8, v1  }
.LBB2_22:
0x1f9: {  	p2 =	sne.s32 s13, $0x3FC0;
	v7 =	vsel vm0, $0x186A00, v3  }
0x1fa: {  	s18 =	sshra.s32 s17, $0x2;
	s17 =	smov.u32 s13;
	v5 =	vadd.s32 v5, v7;
	[tilespmem:s9+$0xCAA0] =	vst v6  }
0x1fb: {  	v6 =	vld [tilespmem:s18+$0xCAA0];
	[tilespmem:s9+$0x10AA0] =	vst v5;
	v5 =	vadd.s32 $0x1, v5  }
0x1fc: {  	[tilespmem:s9+$0x12AA0] =	vst v5;
	s9 =	smov.u32 s18;
	_ =	sdelay $0x3  }
0x1fd: {  	v4 =	vadd.f32 $1.600000000e+01, v4;
	v5 =	vmul.f32 $-4.800000000e+04, v6;
	_ =	sdelay $0x1  }
0x1fe: {  	v5 =	vadd.f32 v5, v4;
	_ =	sdelay $0x1  }
0x1ff: {  	v6 =	vadd.f32 $1.600000000e+06, v5  }
0x200: {  	vm0 =	vlt.f32 v5, $0.0e+00  }
0x201: {  	v5 =	vsel vm0, v6, v5  }
0x202: {  	v6 =	vtrunc.f32 v5  }
.Ltmp15:
0x203: {  	v6 =	vcvt.f32.s32 v6;
	(pc) =	sbr.rel @p2 .LBB2_22-.Ltmp15, $4  }
0x204: {  	_ = 	snop  }
0x205: {  	v7 =	vcvt.s32.f32 v6;
	vm0 =	vlt.s32 v6, $0x1869FF  }
0x206: {  	v8 =	vnsel vm0, $0x1869FF, v6  }
0x207: {  	s13 =	sadd.s32 $0x40, s13;
	v6 =	vsub.f32 v5, v7;
	v5 =	vsub.s32 v8, v0;
	vm0 =	vlt.s32 v8, v1  }
0x208: {  	_ = 	snop  }
0x209: {  	s13 =	sshra.s32 s17, $0x2;
	[tilespmem:s9+$0xCAA0] =	vst v6  }
0x20a: {  	v6 =	vld [tilespmem:s13+$0xCAA0];
	_ =	sdelay $0x4  }
0x20b: {  	v4 =	vadd.f32 $1.600000000e+01, v4;
	v6 =	vmul.f32 $-4.800000000e+04, v6;
	_ =	sdelay $0x1  }
0x20c: {  	v4 =	vadd.f32 v6, v4;
	_ =	sdelay $0x1  }
0x20d: {  	v6 =	vadd.f32 $1.600000000e+06, v4  }
0x20e: {  	vm1 =	vlt.f32 v4, $0.0e+00  }
0x20f: {  	v4 =	vsel vm1, v6, v4  }
0x210: {  	v6 =	vtrunc.f32 v4  }
0x211: {  	v6 =	vcvt.f32.s32 v6;
	_ =	sdelay $0x1  }
0x212: {  	v7 =	vsel vm0, $0x186A00, v3;
	v8 =	vcvt.s32.f32 v6;
	vm15 =	vlt.s32 v6, $0x1869FF  }
0x213: {  	v5 =	vadd.s32 v5, v7;
	v6 =	vnsel vm15, $0x1869FF, v6  }
0x214: {  	[tilespmem:s9+$0x10AA0] =	vst v5;
	v5 =	vadd.s32 $0x1, v5;
	v4 =	vsub.f32 v4, v8;
	vm0 =	vlt.s32 v6, v1  }
0x215: {  	[tilespmem:s9+$0x12AA0] =	vst v5;
	v5 =	vsub.s32 v6, v0;
	v63 =	vsel vm0, $0x186A00, v3  }
0x216: {  	v5 =	vadd.s32 v5, v63;
	[tilespmem:s13+$0xCAA0] =	vst v4  }
0x217: {  	[tilespmem:s13+$0x10AA0] =	vst v5;
	v4 =	vadd.s32 $0x1, v5  }
0x218: {  	s9 =	simm.s32 @!p4 $0x5;
	[tilespmem:s13+$0x12AA0] =	vst v4  }
0x219: {  	_ =	swait.ge @!p4 [sflag:s9], $0x1000  }
0x21a: {  	[sflag:s9] =	ssyncset.done @!p4 $0x0  }
0x21b: {  	[sflag:s9] =	ssyncadd.s32 @!p4 $0xFFFFF000  }
0x21c: {  	_ =	swait.ge @!p4 [sflag:s9], $0x1000  }
0x21d: {  	[sflag:s9] =	ssyncset.done @!p4 $0x0  }
0x21e: {  	s26 =	simm.s32 $0x10AA0;
	[sflag:s9] =	ssyncadd.s32 @!p4 $0xFFFFF000  }
0x21f: {  	[tilespmem:s10], [sflag:$0x3] =	stream.indirect.gather [spmem:s7], $0x1, s26, s3, $0xb8;
	[tilespmem:$0x1BAA0] =	vst v63  }
0x220: {  	s28 =	simm.s32 $0x12AA0;
	s31 =	simm.s32 $0x16AA0  }
0x221: {  	[tilespmem:s31], [sflag:$0x3] =	stream.indirect.gather [spmem:s7], $0x1, s28, s3, $0xb8;
	[tilespmem:$0x1BAA0] =	vst v63  }
0x222: {  	s17 =	simm.s32 $0x10EA0;
	s18 =	simm.s32 $0x14EA0  }
0x223: {  	[tilespmem:s18], [sflag:$0x3] =	stream.indirect.gather [spmem:s7], $0x1, s17, s3, $0xb8;
	[tilespmem:$0x1BAA0] =	vst v63  }
0x224: {  	s23 =	simm.s32 $0x12EA0;
	s26 =	simm.s32 $0x16EA0  }
0x225: {  	[tilespmem:s26], [sflag:$0x3] =	stream.indirect.gather [spmem:s7], $0x1, s23, s3, $0xb8;
	[tilespmem:$0x1BAA0] =	vst v63  }
0x226: {  	s28 =	simm.s32 $0x112A0;
	s31 =	simm.s32 $0x152A0  }
0x227: {  	[tilespmem:s31], [sflag:$0x3] =	stream.indirect.gather [spmem:s7], $0x1, s28, s3, $0xb8;
	[tilespmem:$0x1BAA0] =	vst v63  }
0x228: {  	p2 =	slt.u32 s2, $0x9;
	s17 =	simm.s32 $0x132A0;
	s18 =	simm.s32 $0x172A0  }
0x229: {  	[tilespmem:s18], [sflag:$0x3] =	stream.indirect.gather [spmem:s7], $0x1, s17, s3, $0xb8;
	[tilespmem:$0x1BAA0] =	vst v63  }
.Ltmp16:
0x22a: {  	_ = 	snop;
	(pc) =	sbr.rel @p2 .LBB2_26-.Ltmp16, $4  }
0x22b: {  	s23 =	simm.s32 $0x116A0;
	s26 =	simm.s32 $0x156A0  }
0x22c: {  	[tilespmem:s26], [sflag:$0x3] =	stream.indirect.gather [spmem:s7], $0x1, s23, s3, $0xb8;
	[tilespmem:$0x1BAA0] =	vst v63  }
0x22d: {  	s28 =	simm.s32 $0x136A0;
	s31 =	simm.s32 $0x176A0  }
0x22e: {  	[tilespmem:s31], [sflag:$0x3] =	stream.indirect.gather [spmem:s7], $0x1, s28, s3, $0xb8;
	[tilespmem:$0x1BAA0] =	vst v63  }
.Ltmp17:
0x22f: {  	(pc) =	sbr.rel @p3 .LBB2_31-.Ltmp17, $4  }
.Ltmp18:
0x230: {  	(pc) =	sbr.rel @!p3 .LBB2_30-.Ltmp18, $4  }
0x231: {  	_ = 	snop  }
0x232: {  	_ = 	snop  }
0x233: {  	_ = 	snop  }
0x234: {  	_ = 	snop  }
.LBB2_20:
.Ltmp19:
0x235: {  	(pc) =	sbr.rel @!p2 .LBB2_21-.Ltmp19, $1  }
0x236: {  	_ =	sdelay $0x3  }
0x237: {  	p2 =	sgt.u32 s2, $0x8  }
.Ltmp20:
0x238: {  	_ = 	snop;
	(pc) =	sbr.rel @p2 .LBB2_32-.Ltmp20, $1  }
0x239: {  	_ =	sdelay $0x3  }
.LBB2_26:
0x23a: {  	_ =	swait.ge [sflag:s19], $0x1000  }
0x23b: {  	[sflag:s19] =	ssyncset.done $0x0  }
0x23c: {  	[sflag:s19] =	ssyncadd.s32 $0xFFFFF000  }
0x23d: {  	_ =	swait.ge [sflag:s19], $0x1000  }
0x23e: {  	[sflag:s19] =	ssyncset.done $0x0  }
0x23f: {  	s2 =	simm.s32 $0xBAC0;
	[sflag:s19] =	ssyncadd.s32 $0xFFFFF000  }
0x240: {  	s17 =	simm.s32 $0x13AC0;
	v4 =	vld [tilespmem:s2+$0x10]  }
0x241: {  	s9 =	simm.s32 $0x15AC0;
	v5 =	vld [tilespmem:s17+$0x10]  }
0x242: {  	v6 =	vld [tilespmem:s9+$0x10]  }
0x243: {  	v7 =	vld [tilespmem:s2+$0xFFFFFFF0]  }
0x244: {  	v8 =	vld [tilespmem:s2+$0x0]  }
0x245: {  	v9 =	vld [tilespmem:s2+$0xFFFFFFE0]  }
0x246: {  	v11 =	vld [tilespmem:s17+$0xFFFFFFE0]  }
0x247: {  	v12 =	vld [tilespmem:s9+$0xFFFFFFE0]  }
0x248: {  	v13 =	vld [tilespmem:s17+$0x0]  }
0x249: {  	s23 =	simm.s32 $0xBB00;
	v14 =	vld [tilespmem:s9+$0x0]  }
0x24a: {  	s13 =	simm.s32 $0x15B00;
	v16 =	vld [tilespmem:s23+$0x10]  }
0x24b: {  	s2 =	simm.s32 $0x13B00;
	v18 =	vld [tilespmem:s13+$0x10]  }
0x24c: {  	v17 =	vld [tilespmem:s2+$0x10];
	v10 =	vsub.f32 $1.000000000e+00, v4  }
0x24d: {  	v4 =	vmul.f32 v6, v4;
	v6 =	vld [tilespmem:s17+$0xFFFFFFF0]  }
0x24e: {  	v5 =	vmul.f32 v10, v5;
	v10 =	vld [tilespmem:s9+$0xFFFFFFF0]  }
0x24f: {  	v19 =	vld [tilespmem:s23+$0xFFFFFFF0]  }
0x250: {  	v21 =	vld [tilespmem:s23+$0xFFFFFFE0];
	v22 =	vsub.f32 $1.000000000e+00, v16;
	v4 =	vadd.f32 v4, v5  }
0x251: {  	v20 =	vsub.f32 $1.000000000e+00, v9;
	v59 =	vsub.f32 $1.000000000e+00, v7;
	v9 =	vmul.f32 v12, v9;
	v12 =	vld [tilespmem:s2+$0xFFFFFFE0]  }
0x252: {  	s26 =	simm.s32 $0xDAC0;
	v60 =	vsub.f32 $1.000000000e+00, v8;
	v16 =	vmul.f32 v18, v16;
	v18 =	vld [tilespmem:s13+$0xFFFFFFE0];
	v17 =	vmul.f32 v22, v17;
	[tilespmem:s17+$0x10] =	vst v4  }
0x253: {  	v6 =	vmul.f32 v59, v6;
	v15 =	vld [tilespmem:s26+$0x10];
	v7 =	vmul.f32 v10, v7  }
0x254: {  	v11 =	vmul.f32 v20, v11;
	v13 =	vmul.f32 v60, v13;
	v5 =	vld [tilespmem:s23+$0x0]  }
0x255: {  	v16 =	vadd.f32 v16, v17;
	v10 =	vld [tilespmem:s2+$0xFFFFFFF0];
	v7 =	vadd.f32 v7, v6;
	v6 =	vmul.f32 v14, v8  }
0x256: {  	v61 =	vld [tilespmem:s13+$0xFFFFFFF0];
	v11 =	vadd.f32 v9, v11;
	v9 =	vmul.f32 $1.000000010e-01, v4  }
0x257: {  	v62 =	vld [tilespmem:s2+$0x0];
	[tilespmem:s2+$0x10] =	vst v16;
	v8 =	vsub.f32 $1.000000000e+00, v21;
	v17 =	vadd.f32 v6, v13  }
0x258: {  	s23 =	simm.s32 $0xDB00;
	v18 =	vmul.f32 v18, v21;
	[tilespmem:s17+$0xFFFFFFE0] =	vst v11;
	v14 =	vadd.f32 v9, v15;
	v15 =	vsub.f32 $1.000000000e+00, v19;
	v9 =	vld [tilespmem:s13+$0x0]  }
0x259: {  	v4 =	vmul.f32 $1.000000010e-01, v11;
	v11 =	vld [tilespmem:s23+$0x10];
	v12 =	vmul.f32 v8, v12;
	[tilespmem:s17+$0xFFFFFFF0] =	vst v7  }
0x25a: {  	s9 =	simm.s32 $0x17AC0;
	v63 =	vsub.f32 $1.000000000e+00, v5;
	v6 =	vmul.f32 $1.000000010e-01, v7;
	[tilespmem:s17+$0x0] =	vst v17;
	v13 =	vmul.f32 v15, v10;
	v10 =	vld [tilespmem:s26+$0xFFFFFFE0]  }
0x25b: {  	s18 =	simm.s32 $0x4;
	s31 =	simm.s32 $0xBB40;
	v8 =	vld [tilespmem:s26+$0xFFFFFFF0];
	v7 =	vmul.f32 $1.000000010e-01, v17;
	v17 =	vmul.f32 v61, v19;
	[tilespmem:s9+$0x10] =	vst v14;
	v14 =	vadd.f32 v18, v12  }
0x25c: {  	s28 =	simm.s32 $0x17AC0;
	v16 =	vmul.f32 $1.000000010e-01, v16;
	s17 =	simm.s32 $0xDB00;
	v15 =	vmul.f32 v63, v62;
	v12 =	vld [tilespmem:s26+$0x0];
	s26 =	simm.s32 $0x13B00  }
.LBB2_27:
0x25d: {  	v18 =	vld [tilespmem:s31+$0x10];
	s18 =	sadd.s32 $0x4, s18;
	[tilespmem:s2+$0xFFFFFFE0] =	vst v14;
	v14 =	vmul.f32 $1.000000010e-01, v14;
	v13 =	vadd.f32 v17, v13;
	v5 =	vmul.f32 v9, v5;
	s26 =	sadd.s32 $0x40, s26  }
0x25e: {  	s13 =	sadd.s32 $0x40, s13;
	v9 =	vld [tilespmem:s26+$0x10];
	p2 =	slt.u32 s18, $0xFC;
	v11 =	vadd.f32 v16, v11  }
0x25f: {  	s9 =	sadd.s32 $0x40, s9;
	v16 =	vld [tilespmem:s13+$0x10];
	[tilespmem:s2+$0xFFFFFFF0] =	vst v13;
	v13 =	vmul.f32 $1.000000010e-01, v13;
	v15 =	vadd.f32 v5, v15;
	v10 =	vadd.f32 v4, v10;
	v4 =	vmovc v14  }
0x260: {  	v17 =	vld [tilespmem:s31+$0xFFFFFFF0];
	[tilespmem:s9+$0x10] =	vst v11;
	v8 =	vadd.f32 v6, v8  }
0x261: {  	v5 =	vld [tilespmem:s31+$0x0];
	[tilespmem:s2+$0x0] =	vst v15;
	v11 =	vadd.f32 v7, v12;
	v7 =	vmul.f32 $1.000000010e-01, v15;
	v6 =	vmov v13;
	s2 =	smov.u32 s26  }
0x262: {  	v12 =	vld [tilespmem:s31+$0xFFFFFFE0];
	v13 =	vsub.f32 $1.000000000e+00, v18;
	[tilespmem:s28+$0xFFFFFFE0] =	vst v10  }
0x263: {  	v10 =	vld [tilespmem:s26+$0xFFFFFFE0];
	[tilespmem:s28+$0xFFFFFFF0] =	vst v8  }
0x264: {  	v8 =	vld [tilespmem:s13+$0xFFFFFFE0];
	v9 =	vmul.f32 v13, v9;
	v13 =	vmul.f32 v16, v18;
	[tilespmem:s28+$0x0] =	vst v11;
	s28 =	smov.u32 s9  }
0x265: {  	v14 =	vld [tilespmem:s26+$0xFFFFFFF0];
	v15 =	vsub.f32 $1.000000000e+00, v17  }
0x266: {  	v16 =	vld [tilespmem:s13+$0xFFFFFFF0];
	v18 =	vsub.f32 $1.000000000e+00, v5;
	v19 =	vadd.f32 v13, v9  }
0x267: {  	v11 =	vsub.f32 $1.000000000e+00, v12;
	v20 =	vld [tilespmem:s26+$0x0]  }
.Ltmp21:
0x268: {  	s23 =	sadd.s32 $0x40, s23;
	v9 =	vld [tilespmem:s13+$0x0];
	[tilespmem:s26+$0x10] =	vst v19;
	(pc) =	sbr.rel @p2 .LBB2_27-.Ltmp21, $4  }
0x269: {  	v21 =	vmul.f32 v11, v10;
	v8 =	vmul.f32 v8, v12;
	v11 =	vld [tilespmem:s23+$0x10]  }
0x26a: {  	v13 =	vmul.f32 v15, v14;
	v10 =	vld [tilespmem:s17+$0xFFFFFFE0]  }
0x26b: {  	v14 =	vadd.f32 v8, v21;
	v17 =	vmul.f32 v16, v17;
	v8 =	vld [tilespmem:s17+$0xFFFFFFF0]  }
0x26c: {  	s31 =	sadd.s32 $0x40, s31;
	v16 =	vmul.f32 $1.000000010e-01, v19;
	v15 =	vmul.f32 v18, v20;
	v12 =	vld [tilespmem:s17+$0x0];
	s17 =	smov.u32 s23  }
0x26d: {  	v5 =	vmul.f32 v9, v5  }
0x26e: {  	v57 =	vadd.f32 v17, v13  }
0x26f: {  	[tilespmem:s2+$0xFFFFFFE0] =	vst v14;
	v5 =	vadd.f32 v5, v15  }
0x270: {  	v58 =	vld [tilespmem:s17+$0xFFFFFFE0];
	[tilespmem:s2+$0xFFFFFFF0] =	vst v57  }
0x271: {  	v11 =	vadd.f32 v16, v11;
	v59 =	vld [tilespmem:s17+$0xFFFFFFF0];
	[tilespmem:s2+$0x0] =	vst v5  }
0x272: {  	s23 =	sadd.s32 $0x40, s9;
	v4 =	vadd.f32 v4, v10;
	v60 =	vld [tilespmem:s17+$0x0]  }
0x273: {  	v61 =	vmul.f32 $1.000000010e-01, v14;
	[tilespmem:s23+$0x10] =	vst v11;
	v6 =	vadd.f32 v6, v8  }
0x274: {  	v62 =	vmul.f32 $1.000000010e-01, v57;
	v7 =	vadd.f32 v7, v12;
	[tilespmem:s28+$0xFFFFFFE0] =	vst v4  }
0x275: {  	v4 =	vmul.f32 $1.000000010e-01, v5;
	[tilespmem:s28+$0xFFFFFFF0] =	vst v6;
	v5 =	vadd.f32 v61, v58  }
0x276: {  	[tilespmem:s28+$0x0] =	vst v7;
	v63 =	vadd.f32 v62, v59  }
0x277: {  	[tilespmem:s23+$0xFFFFFFE0] =	vst v5;
	v4 =	vadd.f32 v4, v60  }
.Ltmp22:
0x278: {  	s24 =	sshrl.u32 s24, $0x3;
	s26 =	rddreg [dreg:$0x3];
	[tilespmem:s23+$0xFFFFFFF0] =	vst v63;
	(pc) =	sbr.rel @p3 .LBB2_31-.Ltmp22, $4  }
0x279: {  	s2 =	sadd.s32 s26, s24;
	[tilespmem:s23+$0x0] =	vst v4  }
0x27a: {  	[hbm4b:s2+s8] =	stream.linear.scatter [tilespmem:s12], [sflag:$0x4], $0x1000, $0x38;
	[tilespmem:$0x1BAA0] =	vst v63  }
0x27b: {  	s31 =	simm.s32 $0x17AA0;
	s28 =	sadd.s32 s6, s24  }
0x27c: {  	[hbm4b:s28+s8] =	stream.linear.scatter [tilespmem:s31], [sflag:$0x4], $0x1000, $0x38;
	[tilespmem:$0x1BAA0] =	vst v63  }
0x27d: {  	s2 =	sshll.u32 s1, $0x10  }
0x27e: {  	s2 =	sadd.s32 s21, s2  }
.Ltmp23:
0x27f: {  	s9 =	rddreg [dreg:$0x2];
	s2 =	sshrl.u32 s2, $0x3;
	(pc) =	sbr.rel .LBB2_30-.Ltmp23, $4  }
0x280: {  	s13 =	simm.s32 $0xBAA0;
	s28 =	rddreg [dreg:$0x1];
	s9 =	sadd.s32 s9, s2  }
0x281: {  	[tilespmem:s13], [sflag:$0x1] =	stream.linear.gather [hbm4b:s9+s8], $0x1000, $0x38;
	[tilespmem:$0x1BAA0] =	vst v63  }
0x282: {  	s31 =	simm.s32 $0xDAA0;
	s2 =	sadd.s32 s28, s2  }
0x283: {  	[tilespmem:s31], [sflag:$0x1] =	stream.linear.gather [hbm4b:s2+s8], $0x1000, $0x38;
	[tilespmem:$0x1BAA0] =	vst v63  }
.LBB2_33:
0x284: {  	_ =	sfence.sel $0x180000  }
0x285: {  	[bflag:$0x0] =	sbarrier.arrive $0xFFFF  }
0x286: {  	_ =	strace $0x90000047  }
0x287: {  	s0 =	stileid.u32;
	[bflag:$0x2] =	sbarrier.arrive $0xFFFF  }
0x288: {  	p0 =	sne.s32 s0, $0x0;
	s0 =	rddreg [dreg:$0x6]  }
0x289: {  	s0 =	sadd.s32 @!p0 $0x100000, s0  }
0x28a: {  	[sflag:s0] =	ssyncadd.tile.s32 @!p0 $0x1;
	_ =	shalt  }
.Lfunc_end2:
_tile_overlayer_lowered:
.L_overlay_start_2:
0x28b: {  	(tag) =	ssettag $0x2  }
0x28c: {  	s0 =	rddreg [dreg:$0x0];
	s2 =	stileid.u32  }
0x28d: {  	s1 =	rddreg [dreg:$0x1];
	p0 =	sne.s32 s2, $0x0  }
0x28e: {  	s3 =	rddreg [dreg:$0x2];
	[bflag:$0x3] =	sbarrier.arrive $0xFFFF;
	s2 =	simm.s32 @!p0 $0x1C0B  }
0x28f: {  	[timem:s3], [sflag:s2] =	dma.local @!p0 [hbm:s0], s1  }
0x290: {  	s0 =	simm.s32 @!p0 $0xB  }
0x291: {  	_ =	swait.ge @!p0 [sflag:s0], s1  }
0x292: {  	s1 =	ssub.s32 @!p0 $0x0, s1;
	[sflag:s0] =	ssyncset.done @!p0 $0x0  }
0x293: {  	[sflag:s0] =	ssyncadd.s32 @!p0 s1  }
0x294: {  	[bflag:$0x3] =	sbarrier.arrive $0xFFFF  }
0x295: {  	_ =	shalt  }

</sc_bundles>
